<compile_context>
chip_gen: v7x
topology: tpu7x:2x2x1
jax: 0.10.2.dev20260603
libtpu: 0.0.44.dev20260713+nightly
codegen_flags: <defaults>
</compile_context>

<pallas_src>
import functools
import math

import jax
import jax.numpy as jnp
from jax import lax
from jax.experimental import pallas as pl
from jax.experimental.pallas import tpu as pltpu
import jax.experimental.pallas.tpu_sc as plsc

H = 128
NC = 2
NS = 16
NW = NC * NS
CHUNK = 32
NBUF = 6


@functools.partial(jax.jit, static_argnames=("n_nodes", "ept_rows", "acc_rows"))
def _sc_segment_sum(m, src2, dst2, *, n_nodes, ept_rows, acc_rows):
    zrows_per_tile = acc_rows // NS
    orows = (n_nodes // NS) // 8 * 8
    otail = n_nodes - orows * NS
    nchunks = ept_rows * (128 // CHUNK)
    ngroups = nchunks // NBUF
    nrem = nchunks - ngroups * NBUF
    mesh = plsc.VectorSubcoreMesh(core_axis_name="c", subcore_axis_name="s",
                                  num_cores=NC, num_subcores=NS)

    @functools.partial(
        pl.kernel,
        out_type=jax.ShapeDtypeStruct((NC, n_nodes, H), jnp.float32),
        mesh=mesh,
        scratch_types=(
            [
                pltpu.VMEM((ept_rows, 128), jnp.int32),
                pltpu.VMEM((ept_rows, 128), jnp.int32),
                pltpu.VMEM((NBUF, CHUNK, H), jnp.float32),
                pltpu.VMEM((8, H), jnp.float32),
                pltpu.VMEM_SHARED((acc_rows, H), jnp.float32),
            ]
            + [pltpu.VMEM((CHUNK,), jnp.int32) for _ in range(NBUF)]
            + [pltpu.SemaphoreType.DMA] * (2 * NBUF)
        ),
    )
    def body(m_hbm, src_hbm, dst_hbm, out_hbm, src_v, dst_v, rows_v, zero_v,
             acc, *rest):
        dcur = rest[:NBUF]
        gsems = rest[NBUF:2 * NBUF]
        ssems = rest[2 * NBUF:]
        c = lax.axis_index("c")
        s = lax.axis_index("s")
        wid = s * NC + c

        cpr = 128 // CHUNK

        def src_idx(t):
            return src_v.at[t // cpr, pl.ds((t % cpr) * CHUNK, CHUNK)]

        def load_dst(t, b):
            row = t // cpr
            off = (t % cpr) * CHUNK
            for j in range(CHUNK // 16):
                dcur[b][pl.ds(j * 16, 16)] = dst_v[row, pl.ds(off + j * 16, 16)]

        pltpu.sync_copy(src_hbm.at[pl.ds(wid * ept_rows, ept_rows)], src_v)
        pltpu.sync_copy(dst_hbm.at[pl.ds(wid * ept_rows, ept_rows)], dst_v)

        for b in range(NBUF):
            pltpu.async_copy(m_hbm.at[src_idx(b)], rows_v.at[b], gsems[b])

        for i in range(8):
            for j in range(H // 16):
                zero_v[i, pl.ds(j * 16, 16)] = jnp.zeros((16,), jnp.float32)

        def zbody(i, carry):
            pltpu.sync_copy(zero_v, acc.at[pl.ds(s * zrows_per_tile + i * 8, 8)])
            return carry

        lax.fori_loop(0, zrows_per_tile // 8, zbody, 0)

        plsc.subcore_barrier()

        def gbody(g, carry):
            t0 = g * NBUF
            for b in range(NBUF):
                load_dst(t0 + b, b)
                pltpu.make_async_copy(
                    m_hbm.at[src_idx(t0 + b)], rows_v.at[b], gsems[b]).wait()
                pltpu.async_copy(
                    rows_v.at[b], acc.at[dcur[b]], ssems[b], add=True)
            for b in range(NBUF):
                @pl.when(g < ngroups - 1)
                def _():
                    pltpu.make_async_copy(
                        rows_v.at[b], acc.at[dcur[b]], ssems[b]).wait()
                    pltpu.async_copy(
                        m_hbm.at[src_idx(t0 + NBUF + b)], rows_v.at[b],
                        gsems[b])
            return carry

        lax.fori_loop(0, ngroups, gbody, 0)

        for b in range(NBUF):
            pltpu.make_async_copy(
                rows_v.at[b], acc.at[dcur[b]], ssems[b]).wait()

        for r in range(nrem):
            t = ngroups * NBUF + r
            load_dst(t, 0)
            pltpu.async_copy(m_hbm.at[src_idx(t)], rows_v.at[0],
                             gsems[0]).wait()
            pltpu.async_copy(rows_v.at[0], acc.at[dcur[0]], ssems[0],
                             add=True).wait()

        plsc.subcore_barrier()

        pltpu.sync_copy(
            acc.at[pl.ds(s * orows, orows)],
            out_hbm.at[c, pl.ds(s * orows, orows)],
        )
        if otail:
            @pl.when(s == NS - 1)
            def _():
                pltpu.sync_copy(
                    acc.at[pl.ds(NS * orows, otail)],
                    out_hbm.at[c, pl.ds(NS * orows, otail)],
                )

    return body(m, src2, dst2)


def _mm2_body(x_ref, w1_ref, w2_ref, h_ref, m_ref):
    h = jnp.dot(x_ref[...], w1_ref[...], preferred_element_type=jnp.float32)
    h_ref[...] = h
    m_ref[...] = jnp.dot(h, w2_ref[...], preferred_element_type=jnp.float32)


def _input_transform(x, w_in, w_c0, br):
    r = x.shape[0]
    return pl.pallas_call(
        _mm2_body,
        grid=(r // br,),
        in_specs=[
            pl.BlockSpec((br, H), lambda i: (i, 0)),
            pl.BlockSpec((H, H), lambda i: (0, 0)),
            pl.BlockSpec((H, H), lambda i: (0, 0)),
        ],
        out_specs=[
            pl.BlockSpec((br, H), lambda i: (i, 0)),
            pl.BlockSpec((br, H), lambda i: (i, 0)),
        ],
        out_shape=[
            jax.ShapeDtypeStruct((r, H), jnp.float32),
            jax.ShapeDtypeStruct((r, H), jnp.float32),
        ],
    )(x, w_in, w_c0)


def _gru_body(p0_ref, p1_ref, h_ref, wih_ref, whh_ref, bih_ref, bhh_ref, wn_ref,
              hn_ref, mn_ref):
    agg = p0_ref[...] + p1_ref[...]
    h = h_ref[...]
    gi = jnp.dot(agg, wih_ref[...], preferred_element_type=jnp.float32) + bih_ref[0:1, :]
    gh = jnp.dot(h, whh_ref[...], preferred_element_type=jnp.float32) + bhh_ref[0:1, :]
    r = jax.nn.sigmoid(gi[:, :H] + gh[:, :H])
    z = jax.nn.sigmoid(gi[:, H:2 * H] + gh[:, H:2 * H])
    n = jnp.tanh(gi[:, 2 * H:] + r * gh[:, 2 * H:])
    hn = (1.0 - z) * n + z * h
    hn_ref[...] = hn
    mn_ref[...] = jnp.dot(hn, wn_ref[...], preferred_element_type=jnp.float32)


def _gru_step(p0, p1, h, wih_t, whh_t, bih, bhh, wn, br):
    r = h.shape[0]
    k = wn.shape[1]
    return pl.pallas_call(
        _gru_body,
        grid=(r // br,),
        in_specs=[
            pl.BlockSpec((br, H), lambda i: (i, 0)),
            pl.BlockSpec((br, H), lambda i: (i, 0)),
            pl.BlockSpec((br, H), lambda i: (i, 0)),
            pl.BlockSpec((H, 3 * H), lambda i: (0, 0)),
            pl.BlockSpec((H, 3 * H), lambda i: (0, 0)),
            pl.BlockSpec((8, 3 * H), lambda i: (0, 0)),
            pl.BlockSpec((8, 3 * H), lambda i: (0, 0)),
            pl.BlockSpec((H, k), lambda i: (0, 0)),
        ],
        out_specs=[
            pl.BlockSpec((br, H), lambda i: (i, 0)),
            pl.BlockSpec((br, k), lambda i: (i, 0)),
        ],
        out_shape=[
            jax.ShapeDtypeStruct((r, H), jnp.float32),
            jax.ShapeDtypeStruct((r, k), jnp.float32),
        ],
    )(p0, p1, h, wih_t, whh_t, bih, bhh, wn)


def kernel(x, edge_index, weight_in, weight_out, conv_weight, gru_w_ih, gru_w_hh,
           gru_b_ih, gru_b_hh):
    n_nodes = x.shape[0]
    layers = conv_weight.shape[0]
    e = edge_index.shape[1]

    src = edge_index[0].astype(jnp.int32)
    dst = edge_index[1].astype(jnp.int32)

    gran = NW * 128 * 8
    pad = (-e) % gran
    if pad:
        src = jnp.concatenate([src, jnp.zeros((pad,), jnp.int32)])
        dst = jnp.concatenate([dst, jnp.full((pad,), n_nodes, jnp.int32)])
    ept_rows = (e + pad) // (NW * 128)
    src2 = src.reshape(-1, 128)
    dst2 = dst.reshape(-1, 128)

    acc_rows = -((-(n_nodes + 1)) // (NS * 8)) * (NS * 8)

    wih_t = gru_w_ih.T
    whh_t = gru_w_hh.T
    bih = jnp.broadcast_to(gru_b_ih[None, :], (8, 3 * H))
    bhh = jnp.broadcast_to(gru_b_hh[None, :], (8, 3 * H))

    br = 1000 if n_nodes % 1000 == 0 else n_nodes

    h, m = _input_transform(x, weight_in, conv_weight[0], br)
    for i in range(layers):
        parts = _sc_segment_sum(m, src2, dst2, n_nodes=n_nodes,
                                ept_rows=ept_rows, acc_rows=acc_rows)
        wn = conv_weight[i + 1] if i + 1 < layers else weight_out
        h, m = _gru_step(parts[0], parts[1], h, wih_t, whh_t, bih, bhh, wn, br)
    return m

# --- scband reference (transcript-rebuilt; emitter-appended) ---
"""Pipeline reference for scband-ggnn-16295105921633 (READ-ONLY COPY).

The authoritative reference and input builder live on the scoring server;
editing this copy changes nothing except your own understanding.
"""

import jax, jax.numpy as jnp
import numpy as np

LAYERS = 3
N_FEATURES = 128
N_CLASSES = 64
HIDDEN = 128
N_NODES = 10000
N_EDGES = 320000


def setup_inputs(seed: int = 0) -> dict:
    key = jax.random.key(seed)
    ks = jax.random.split(key, 10)
    x = jax.random.normal(ks[0], (N_NODES, N_FEATURES), dtype=jnp.float32)
    edge_index = jax.random.randint(ks[1], (2, N_EDGES), 0, N_NODES, dtype=jnp.int64)
    # glorot-initialized learned parameters
    def glorot(k, shape):
        fan_in, fan_out = shape[-2], shape[-1]
        limit = float(np.sqrt(6.0 / (fan_in + fan_out)))
        return jax.random.uniform(k, shape, dtype=jnp.float32, minval=-limit, maxval=limit)
    weight_in = glorot(ks[2], (N_FEATURES, HIDDEN))
    weight_out = glorot(ks[3], (HIDDEN, N_CLASSES))
    conv_weight = glorot(ks[4], (LAYERS, HIDDEN, HIDDEN))
    stdv = 1.0 / np.sqrt(HIDDEN)
    gru_w_ih = jax.random.uniform(ks[5], (3 * HIDDEN, HIDDEN), dtype=jnp.float32, minval=-stdv, maxval=stdv)
    gru_w_hh = jax.random.uniform(ks[6], (3 * HIDDEN, HIDDEN), dtype=jnp.float32, minval=-stdv, maxval=stdv)
    gru_b_ih = jax.random.uniform(ks[7], (3 * HIDDEN,), dtype=jnp.float32, minval=-stdv, maxval=stdv)
    gru_b_hh = jax.random.uniform(ks[8], (3 * HIDDEN,), dtype=jnp.float32, minval=-stdv, maxval=stdv)
    return {
        'x': x,
        'edge_index': edge_index,
        'weight_in': weight_in,
        'weight_out': weight_out,
        'conv_weight': conv_weight,
        'gru_w_ih': gru_w_ih,
        'gru_w_hh': gru_w_hh,
        'gru_b_ih': gru_b_ih,
        'gru_b_hh': gru_b_hh,
    }


def _gru_cell(m, h, w_ih, w_hh, b_ih, b_hh):
    gi = m @ w_ih.T + b_ih
    gh = h @ w_hh.T + b_hh
    i_r, i_z, i_n = jnp.split(gi, 3, axis=1)
    h_r, h_z, h_n = jnp.split(gh, 3, axis=1)
    r = jax.nn.sigmoid(i_r + h_r)
    z = jax.nn.sigmoid(i_z + h_z)
    n = jnp.tanh(i_n + r * h_n)
    return (1.0 - z) * n + z * h


def reference(x, edge_index, weight_in, weight_out, conv_weight, gru_w_ih, gru_w_hh, gru_b_ih, gru_b_hh):
    # input transform: x @ weight_in  (torch.spmm with dense x == matmul)
    h = x @ weight_in
    src = edge_index[0]
    dst = edge_index[1]
    n_nodes = h.shape[0]
    # GatedGraphConv: num_layers rounds of (linear, gather src, scatter-add dst, GRU)
    for i in range(LAYERS):
        m = h @ conv_weight[i]
        msg = jnp.take(m, src, axis=0)
        agg = jax.ops.segment_sum(msg, dst, num_segments=n_nodes)
        h = _gru_cell(agg, h, gru_w_ih, gru_w_hh, gru_b_ih, gru_b_hh)
    # output transform
    out = h @ weight_out
    return out

if __name__ == "__main__":
    import jax
    _d = setup_inputs()
    print(jax.jit(kernel)(*tuple(_d.values())))

</pallas_src>

<mosaic_0001>
#map = affine_map<(d0, d1) -> (0, 0)>
#map1 = affine_map<(d0, d1) -> (0, 0, 0)>
module attributes {stable_mosaic.version = 14 : i64} {
  func.func @body(%arg0: i32, %arg1: i32, %arg2: memref<10000x128xf32, #tpu.memory_space<hbm>>, %arg3: memref<2560x128xi32, #tpu.memory_space<hbm>>, %arg4: memref<2560x128xi32, #tpu.memory_space<hbm>>, %arg5: memref<2x10000x128xf32, #tpu.memory_space<hbm>>, %arg6: memref<80x128xi32, #tpu.memory_space<vmem>>, %arg7: memref<80x128xi32, #tpu.memory_space<vmem>>, %arg8: memref<6x32x128xf32, #tpu.memory_space<vmem>>, %arg9: memref<8x128xf32, #tpu.memory_space<vmem>>, %arg10: memref<10112x128xf32, #tpu.memory_space<vmem_shared>>, %arg11: memref<32xi32, #tpu.memory_space<vmem>>, %arg12: memref<32xi32, #tpu.memory_space<vmem>>, %arg13: memref<32xi32, #tpu.memory_space<vmem>>, %arg14: memref<32xi32, #tpu.memory_space<vmem>>, %arg15: memref<32xi32, #tpu.memory_space<vmem>>, %arg16: memref<32xi32, #tpu.memory_space<vmem>>, %arg17: memref<!tpu.dma_semaphore, #tpu.memory_space<semaphore_mem>>, %arg18: memref<!tpu.dma_semaphore, #tpu.memory_space<semaphore_mem>>, %arg19: memref<!tpu.dma_semaphore, #tpu.memory_space<semaphore_mem>>, %arg20: memref<!tpu.dma_semaphore, #tpu.memory_space<semaphore_mem>>, %arg21: memref<!tpu.dma_semaphore, #tpu.memory_space<semaphore_mem>>, %arg22: memref<!tpu.dma_semaphore, #tpu.memory_space<semaphore_mem>>, %arg23: memref<!tpu.dma_semaphore, #tpu.memory_space<semaphore_mem>>, %arg24: memref<!tpu.dma_semaphore, #tpu.memory_space<semaphore_mem>>, %arg25: memref<!tpu.dma_semaphore, #tpu.memory_space<semaphore_mem>>, %arg26: memref<!tpu.dma_semaphore, #tpu.memory_space<semaphore_mem>>, %arg27: memref<!tpu.dma_semaphore, #tpu.memory_space<semaphore_mem>>, %arg28: memref<!tpu.dma_semaphore, #tpu.memory_space<semaphore_mem>>) attributes {dimension_semantics = [#tpu.dimension_semantics<core_parallel>, #tpu.dimension_semantics<subcore_parallel>], iteration_bounds = array<i64: 2, 16>, scalar_prefetch = 0 : i64, scratch_operands = 23 : i64, tpu.core_type = #tpu.core_type<sc_vector_subcore>, window_params = [{transform_indices = #map}, {transform_indices = #map}, {transform_indices = #map}, {transform_indices = #map1}]} {
    %mul3A = arith.constant 2 : i32
    %mul3A_0 = arith.muli %arg1, %mul3A : i32
    %add3A = arith.addi %mul3A_0, %arg0 : i32
    %mul3A_1 = arith.constant 80 : i32
    %mul3A_2 = arith.muli %add3A, %mul3A_1 : i32
    "tpu.region"() ({
      %run_scoped3A = tpu.sem_alloc : memref<!tpu.dma_semaphore, #tpu.memory_space<semaphore_mem>>
      %dma_start3A_766 = arith.constant 0 : i32
      %dma_start3A_767 = tpu.memref_slice %arg3[%mul3A_2, %dma_start3A_766] : memref<2560x128xi32, #tpu.memory_space<hbm>> -> memref<80x128xi32, #tpu.memory_space<hbm>>
      %dma_start3A_768 = arith.constant 0 : i32
      %dma_start3A_769 = tpu.memref_slice %arg3[%mul3A_2, %dma_start3A_768] : memref<2560x128xi32, #tpu.memory_space<hbm>> -> memref<80x128xi32, #tpu.memory_space<hbm>>
      tpu.enqueue_dma source(%dma_start3A_769 : memref<80x128xi32, #tpu.memory_space<hbm>>) target(%arg6 : memref<80x128xi32, #tpu.memory_space<vmem>>) target_semaphore(%run_scoped3A : memref<!tpu.dma_semaphore, #tpu.memory_space<semaphore_mem>>)
      %dma_wait3A_770 = arith.constant 0 : i32
      %dma_wait3A_771 = tpu.memref_slice %arg3[%mul3A_2, %dma_wait3A_770] : memref<2560x128xi32, #tpu.memory_space<hbm>> -> memref<80x128xi32, #tpu.memory_space<hbm>>
      %dma_wait3A_772 = arith.constant 0 : i32
      %dma_wait3A_773 = tpu.memref_slice %arg3[%mul3A_2, %dma_wait3A_772] : memref<2560x128xi32, #tpu.memory_space<hbm>> -> memref<80x128xi32, #tpu.memory_space<hbm>>
      tpu.wait_dma2 semaphore(%run_scoped3A : memref<!tpu.dma_semaphore, #tpu.memory_space<semaphore_mem>>) src(%dma_wait3A_773 : memref<80x128xi32, #tpu.memory_space<hbm>>) dst(%arg6 : memref<80x128xi32, #tpu.memory_space<vmem>>)
      tpu.yield
    }) : () -> ()
    %mul3A_3 = arith.constant 80 : i32
    %mul3A_4 = arith.muli %add3A, %mul3A_3 : i32
    "tpu.region"() ({
      %run_scoped3A = tpu.sem_alloc : memref<!tpu.dma_semaphore, #tpu.memory_space<semaphore_mem>>
      %dma_start3A_766 = arith.constant 0 : i32
      %dma_start3A_767 = tpu.memref_slice %arg4[%mul3A_4, %dma_start3A_766] : memref<2560x128xi32, #tpu.memory_space<hbm>> -> memref<80x128xi32, #tpu.memory_space<hbm>>
      %dma_start3A_768 = arith.constant 0 : i32
      %dma_start3A_769 = tpu.memref_slice %arg4[%mul3A_4, %dma_start3A_768] : memref<2560x128xi32, #tpu.memory_space<hbm>> -> memref<80x128xi32, #tpu.memory_space<hbm>>
      tpu.enqueue_dma source(%dma_start3A_769 : memref<80x128xi32, #tpu.memory_space<hbm>>) target(%arg7 : memref<80x128xi32, #tpu.memory_space<vmem>>) target_semaphore(%run_scoped3A : memref<!tpu.dma_semaphore, #tpu.memory_space<semaphore_mem>>)
      %dma_wait3A_770 = arith.constant 0 : i32
      %dma_wait3A_771 = tpu.memref_slice %arg4[%mul3A_4, %dma_wait3A_770] : memref<2560x128xi32, #tpu.memory_space<hbm>> -> memref<80x128xi32, #tpu.memory_space<hbm>>
      %dma_wait3A_772 = arith.constant 0 : i32
      %dma_wait3A_773 = tpu.memref_slice %arg4[%mul3A_4, %dma_wait3A_772] : memref<2560x128xi32, #tpu.memory_space<hbm>> -> memref<80x128xi32, #tpu.memory_space<hbm>>
      tpu.wait_dma2 semaphore(%run_scoped3A : memref<!tpu.dma_semaphore, #tpu.memory_space<semaphore_mem>>) src(%dma_wait3A_773 : memref<80x128xi32, #tpu.memory_space<hbm>>) dst(%arg7 : memref<80x128xi32, #tpu.memory_space<vmem>>)
      tpu.yield
    }) : () -> ()
    %dma_start3A = arith.constant 0 : i32
    %dma_start3A_5 = arith.constant 0 : i32
    %dma_start3A_6 = arith.constant 0 : i32
    %dma_start3A_7 = arith.constant 0 : i32
    %dma_start3A_8 = tpu.memref_slice %arg8[%dma_start3A_5, %dma_start3A_6, %dma_start3A_7] : memref<6x32x128xf32, #tpu.memory_space<vmem>> -> memref<1x32x128xf32, #tpu.memory_space<vmem>>
    %dma_start3A_9 = tpu.memref_squeeze %dma_start3A_8 : memref<1x32x128xf32, #tpu.memory_space<vmem>> -> memref<32x128xf32, #tpu.memory_space<vmem>>
    %dma_start3A_10 = arith.constant 0 : i32
    %dma_start3A_11 = tpu.memref_slice %arg6[%dma_start3A, %dma_start3A_10] : memref<80x128xi32, #tpu.memory_space<vmem>> -> memref<1x32xi32, #tpu.memory_space<vmem>>
    %dma_start3A_12 = tpu.memref_squeeze %dma_start3A_11 : memref<1x32xi32, #tpu.memory_space<vmem>> -> memref<32xi32, #tpu.memory_space<vmem>>
    %dma_start3A_13 = arith.constant 0 : i32
    %dma_start3A_14 = arith.constant 0 : i32
    %dma_start3A_15 = tpu.memref_slice %arg2[%dma_start3A_13, %dma_start3A_14] : memref<10000x128xf32, #tpu.memory_space<hbm>> -> memref<10000x128xf32, #tpu.memory_space<hbm>>
    tpu.enqueue_indirect_dma source(%dma_start3A_15 : memref<10000x128xf32, #tpu.memory_space<hbm>>) target(%dma_start3A_9 : memref<32x128xf32, #tpu.memory_space<vmem>>) offsets(%dma_start3A_12 : memref<32xi32, #tpu.memory_space<vmem>>) semaphore(%arg17 : memref<!tpu.dma_semaphore, #tpu.memory_space<semaphore_mem>>)
    %dma_start3A_16 = arith.constant 0 : i32
    %dma_start3A_17 = arith.constant 1 : i32
    %dma_start3A_18 = arith.constant 0 : i32
    %dma_start3A_19 = arith.constant 0 : i32
    %dma_start3A_20 = tpu.memref_slice %arg8[%dma_start3A_17, %dma_start3A_18, %dma_start3A_19] : memref<6x32x128xf32, #tpu.memory_space<vmem>> -> memref<1x32x128xf32, #tpu.memory_space<vmem>>
    %dma_start3A_21 = tpu.memref_squeeze %dma_start3A_20 : memref<1x32x128xf32, #tpu.memory_space<vmem>> -> memref<32x128xf32, #tpu.memory_space<vmem>>
    %dma_start3A_22 = arith.constant 32 : i32
    %dma_start3A_23 = tpu.memref_slice %arg6[%dma_start3A_16, %dma_start3A_22] : memref<80x128xi32, #tpu.memory_space<vmem>> -> memref<1x32xi32, #tpu.memory_space<vmem>>
    %dma_start3A_24 = tpu.memref_squeeze %dma_start3A_23 : memref<1x32xi32, #tpu.memory_space<vmem>> -> memref<32xi32, #tpu.memory_space<vmem>>
    %dma_start3A_25 = arith.constant 0 : i32
    %dma_start3A_26 = arith.constant 0 : i32
    %dma_start3A_27 = tpu.memref_slice %arg2[%dma_start3A_25, %dma_start3A_26] : memref<10000x128xf32, #tpu.memory_space<hbm>> -> memref<10000x128xf32, #tpu.memory_space<hbm>>
    tpu.enqueue_indirect_dma source(%dma_start3A_27 : memref<10000x128xf32, #tpu.memory_space<hbm>>) target(%dma_start3A_21 : memref<32x128xf32, #tpu.memory_space<vmem>>) offsets(%dma_start3A_24 : memref<32xi32, #tpu.memory_space<vmem>>) semaphore(%arg18 : memref<!tpu.dma_semaphore, #tpu.memory_space<semaphore_mem>>)
    %dma_start3A_28 = arith.constant 0 : i32
    %dma_start3A_29 = arith.constant 2 : i32
    %dma_start3A_30 = arith.constant 0 : i32
    %dma_start3A_31 = arith.constant 0 : i32
    %dma_start3A_32 = tpu.memref_slice %arg8[%dma_start3A_29, %dma_start3A_30, %dma_start3A_31] : memref<6x32x128xf32, #tpu.memory_space<vmem>> -> memref<1x32x128xf32, #tpu.memory_space<vmem>>
    %dma_start3A_33 = tpu.memref_squeeze %dma_start3A_32 : memref<1x32x128xf32, #tpu.memory_space<vmem>> -> memref<32x128xf32, #tpu.memory_space<vmem>>
    %dma_start3A_34 = arith.constant 64 : i32
    %dma_start3A_35 = tpu.memref_slice %arg6[%dma_start3A_28, %dma_start3A_34] : memref<80x128xi32, #tpu.memory_space<vmem>> -> memref<1x32xi32, #tpu.memory_space<vmem>>
    %dma_start3A_36 = tpu.memref_squeeze %dma_start3A_35 : memref<1x32xi32, #tpu.memory_space<vmem>> -> memref<32xi32, #tpu.memory_space<vmem>>
    %dma_start3A_37 = arith.constant 0 : i32
    %dma_start3A_38 = arith.constant 0 : i32
    %dma_start3A_39 = tpu.memref_slice %arg2[%dma_start3A_37, %dma_start3A_38] : memref<10000x128xf32, #tpu.memory_space<hbm>> -> memref<10000x128xf32, #tpu.memory_space<hbm>>
    tpu.enqueue_indirect_dma source(%dma_start3A_39 : memref<10000x128xf32, #tpu.memory_space<hbm>>) target(%dma_start3A_33 : memref<32x128xf32, #tpu.memory_space<vmem>>) offsets(%dma_start3A_36 : memref<32xi32, #tpu.memory_space<vmem>>) semaphore(%arg19 : memref<!tpu.dma_semaphore, #tpu.memory_space<semaphore_mem>>)
    %dma_start3A_40 = arith.constant 0 : i32
    %dma_start3A_41 = arith.constant 3 : i32
    %dma_start3A_42 = arith.constant 0 : i32
    %dma_start3A_43 = arith.constant 0 : i32
    %dma_start3A_44 = tpu.memref_slice %arg8[%dma_start3A_41, %dma_start3A_42, %dma_start3A_43] : memref<6x32x128xf32, #tpu.memory_space<vmem>> -> memref<1x32x128xf32, #tpu.memory_space<vmem>>
    %dma_start3A_45 = tpu.memref_squeeze %dma_start3A_44 : memref<1x32x128xf32, #tpu.memory_space<vmem>> -> memref<32x128xf32, #tpu.memory_space<vmem>>
    %dma_start3A_46 = arith.constant 96 : i32
    %dma_start3A_47 = tpu.memref_slice %arg6[%dma_start3A_40, %dma_start3A_46] : memref<80x128xi32, #tpu.memory_space<vmem>> -> memref<1x32xi32, #tpu.memory_space<vmem>>
    %dma_start3A_48 = tpu.memref_squeeze %dma_start3A_47 : memref<1x32xi32, #tpu.memory_space<vmem>> -> memref<32xi32, #tpu.memory_space<vmem>>
    %dma_start3A_49 = arith.constant 0 : i32
    %dma_start3A_50 = arith.constant 0 : i32
    %dma_start3A_51 = tpu.memref_slice %arg2[%dma_start3A_49, %dma_start3A_50] : memref<10000x128xf32, #tpu.memory_space<hbm>> -> memref<10000x128xf32, #tpu.memory_space<hbm>>
    tpu.enqueue_indirect_dma source(%dma_start3A_51 : memref<10000x128xf32, #tpu.memory_space<hbm>>) target(%dma_start3A_45 : memref<32x128xf32, #tpu.memory_space<vmem>>) offsets(%dma_start3A_48 : memref<32xi32, #tpu.memory_space<vmem>>) semaphore(%arg20 : memref<!tpu.dma_semaphore, #tpu.memory_space<semaphore_mem>>)
    %dma_start3A_52 = arith.constant 1 : i32
    %dma_start3A_53 = arith.constant 4 : i32
    %dma_start3A_54 = arith.constant 0 : i32
    %dma_start3A_55 = arith.constant 0 : i32
    %dma_start3A_56 = tpu.memref_slice %arg8[%dma_start3A_53, %dma_start3A_54, %dma_start3A_55] : memref<6x32x128xf32, #tpu.memory_space<vmem>> -> memref<1x32x128xf32, #tpu.memory_space<vmem>>
    %dma_start3A_57 = tpu.memref_squeeze %dma_start3A_56 : memref<1x32x128xf32, #tpu.memory_space<vmem>> -> memref<32x128xf32, #tpu.memory_space<vmem>>
    %dma_start3A_58 = arith.constant 0 : i32
    %dma_start3A_59 = tpu.memref_slice %arg6[%dma_start3A_52, %dma_start3A_58] : memref<80x128xi32, #tpu.memory_space<vmem>> -> memref<1x32xi32, #tpu.memory_space<vmem>>
    %dma_start3A_60 = tpu.memref_squeeze %dma_start3A_59 : memref<1x32xi32, #tpu.memory_space<vmem>> -> memref<32xi32, #tpu.memory_space<vmem>>
    %dma_start3A_61 = arith.constant 0 : i32
    %dma_start3A_62 = arith.constant 0 : i32
    %dma_start3A_63 = tpu.memref_slice %arg2[%dma_start3A_61, %dma_start3A_62] : memref<10000x128xf32, #tpu.memory_space<hbm>> -> memref<10000x128xf32, #tpu.memory_space<hbm>>
    tpu.enqueue_indirect_dma source(%dma_start3A_63 : memref<10000x128xf32, #tpu.memory_space<hbm>>) target(%dma_start3A_57 : memref<32x128xf32, #tpu.memory_space<vmem>>) offsets(%dma_start3A_60 : memref<32xi32, #tpu.memory_space<vmem>>) semaphore(%arg21 : memref<!tpu.dma_semaphore, #tpu.memory_space<semaphore_mem>>)
    %dma_start3A_64 = arith.constant 1 : i32
    %dma_start3A_65 = arith.constant 5 : i32
    %dma_start3A_66 = arith.constant 0 : i32
    %dma_start3A_67 = arith.constant 0 : i32
    %dma_start3A_68 = tpu.memref_slice %arg8[%dma_start3A_65, %dma_start3A_66, %dma_start3A_67] : memref<6x32x128xf32, #tpu.memory_space<vmem>> -> memref<1x32x128xf32, #tpu.memory_space<vmem>>
    %dma_start3A_69 = tpu.memref_squeeze %dma_start3A_68 : memref<1x32x128xf32, #tpu.memory_space<vmem>> -> memref<32x128xf32, #tpu.memory_space<vmem>>
    %dma_start3A_70 = arith.constant 32 : i32
    %dma_start3A_71 = tpu.memref_slice %arg6[%dma_start3A_64, %dma_start3A_70] : memref<80x128xi32, #tpu.memory_space<vmem>> -> memref<1x32xi32, #tpu.memory_space<vmem>>
    %dma_start3A_72 = tpu.memref_squeeze %dma_start3A_71 : memref<1x32xi32, #tpu.memory_space<vmem>> -> memref<32xi32, #tpu.memory_space<vmem>>
    %dma_start3A_73 = arith.constant 0 : i32
    %dma_start3A_74 = arith.constant 0 : i32
    %dma_start3A_75 = tpu.memref_slice %arg2[%dma_start3A_73, %dma_start3A_74] : memref<10000x128xf32, #tpu.memory_space<hbm>> -> memref<10000x128xf32, #tpu.memory_space<hbm>>
    tpu.enqueue_indirect_dma source(%dma_start3A_75 : memref<10000x128xf32, #tpu.memory_space<hbm>>) target(%dma_start3A_69 : memref<32x128xf32, #tpu.memory_space<vmem>>) offsets(%dma_start3A_72 : memref<32xi32, #tpu.memory_space<vmem>>) semaphore(%arg22 : memref<!tpu.dma_semaphore, #tpu.memory_space<semaphore_mem>>)
    %broadcast_in_dim3A = arith.constant 0.000000e+00 : f32
    %broadcast_in_dim3A_76 = vector.broadcast %broadcast_in_dim3A : f32 to vector<16xf32>
    %swap3A = arith.constant 0 : i32
    %swap3A_77 = arith.index_cast %swap3A : i32 to index
    %swap3A_78 = arith.constant 0 : index
    %swap3A_79 = tpu.vector_load %arg9[%swap3A_77, %swap3A_78] {strides = array<i32>} : memref<8x128xf32, #tpu.memory_space<vmem>>, vector<1x16xf32>,
    %swap3A_80 = vector.shape_cast %swap3A_79 : vector<1x16xf32> to vector<16xf32>
    %swap3A_81 = vector.shape_cast %broadcast_in_dim3A_76 : vector<16xf32> to vector<1x16xf32>
    tpu.vector_store %arg9[%swap3A_77, %swap3A_78], %swap3A_81 {strides = array<i32>} : memref<8x128xf32, #tpu.memory_space<vmem>>, vector<1x16xf32>,
    %broadcast_in_dim3A_82 = arith.constant 0.000000e+00 : f32
    %broadcast_in_dim3A_83 = vector.broadcast %broadcast_in_dim3A_82 : f32 to vector<16xf32>
    %swap3A_84 = arith.constant 0 : i32
    %swap3A_85 = arith.index_cast %swap3A_84 : i32 to index
    %swap3A_86 = arith.constant 16 : index
    %swap3A_87 = tpu.vector_load %arg9[%swap3A_85, %swap3A_86] {strides = array<i32>} : memref<8x128xf32, #tpu.memory_space<vmem>>, vector<1x16xf32>,
    %swap3A_88 = vector.shape_cast %swap3A_87 : vector<1x16xf32> to vector<16xf32>
    %swap3A_89 = vector.shape_cast %broadcast_in_dim3A_83 : vector<16xf32> to vector<1x16xf32>
    tpu.vector_store %arg9[%swap3A_85, %swap3A_86], %swap3A_89 {strides = array<i32>} : memref<8x128xf32, #tpu.memory_space<vmem>>, vector<1x16xf32>,
    %broadcast_in_dim3A_90 = arith.constant 0.000000e+00 : f32
    %broadcast_in_dim3A_91 = vector.broadcast %broadcast_in_dim3A_90 : f32 to vector<16xf32>
    %swap3A_92 = arith.constant 0 : i32
    %swap3A_93 = arith.index_cast %swap3A_92 : i32 to index
    %swap3A_94 = arith.constant 32 : index
    %swap3A_95 = tpu.vector_load %arg9[%swap3A_93, %swap3A_94] {strides = array<i32>} : memref<8x128xf32, #tpu.memory_space<vmem>>, vector<1x16xf32>,
    %swap3A_96 = vector.shape_cast %swap3A_95 : vector<1x16xf32> to vector<16xf32>
    %swap3A_97 = vector.shape_cast %broadcast_in_dim3A_91 : vector<16xf32> to vector<1x16xf32>
    tpu.vector_store %arg9[%swap3A_93, %swap3A_94], %swap3A_97 {strides = array<i32>} : memref<8x128xf32, #tpu.memory_space<vmem>>, vector<1x16xf32>,
    %broadcast_in_dim3A_98 = arith.constant 0.000000e+00 : f32
    %broadcast_in_dim3A_99 = vector.broadcast %broadcast_in_dim3A_98 : f32 to vector<16xf32>
    %swap3A_100 = arith.constant 0 : i32
    %swap3A_101 = arith.index_cast %swap3A_100 : i32 to index
    %swap3A_102 = arith.constant 48 : index
    %swap3A_103 = tpu.vector_load %arg9[%swap3A_101, %swap3A_102] {strides = array<i32>} : memref<8x128xf32, #tpu.memory_space<vmem>>, vector<1x16xf32>,
    %swap3A_104 = vector.shape_cast %swap3A_103 : vector<1x16xf32> to vector<16xf32>
    %swap3A_105 = vector.shape_cast %broadcast_in_dim3A_99 : vector<16xf32> to vector<1x16xf32>
    tpu.vector_store %arg9[%swap3A_101, %swap3A_102], %swap3A_105 {strides = array<i32>} : memref<8x128xf32, #tpu.memory_space<vmem>>, vector<1x16xf32>,
    %broadcast_in_dim3A_106 = arith.constant 0.000000e+00 : f32
    %broadcast_in_dim3A_107 = vector.broadcast %broadcast_in_dim3A_106 : f32 to vector<16xf32>
    %swap3A_108 = arith.constant 0 : i32
    %swap3A_109 = arith.index_cast %swap3A_108 : i32 to index
    %swap3A_110 = arith.constant 64 : index
    %swap3A_111 = tpu.vector_load %arg9[%swap3A_109, %swap3A_110] {strides = array<i32>} : memref<8x128xf32, #tpu.memory_space<vmem>>, vector<1x16xf32>,
    %swap3A_112 = vector.shape_cast %swap3A_111 : vector<1x16xf32> to vector<16xf32>
    %swap3A_113 = vector.shape_cast %broadcast_in_dim3A_107 : vector<16xf32> to vector<1x16xf32>
    tpu.vector_store %arg9[%swap3A_109, %swap3A_110], %swap3A_113 {strides = array<i32>} : memref<8x128xf32, #tpu.memory_space<vmem>>, vector<1x16xf32>,
    %broadcast_in_dim3A_114 = arith.constant 0.000000e+00 : f32
    %broadcast_in_dim3A_115 = vector.broadcast %broadcast_in_dim3A_114 : f32 to vector<16xf32>
    %swap3A_116 = arith.constant 0 : i32
    %swap3A_117 = arith.index_cast %swap3A_116 : i32 to index
    %swap3A_118 = arith.constant 80 : index
    %swap3A_119 = tpu.vector_load %arg9[%swap3A_117, %swap3A_118] {strides = array<i32>} : memref<8x128xf32, #tpu.memory_space<vmem>>, vector<1x16xf32>,
    %swap3A_120 = vector.shape_cast %swap3A_119 : vector<1x16xf32> to vector<16xf32>
    %swap3A_121 = vector.shape_cast %broadcast_in_dim3A_115 : vector<16xf32> to vector<1x16xf32>
    tpu.vector_store %arg9[%swap3A_117, %swap3A_118], %swap3A_121 {strides = array<i32>} : memref<8x128xf32, #tpu.memory_space<vmem>>, vector<1x16xf32>,
    %broadcast_in_dim3A_122 = arith.constant 0.000000e+00 : f32
    %broadcast_in_dim3A_123 = vector.broadcast %broadcast_in_dim3A_122 : f32 to vector<16xf32>
    %swap3A_124 = arith.constant 0 : i32
    %swap3A_125 = arith.index_cast %swap3A_124 : i32 to index
    %swap3A_126 = arith.constant 96 : index
    %swap3A_127 = tpu.vector_load %arg9[%swap3A_125, %swap3A_126] {strides = array<i32>} : memref<8x128xf32, #tpu.memory_space<vmem>>, vector<1x16xf32>,
    %swap3A_128 = vector.shape_cast %swap3A_127 : vector<1x16xf32> to vector<16xf32>
    %swap3A_129 = vector.shape_cast %broadcast_in_dim3A_123 : vector<16xf32> to vector<1x16xf32>
    tpu.vector_store %arg9[%swap3A_125, %swap3A_126], %swap3A_129 {strides = array<i32>} : memref<8x128xf32, #tpu.memory_space<vmem>>, vector<1x16xf32>,
    %broadcast_in_dim3A_130 = arith.constant 0.000000e+00 : f32
    %broadcast_in_dim3A_131 = vector.broadcast %broadcast_in_dim3A_130 : f32 to vector<16xf32>
    %swap3A_132 = arith.constant 0 : i32
    %swap3A_133 = arith.index_cast %swap3A_132 : i32 to index
    %swap3A_134 = arith.constant 112 : index
    %swap3A_135 = tpu.vector_load %arg9[%swap3A_133, %swap3A_134] {strides = array<i32>} : memref<8x128xf32, #tpu.memory_space<vmem>>, vector<1x16xf32>,
    %swap3A_136 = vector.shape_cast %swap3A_135 : vector<1x16xf32> to vector<16xf32>
    %swap3A_137 = vector.shape_cast %broadcast_in_dim3A_131 : vector<16xf32> to vector<1x16xf32>
    tpu.vector_store %arg9[%swap3A_133, %swap3A_134], %swap3A_137 {strides = array<i32>} : memref<8x128xf32, #tpu.memory_space<vmem>>, vector<1x16xf32>,
    %broadcast_in_dim3A_138 = arith.constant 0.000000e+00 : f32
    %broadcast_in_dim3A_139 = vector.broadcast %broadcast_in_dim3A_138 : f32 to vector<16xf32>
    %swap3A_140 = arith.constant 1 : i32
    %swap3A_141 = arith.index_cast %swap3A_140 : i32 to index
    %swap3A_142 = arith.constant 0 : index
    %swap3A_143 = tpu.vector_load %arg9[%swap3A_141, %swap3A_142] {strides = array<i32>} : memref<8x128xf32, #tpu.memory_space<vmem>>, vector<1x16xf32>,
    %swap3A_144 = vector.shape_cast %swap3A_143 : vector<1x16xf32> to vector<16xf32>
    %swap3A_145 = vector.shape_cast %broadcast_in_dim3A_139 : vector<16xf32> to vector<1x16xf32>
    tpu.vector_store %arg9[%swap3A_141, %swap3A_142], %swap3A_145 {strides = array<i32>} : memref<8x128xf32, #tpu.memory_space<vmem>>, vector<1x16xf32>,
    %broadcast_in_dim3A_146 = arith.constant 0.000000e+00 : f32
    %broadcast_in_dim3A_147 = vector.broadcast %broadcast_in_dim3A_146 : f32 to vector<16xf32>
    %swap3A_148 = arith.constant 1 : i32
    %swap3A_149 = arith.index_cast %swap3A_148 : i32 to index
    %swap3A_150 = arith.constant 16 : index
    %swap3A_151 = tpu.vector_load %arg9[%swap3A_149, %swap3A_150] {strides = array<i32>} : memref<8x128xf32, #tpu.memory_space<vmem>>, vector<1x16xf32>,
    %swap3A_152 = vector.shape_cast %swap3A_151 : vector<1x16xf32> to vector<16xf32>
    %swap3A_153 = vector.shape_cast %broadcast_in_dim3A_147 : vector<16xf32> to vector<1x16xf32>
    tpu.vector_store %arg9[%swap3A_149, %swap3A_150], %swap3A_153 {strides = array<i32>} : memref<8x128xf32, #tpu.memory_space<vmem>>, vector<1x16xf32>,
    %broadcast_in_dim3A_154 = arith.constant 0.000000e+00 : f32
    %broadcast_in_dim3A_155 = vector.broadcast %broadcast_in_dim3A_154 : f32 to vector<16xf32>
    %swap3A_156 = arith.constant 1 : i32
    %swap3A_157 = arith.index_cast %swap3A_156 : i32 to index
    %swap3A_158 = arith.constant 32 : index
    %swap3A_159 = tpu.vector_load %arg9[%swap3A_157, %swap3A_158] {strides = array<i32>} : memref<8x128xf32, #tpu.memory_space<vmem>>, vector<1x16xf32>,
    %swap3A_160 = vector.shape_cast %swap3A_159 : vector<1x16xf32> to vector<16xf32>
    %swap3A_161 = vector.shape_cast %broadcast_in_dim3A_155 : vector<16xf32> to vector<1x16xf32>
    tpu.vector_store %arg9[%swap3A_157, %swap3A_158], %swap3A_161 {strides = array<i32>} : memref<8x128xf32, #tpu.memory_space<vmem>>, vector<1x16xf32>,
    %broadcast_in_dim3A_162 = arith.constant 0.000000e+00 : f32
    %broadcast_in_dim3A_163 = vector.broadcast %broadcast_in_dim3A_162 : f32 to vector<16xf32>
    %swap3A_164 = arith.constant 1 : i32
    %swap3A_165 = arith.index_cast %swap3A_164 : i32 to index
    %swap3A_166 = arith.constant 48 : index
    %swap3A_167 = tpu.vector_load %arg9[%swap3A_165, %swap3A_166] {strides = array<i32>} : memref<8x128xf32, #tpu.memory_space<vmem>>, vector<1x16xf32>,
    %swap3A_168 = vector.shape_cast %swap3A_167 : vector<1x16xf32> to vector<16xf32>
    %swap3A_169 = vector.shape_cast %broadcast_in_dim3A_163 : vector<16xf32> to vector<1x16xf32>
    tpu.vector_store %arg9[%swap3A_165, %swap3A_166], %swap3A_169 {strides = array<i32>} : memref<8x128xf32, #tpu.memory_space<vmem>>, vector<1x16xf32>,
    %broadcast_in_dim3A_170 = arith.constant 0.000000e+00 : f32
    %broadcast_in_dim3A_171 = vector.broadcast %broadcast_in_dim3A_170 : f32 to vector<16xf32>
    %swap3A_172 = arith.constant 1 : i32
    %swap3A_173 = arith.index_cast %swap3A_172 : i32 to index
    %swap3A_174 = arith.constant 64 : index
    %swap3A_175 = tpu.vector_load %arg9[%swap3A_173, %swap3A_174] {strides = array<i32>} : memref<8x128xf32, #tpu.memory_space<vmem>>, vector<1x16xf32>,
    %swap3A_176 = vector.shape_cast %swap3A_175 : vector<1x16xf32> to vector<16xf32>
    %swap3A_177 = vector.shape_cast %broadcast_in_dim3A_171 : vector<16xf32> to vector<1x16xf32>
    tpu.vector_store %arg9[%swap3A_173, %swap3A_174], %swap3A_177 {strides = array<i32>} : memref<8x128xf32, #tpu.memory_space<vmem>>, vector<1x16xf32>,
    %broadcast_in_dim3A_178 = arith.constant 0.000000e+00 : f32
    %broadcast_in_dim3A_179 = vector.broadcast %broadcast_in_dim3A_178 : f32 to vector<16xf32>
    %swap3A_180 = arith.constant 1 : i32
    %swap3A_181 = arith.index_cast %swap3A_180 : i32 to index
    %swap3A_182 = arith.constant 80 : index
    %swap3A_183 = tpu.vector_load %arg9[%swap3A_181, %swap3A_182] {strides = array<i32>} : memref<8x128xf32, #tpu.memory_space<vmem>>, vector<1x16xf32>,
    %swap3A_184 = vector.shape_cast %swap3A_183 : vector<1x16xf32> to vector<16xf32>
    %swap3A_185 = vector.shape_cast %broadcast_in_dim3A_179 : vector<16xf32> to vector<1x16xf32>
    tpu.vector_store %arg9[%swap3A_181, %swap3A_182], %swap3A_185 {strides = array<i32>} : memref<8x128xf32, #tpu.memory_space<vmem>>, vector<1x16xf32>,
    %broadcast_in_dim3A_186 = arith.constant 0.000000e+00 : f32
    %broadcast_in_dim3A_187 = vector.broadcast %broadcast_in_dim3A_186 : f32 to vector<16xf32>
    %swap3A_188 = arith.constant 1 : i32
    %swap3A_189 = arith.index_cast %swap3A_188 : i32 to index
    %swap3A_190 = arith.constant 96 : index
    %swap3A_191 = tpu.vector_load %arg9[%swap3A_189, %swap3A_190] {strides = array<i32>} : memref<8x128xf32, #tpu.memory_space<vmem>>, vector<1x16xf32>,
    %swap3A_192 = vector.shape_cast %swap3A_191 : vector<1x16xf32> to vector<16xf32>
    %swap3A_193 = vector.shape_cast %broadcast_in_dim3A_187 : vector<16xf32> to vector<1x16xf32>
    tpu.vector_store %arg9[%swap3A_189, %swap3A_190], %swap3A_193 {strides = array<i32>} : memref<8x128xf32, #tpu.memory_space<vmem>>, vector<1x16xf32>,
    %broadcast_in_dim3A_194 = arith.constant 0.000000e+00 : f32
    %broadcast_in_dim3A_195 = vector.broadcast %broadcast_in_dim3A_194 : f32 to vector<16xf32>
    %swap3A_196 = arith.constant 1 : i32
    %swap3A_197 = arith.index_cast %swap3A_196 : i32 to index
    %swap3A_198 = arith.constant 112 : index
    %swap3A_199 = tpu.vector_load %arg9[%swap3A_197, %swap3A_198] {strides = array<i32>} : memref<8x128xf32, #tpu.memory_space<vmem>>, vector<1x16xf32>,
    %swap3A_200 = vector.shape_cast %swap3A_199 : vector<1x16xf32> to vector<16xf32>
    %swap3A_201 = vector.shape_cast %broadcast_in_dim3A_195 : vector<16xf32> to vector<1x16xf32>
    tpu.vector_store %arg9[%swap3A_197, %swap3A_198], %swap3A_201 {strides = array<i32>} : memref<8x128xf32, #tpu.memory_space<vmem>>, vector<1x16xf32>,
    %broadcast_in_dim3A_202 = arith.constant 0.000000e+00 : f32
    %broadcast_in_dim3A_203 = vector.broadcast %broadcast_in_dim3A_202 : f32 to vector<16xf32>
    %swap3A_204 = arith.constant 2 : i32
    %swap3A_205 = arith.index_cast %swap3A_204 : i32 to index
    %swap3A_206 = arith.constant 0 : index
    %swap3A_207 = tpu.vector_load %arg9[%swap3A_205, %swap3A_206] {strides = array<i32>} : memref<8x128xf32, #tpu.memory_space<vmem>>, vector<1x16xf32>,
    %swap3A_208 = vector.shape_cast %swap3A_207 : vector<1x16xf32> to vector<16xf32>
    %swap3A_209 = vector.shape_cast %broadcast_in_dim3A_203 : vector<16xf32> to vector<1x16xf32>
    tpu.vector_store %arg9[%swap3A_205, %swap3A_206], %swap3A_209 {strides = array<i32>} : memref<8x128xf32, #tpu.memory_space<vmem>>, vector<1x16xf32>,
    %broadcast_in_dim3A_210 = arith.constant 0.000000e+00 : f32
    %broadcast_in_dim3A_211 = vector.broadcast %broadcast_in_dim3A_210 : f32 to vector<16xf32>
    %swap3A_212 = arith.constant 2 : i32
    %swap3A_213 = arith.index_cast %swap3A_212 : i32 to index
    %swap3A_214 = arith.constant 16 : index
    %swap3A_215 = tpu.vector_load %arg9[%swap3A_213, %swap3A_214] {strides = array<i32>} : memref<8x128xf32, #tpu.memory_space<vmem>>, vector<1x16xf32>,
    %swap3A_216 = vector.shape_cast %swap3A_215 : vector<1x16xf32> to vector<16xf32>
    %swap3A_217 = vector.shape_cast %broadcast_in_dim3A_211 : vector<16xf32> to vector<1x16xf32>
    tpu.vector_store %arg9[%swap3A_213, %swap3A_214], %swap3A_217 {strides = array<i32>} : memref<8x128xf32, #tpu.memory_space<vmem>>, vector<1x16xf32>,
    %broadcast_in_dim3A_218 = arith.constant 0.000000e+00 : f32
    %broadcast_in_dim3A_219 = vector.broadcast %broadcast_in_dim3A_218 : f32 to vector<16xf32>
    %swap3A_220 = arith.constant 2 : i32
    %swap3A_221 = arith.index_cast %swap3A_220 : i32 to index
    %swap3A_222 = arith.constant 32 : index
    %swap3A_223 = tpu.vector_load %arg9[%swap3A_221, %swap3A_222] {strides = array<i32>} : memref<8x128xf32, #tpu.memory_space<vmem>>, vector<1x16xf32>,
    %swap3A_224 = vector.shape_cast %swap3A_223 : vector<1x16xf32> to vector<16xf32>
    %swap3A_225 = vector.shape_cast %broadcast_in_dim3A_219 : vector<16xf32> to vector<1x16xf32>
    tpu.vector_store %arg9[%swap3A_221, %swap3A_222], %swap3A_225 {strides = array<i32>} : memref<8x128xf32, #tpu.memory_space<vmem>>, vector<1x16xf32>,
    %broadcast_in_dim3A_226 = arith.constant 0.000000e+00 : f32
    %broadcast_in_dim3A_227 = vector.broadcast %broadcast_in_dim3A_226 : f32 to vector<16xf32>
    %swap3A_228 = arith.constant 2 : i32
    %swap3A_229 = arith.index_cast %swap3A_228 : i32 to index
    %swap3A_230 = arith.constant 48 : index
    %swap3A_231 = tpu.vector_load %arg9[%swap3A_229, %swap3A_230] {strides = array<i32>} : memref<8x128xf32, #tpu.memory_space<vmem>>, vector<1x16xf32>,
    %swap3A_232 = vector.shape_cast %swap3A_231 : vector<1x16xf32> to vector<16xf32>
    %swap3A_233 = vector.shape_cast %broadcast_in_dim3A_227 : vector<16xf32> to vector<1x16xf32>
    tpu.vector_store %arg9[%swap3A_229, %swap3A_230], %swap3A_233 {strides = array<i32>} : memref<8x128xf32, #tpu.memory_space<vmem>>, vector<1x16xf32>,
    %broadcast_in_dim3A_234 = arith.constant 0.000000e+00 : f32
    %broadcast_in_dim3A_235 = vector.broadcast %broadcast_in_dim3A_234 : f32 to vector<16xf32>
    %swap3A_236 = arith.constant 2 : i32
    %swap3A_237 = arith.index_cast %swap3A_236 : i32 to index
    %swap3A_238 = arith.constant 64 : index
    %swap3A_239 = tpu.vector_load %arg9[%swap3A_237, %swap3A_238] {strides = array<i32>} : memref<8x128xf32, #tpu.memory_space<vmem>>, vector<1x16xf32>,
    %swap3A_240 = vector.shape_cast %swap3A_239 : vector<1x16xf32> to vector<16xf32>
    %swap3A_241 = vector.shape_cast %broadcast_in_dim3A_235 : vector<16xf32> to vector<1x16xf32>
    tpu.vector_store %arg9[%swap3A_237, %swap3A_238], %swap3A_241 {strides = array<i32>} : memref<8x128xf32, #tpu.memory_space<vmem>>, vector<1x16xf32>,
    %broadcast_in_dim3A_242 = arith.constant 0.000000e+00 : f32
    %broadcast_in_dim3A_243 = vector.broadcast %broadcast_in_dim3A_242 : f32 to vector<16xf32>
    %swap3A_244 = arith.constant 2 : i32
    %swap3A_245 = arith.index_cast %swap3A_244 : i32 to index
    %swap3A_246 = arith.constant 80 : index
    %swap3A_247 = tpu.vector_load %arg9[%swap3A_245, %swap3A_246] {strides = array<i32>} : memref<8x128xf32, #tpu.memory_space<vmem>>, vector<1x16xf32>,
    %swap3A_248 = vector.shape_cast %swap3A_247 : vector<1x16xf32> to vector<16xf32>
    %swap3A_249 = vector.shape_cast %broadcast_in_dim3A_243 : vector<16xf32> to vector<1x16xf32>
    tpu.vector_store %arg9[%swap3A_245, %swap3A_246], %swap3A_249 {strides = array<i32>} : memref<8x128xf32, #tpu.memory_space<vmem>>, vector<1x16xf32>,
    %broadcast_in_dim3A_250 = arith.constant 0.000000e+00 : f32
    %broadcast_in_dim3A_251 = vector.broadcast %broadcast_in_dim3A_250 : f32 to vector<16xf32>
    %swap3A_252 = arith.constant 2 : i32
    %swap3A_253 = arith.index_cast %swap3A_252 : i32 to index
    %swap3A_254 = arith.constant 96 : index
    %swap3A_255 = tpu.vector_load %arg9[%swap3A_253, %swap3A_254] {strides = array<i32>} : memref<8x128xf32, #tpu.memory_space<vmem>>, vector<1x16xf32>,
    %swap3A_256 = vector.shape_cast %swap3A_255 : vector<1x16xf32> to vector<16xf32>
    %swap3A_257 = vector.shape_cast %broadcast_in_dim3A_251 : vector<16xf32> to vector<1x16xf32>
    tpu.vector_store %arg9[%swap3A_253, %swap3A_254], %swap3A_257 {strides = array<i32>} : memref<8x128xf32, #tpu.memory_space<vmem>>, vector<1x16xf32>,
    %broadcast_in_dim3A_258 = arith.constant 0.000000e+00 : f32
    %broadcast_in_dim3A_259 = vector.broadcast %broadcast_in_dim3A_258 : f32 to vector<16xf32>
    %swap3A_260 = arith.constant 2 : i32
    %swap3A_261 = arith.index_cast %swap3A_260 : i32 to index
    %swap3A_262 = arith.constant 112 : index
    %swap3A_263 = tpu.vector_load %arg9[%swap3A_261, %swap3A_262] {strides = array<i32>} : memref<8x128xf32, #tpu.memory_space<vmem>>, vector<1x16xf32>,
    %swap3A_264 = vector.shape_cast %swap3A_263 : vector<1x16xf32> to vector<16xf32>
    %swap3A_265 = vector.shape_cast %broadcast_in_dim3A_259 : vector<16xf32> to vector<1x16xf32>
    tpu.vector_store %arg9[%swap3A_261, %swap3A_262], %swap3A_265 {strides = array<i32>} : memref<8x128xf32, #tpu.memory_space<vmem>>, vector<1x16xf32>,
    %broadcast_in_dim3A_266 = arith.constant 0.000000e+00 : f32
    %broadcast_in_dim3A_267 = vector.broadcast %broadcast_in_dim3A_266 : f32 to vector<16xf32>
    %swap3A_268 = arith.constant 3 : i32
    %swap3A_269 = arith.index_cast %swap3A_268 : i32 to index
    %swap3A_270 = arith.constant 0 : index
    %swap3A_271 = tpu.vector_load %arg9[%swap3A_269, %swap3A_270] {strides = array<i32>} : memref<8x128xf32, #tpu.memory_space<vmem>>, vector<1x16xf32>,
    %swap3A_272 = vector.shape_cast %swap3A_271 : vector<1x16xf32> to vector<16xf32>
    %swap3A_273 = vector.shape_cast %broadcast_in_dim3A_267 : vector<16xf32> to vector<1x16xf32>
    tpu.vector_store %arg9[%swap3A_269, %swap3A_270], %swap3A_273 {strides = array<i32>} : memref<8x128xf32, #tpu.memory_space<vmem>>, vector<1x16xf32>,
    %broadcast_in_dim3A_274 = arith.constant 0.000000e+00 : f32
    %broadcast_in_dim3A_275 = vector.broadcast %broadcast_in_dim3A_274 : f32 to vector<16xf32>
    %swap3A_276 = arith.constant 3 : i32
    %swap3A_277 = arith.index_cast %swap3A_276 : i32 to index
    %swap3A_278 = arith.constant 16 : index
    %swap3A_279 = tpu.vector_load %arg9[%swap3A_277, %swap3A_278] {strides = array<i32>} : memref<8x128xf32, #tpu.memory_space<vmem>>, vector<1x16xf32>,
    %swap3A_280 = vector.shape_cast %swap3A_279 : vector<1x16xf32> to vector<16xf32>
    %swap3A_281 = vector.shape_cast %broadcast_in_dim3A_275 : vector<16xf32> to vector<1x16xf32>
    tpu.vector_store %arg9[%swap3A_277, %swap3A_278], %swap3A_281 {strides = array<i32>} : memref<8x128xf32, #tpu.memory_space<vmem>>, vector<1x16xf32>,
    %broadcast_in_dim3A_282 = arith.constant 0.000000e+00 : f32
    %broadcast_in_dim3A_283 = vector.broadcast %broadcast_in_dim3A_282 : f32 to vector<16xf32>
    %swap3A_284 = arith.constant 3 : i32
    %swap3A_285 = arith.index_cast %swap3A_284 : i32 to index
    %swap3A_286 = arith.constant 32 : index
    %swap3A_287 = tpu.vector_load %arg9[%swap3A_285, %swap3A_286] {strides = array<i32>} : memref<8x128xf32, #tpu.memory_space<vmem>>, vector<1x16xf32>,
    %swap3A_288 = vector.shape_cast %swap3A_287 : vector<1x16xf32> to vector<16xf32>
    %swap3A_289 = vector.shape_cast %broadcast_in_dim3A_283 : vector<16xf32> to vector<1x16xf32>
    tpu.vector_store %arg9[%swap3A_285, %swap3A_286], %swap3A_289 {strides = array<i32>} : memref<8x128xf32, #tpu.memory_space<vmem>>, vector<1x16xf32>,
    %broadcast_in_dim3A_290 = arith.constant 0.000000e+00 : f32
    %broadcast_in_dim3A_291 = vector.broadcast %broadcast_in_dim3A_290 : f32 to vector<16xf32>
    %swap3A_292 = arith.constant 3 : i32
    %swap3A_293 = arith.index_cast %swap3A_292 : i32 to index
    %swap3A_294 = arith.constant 48 : index
    %swap3A_295 = tpu.vector_load %arg9[%swap3A_293, %swap3A_294] {strides = array<i32>} : memref<8x128xf32, #tpu.memory_space<vmem>>, vector<1x16xf32>,
    %swap3A_296 = vector.shape_cast %swap3A_295 : vector<1x16xf32> to vector<16xf32>
    %swap3A_297 = vector.shape_cast %broadcast_in_dim3A_291 : vector<16xf32> to vector<1x16xf32>
    tpu.vector_store %arg9[%swap3A_293, %swap3A_294], %swap3A_297 {strides = array<i32>} : memref<8x128xf32, #tpu.memory_space<vmem>>, vector<1x16xf32>,
    %broadcast_in_dim3A_298 = arith.constant 0.000000e+00 : f32
    %broadcast_in_dim3A_299 = vector.broadcast %broadcast_in_dim3A_298 : f32 to vector<16xf32>
    %swap3A_300 = arith.constant 3 : i32
    %swap3A_301 = arith.index_cast %swap3A_300 : i32 to index
    %swap3A_302 = arith.constant 64 : index
    %swap3A_303 = tpu.vector_load %arg9[%swap3A_301, %swap3A_302] {strides = array<i32>} : memref<8x128xf32, #tpu.memory_space<vmem>>, vector<1x16xf32>,
    %swap3A_304 = vector.shape_cast %swap3A_303 : vector<1x16xf32> to vector<16xf32>
    %swap3A_305 = vector.shape_cast %broadcast_in_dim3A_299 : vector<16xf32> to vector<1x16xf32>
    tpu.vector_store %arg9[%swap3A_301, %swap3A_302], %swap3A_305 {strides = array<i32>} : memref<8x128xf32, #tpu.memory_space<vmem>>, vector<1x16xf32>,
    %broadcast_in_dim3A_306 = arith.constant 0.000000e+00 : f32
    %broadcast_in_dim3A_307 = vector.broadcast %broadcast_in_dim3A_306 : f32 to vector<16xf32>
    %swap3A_308 = arith.constant 3 : i32
    %swap3A_309 = arith.index_cast %swap3A_308 : i32 to index
    %swap3A_310 = arith.constant 80 : index
    %swap3A_311 = tpu.vector_load %arg9[%swap3A_309, %swap3A_310] {strides = array<i32>} : memref<8x128xf32, #tpu.memory_space<vmem>>, vector<1x16xf32>,
    %swap3A_312 = vector.shape_cast %swap3A_311 : vector<1x16xf32> to vector<16xf32>
    %swap3A_313 = vector.shape_cast %broadcast_in_dim3A_307 : vector<16xf32> to vector<1x16xf32>
    tpu.vector_store %arg9[%swap3A_309, %swap3A_310], %swap3A_313 {strides = array<i32>} : memref<8x128xf32, #tpu.memory_space<vmem>>, vector<1x16xf32>,
    %broadcast_in_dim3A_314 = arith.constant 0.000000e+00 : f32
    %broadcast_in_dim3A_315 = vector.broadcast %broadcast_in_dim3A_314 : f32 to vector<16xf32>
    %swap3A_316 = arith.constant 3 : i32
    %swap3A_317 = arith.index_cast %swap3A_316 : i32 to index
    %swap3A_318 = arith.constant 96 : index
    %swap3A_319 = tpu.vector_load %arg9[%swap3A_317, %swap3A_318] {strides = array<i32>} : memref<8x128xf32, #tpu.memory_space<vmem>>, vector<1x16xf32>,
    %swap3A_320 = vector.shape_cast %swap3A_319 : vector<1x16xf32> to vector<16xf32>
    %swap3A_321 = vector.shape_cast %broadcast_in_dim3A_315 : vector<16xf32> to vector<1x16xf32>
    tpu.vector_store %arg9[%swap3A_317, %swap3A_318], %swap3A_321 {strides = array<i32>} : memref<8x128xf32, #tpu.memory_space<vmem>>, vector<1x16xf32>,
    %broadcast_in_dim3A_322 = arith.constant 0.000000e+00 : f32
    %broadcast_in_dim3A_323 = vector.broadcast %broadcast_in_dim3A_322 : f32 to vector<16xf32>
    %swap3A_324 = arith.constant 3 : i32
    %swap3A_325 = arith.index_cast %swap3A_324 : i32 to index
    %swap3A_326 = arith.constant 112 : index
    %swap3A_327 = tpu.vector_load %arg9[%swap3A_325, %swap3A_326] {strides = array<i32>} : memref<8x128xf32, #tpu.memory_space<vmem>>, vector<1x16xf32>,
    %swap3A_328 = vector.shape_cast %swap3A_327 : vector<1x16xf32> to vector<16xf32>
    %swap3A_329 = vector.shape_cast %broadcast_in_dim3A_323 : vector<16xf32> to vector<1x16xf32>
    tpu.vector_store %arg9[%swap3A_325, %swap3A_326], %swap3A_329 {strides = array<i32>} : memref<8x128xf32, #tpu.memory_space<vmem>>, vector<1x16xf32>,
    %broadcast_in_dim3A_330 = arith.constant 0.000000e+00 : f32
    %broadcast_in_dim3A_331 = vector.broadcast %broadcast_in_dim3A_330 : f32 to vector<16xf32>
    %swap3A_332 = arith.constant 4 : i32
    %swap3A_333 = arith.index_cast %swap3A_332 : i32 to index
    %swap3A_334 = arith.constant 0 : index
    %swap3A_335 = tpu.vector_load %arg9[%swap3A_333, %swap3A_334] {strides = array<i32>} : memref<8x128xf32, #tpu.memory_space<vmem>>, vector<1x16xf32>,
    %swap3A_336 = vector.shape_cast %swap3A_335 : vector<1x16xf32> to vector<16xf32>
    %swap3A_337 = vector.shape_cast %broadcast_in_dim3A_331 : vector<16xf32> to vector<1x16xf32>
    tpu.vector_store %arg9[%swap3A_333, %swap3A_334], %swap3A_337 {strides = array<i32>} : memref<8x128xf32, #tpu.memory_space<vmem>>, vector<1x16xf32>,
    %broadcast_in_dim3A_338 = arith.constant 0.000000e+00 : f32
    %broadcast_in_dim3A_339 = vector.broadcast %broadcast_in_dim3A_338 : f32 to vector<16xf32>
    %swap3A_340 = arith.constant 4 : i32
    %swap3A_341 = arith.index_cast %swap3A_340 : i32 to index
    %swap3A_342 = arith.constant 16 : index
    %swap3A_343 = tpu.vector_load %arg9[%swap3A_341, %swap3A_342] {strides = array<i32>} : memref<8x128xf32, #tpu.memory_space<vmem>>, vector<1x16xf32>,
    %swap3A_344 = vector.shape_cast %swap3A_343 : vector<1x16xf32> to vector<16xf32>
    %swap3A_345 = vector.shape_cast %broadcast_in_dim3A_339 : vector<16xf32> to vector<1x16xf32>
    tpu.vector_store %arg9[%swap3A_341, %swap3A_342], %swap3A_345 {strides = array<i32>} : memref<8x128xf32, #tpu.memory_space<vmem>>, vector<1x16xf32>,
    %broadcast_in_dim3A_346 = arith.constant 0.000000e+00 : f32
    %broadcast_in_dim3A_347 = vector.broadcast %broadcast_in_dim3A_346 : f32 to vector<16xf32>
    %swap3A_348 = arith.constant 4 : i32
    %swap3A_349 = arith.index_cast %swap3A_348 : i32 to index
    %swap3A_350 = arith.constant 32 : index
    %swap3A_351 = tpu.vector_load %arg9[%swap3A_349, %swap3A_350] {strides = array<i32>} : memref<8x128xf32, #tpu.memory_space<vmem>>, vector<1x16xf32>,
    %swap3A_352 = vector.shape_cast %swap3A_351 : vector<1x16xf32> to vector<16xf32>
    %swap3A_353 = vector.shape_cast %broadcast_in_dim3A_347 : vector<16xf32> to vector<1x16xf32>
    tpu.vector_store %arg9[%swap3A_349, %swap3A_350], %swap3A_353 {strides = array<i32>} : memref<8x128xf32, #tpu.memory_space<vmem>>, vector<1x16xf32>,
    %broadcast_in_dim3A_354 = arith.constant 0.000000e+00 : f32
    %broadcast_in_dim3A_355 = vector.broadcast %broadcast_in_dim3A_354 : f32 to vector<16xf32>
    %swap3A_356 = arith.constant 4 : i32
    %swap3A_357 = arith.index_cast %swap3A_356 : i32 to index
    %swap3A_358 = arith.constant 48 : index
    %swap3A_359 = tpu.vector_load %arg9[%swap3A_357, %swap3A_358] {strides = array<i32>} : memref<8x128xf32, #tpu.memory_space<vmem>>, vector<1x16xf32>,
    %swap3A_360 = vector.shape_cast %swap3A_359 : vector<1x16xf32> to vector<16xf32>
    %swap3A_361 = vector.shape_cast %broadcast_in_dim3A_355 : vector<16xf32> to vector<1x16xf32>
    tpu.vector_store %arg9[%swap3A_357, %swap3A_358], %swap3A_361 {strides = array<i32>} : memref<8x128xf32, #tpu.memory_space<vmem>>, vector<1x16xf32>,
    %broadcast_in_dim3A_362 = arith.constant 0.000000e+00 : f32
    %broadcast_in_dim3A_363 = vector.broadcast %broadcast_in_dim3A_362 : f32 to vector<16xf32>
    %swap3A_364 = arith.constant 4 : i32
    %swap3A_365 = arith.index_cast %swap3A_364 : i32 to index
    %swap3A_366 = arith.constant 64 : index
    %swap3A_367 = tpu.vector_load %arg9[%swap3A_365, %swap3A_366] {strides = array<i32>} : memref<8x128xf32, #tpu.memory_space<vmem>>, vector<1x16xf32>,
    %swap3A_368 = vector.shape_cast %swap3A_367 : vector<1x16xf32> to vector<16xf32>
    %swap3A_369 = vector.shape_cast %broadcast_in_dim3A_363 : vector<16xf32> to vector<1x16xf32>
    tpu.vector_store %arg9[%swap3A_365, %swap3A_366], %swap3A_369 {strides = array<i32>} : memref<8x128xf32, #tpu.memory_space<vmem>>, vector<1x16xf32>,
    %broadcast_in_dim3A_370 = arith.constant 0.000000e+00 : f32
    %broadcast_in_dim3A_371 = vector.broadcast %broadcast_in_dim3A_370 : f32 to vector<16xf32>
    %swap3A_372 = arith.constant 4 : i32
    %swap3A_373 = arith.index_cast %swap3A_372 : i32 to index
    %swap3A_374 = arith.constant 80 : index
    %swap3A_375 = tpu.vector_load %arg9[%swap3A_373, %swap3A_374] {strides = array<i32>} : memref<8x128xf32, #tpu.memory_space<vmem>>, vector<1x16xf32>,
    %swap3A_376 = vector.shape_cast %swap3A_375 : vector<1x16xf32> to vector<16xf32>
    %swap3A_377 = vector.shape_cast %broadcast_in_dim3A_371 : vector<16xf32> to vector<1x16xf32>
    tpu.vector_store %arg9[%swap3A_373, %swap3A_374], %swap3A_377 {strides = array<i32>} : memref<8x128xf32, #tpu.memory_space<vmem>>, vector<1x16xf32>,
    %broadcast_in_dim3A_378 = arith.constant 0.000000e+00 : f32
    %broadcast_in_dim3A_379 = vector.broadcast %broadcast_in_dim3A_378 : f32 to vector<16xf32>
    %swap3A_380 = arith.constant 4 : i32
    %swap3A_381 = arith.index_cast %swap3A_380 : i32 to index
    %swap3A_382 = arith.constant 96 : index
    %swap3A_383 = tpu.vector_load %arg9[%swap3A_381, %swap3A_382] {strides = array<i32>} : memref<8x128xf32, #tpu.memory_space<vmem>>, vector<1x16xf32>,
    %swap3A_384 = vector.shape_cast %swap3A_383 : vector<1x16xf32> to vector<16xf32>
    %swap3A_385 = vector.shape_cast %broadcast_in_dim3A_379 : vector<16xf32> to vector<1x16xf32>
    tpu.vector_store %arg9[%swap3A_381, %swap3A_382], %swap3A_385 {strides = array<i32>} : memref<8x128xf32, #tpu.memory_space<vmem>>, vector<1x16xf32>,
    %broadcast_in_dim3A_386 = arith.constant 0.000000e+00 : f32
    %broadcast_in_dim3A_387 = vector.broadcast %broadcast_in_dim3A_386 : f32 to vector<16xf32>
    %swap3A_388 = arith.constant 4 : i32
    %swap3A_389 = arith.index_cast %swap3A_388 : i32 to index
    %swap3A_390 = arith.constant 112 : index
    %swap3A_391 = tpu.vector_load %arg9[%swap3A_389, %swap3A_390] {strides = array<i32>} : memref<8x128xf32, #tpu.memory_space<vmem>>, vector<1x16xf32>,
    %swap3A_392 = vector.shape_cast %swap3A_391 : vector<1x16xf32> to vector<16xf32>
    %swap3A_393 = vector.shape_cast %broadcast_in_dim3A_387 : vector<16xf32> to vector<1x16xf32>
    tpu.vector_store %arg9[%swap3A_389, %swap3A_390], %swap3A_393 {strides = array<i32>} : memref<8x128xf32, #tpu.memory_space<vmem>>, vector<1x16xf32>,
    %broadcast_in_dim3A_394 = arith.constant 0.000000e+00 : f32
    %broadcast_in_dim3A_395 = vector.broadcast %broadcast_in_dim3A_394 : f32 to vector<16xf32>
    %swap3A_396 = arith.constant 5 : i32
    %swap3A_397 = arith.index_cast %swap3A_396 : i32 to index
    %swap3A_398 = arith.constant 0 : index
    %swap3A_399 = tpu.vector_load %arg9[%swap3A_397, %swap3A_398] {strides = array<i32>} : memref<8x128xf32, #tpu.memory_space<vmem>>, vector<1x16xf32>,
    %swap3A_400 = vector.shape_cast %swap3A_399 : vector<1x16xf32> to vector<16xf32>
    %swap3A_401 = vector.shape_cast %broadcast_in_dim3A_395 : vector<16xf32> to vector<1x16xf32>
    tpu.vector_store %arg9[%swap3A_397, %swap3A_398], %swap3A_401 {strides = array<i32>} : memref<8x128xf32, #tpu.memory_space<vmem>>, vector<1x16xf32>,
    %broadcast_in_dim3A_402 = arith.constant 0.000000e+00 : f32
    %broadcast_in_dim3A_403 = vector.broadcast %broadcast_in_dim3A_402 : f32 to vector<16xf32>
    %swap3A_404 = arith.constant 5 : i32
    %swap3A_405 = arith.index_cast %swap3A_404 : i32 to index
    %swap3A_406 = arith.constant 16 : index
    %swap3A_407 = tpu.vector_load %arg9[%swap3A_405, %swap3A_406] {strides = array<i32>} : memref<8x128xf32, #tpu.memory_space<vmem>>, vector<1x16xf32>,
    %swap3A_408 = vector.shape_cast %swap3A_407 : vector<1x16xf32> to vector<16xf32>
    %swap3A_409 = vector.shape_cast %broadcast_in_dim3A_403 : vector<16xf32> to vector<1x16xf32>
    tpu.vector_store %arg9[%swap3A_405, %swap3A_406], %swap3A_409 {strides = array<i32>} : memref<8x128xf32, #tpu.memory_space<vmem>>, vector<1x16xf32>,
    %broadcast_in_dim3A_410 = arith.constant 0.000000e+00 : f32
    %broadcast_in_dim3A_411 = vector.broadcast %broadcast_in_dim3A_410 : f32 to vector<16xf32>
    %swap3A_412 = arith.constant 5 : i32
    %swap3A_413 = arith.index_cast %swap3A_412 : i32 to index
    %swap3A_414 = arith.constant 32 : index
    %swap3A_415 = tpu.vector_load %arg9[%swap3A_413, %swap3A_414] {strides = array<i32>} : memref<8x128xf32, #tpu.memory_space<vmem>>, vector<1x16xf32>,
    %swap3A_416 = vector.shape_cast %swap3A_415 : vector<1x16xf32> to vector<16xf32>
    %swap3A_417 = vector.shape_cast %broadcast_in_dim3A_411 : vector<16xf32> to vector<1x16xf32>
    tpu.vector_store %arg9[%swap3A_413, %swap3A_414], %swap3A_417 {strides = array<i32>} : memref<8x128xf32, #tpu.memory_space<vmem>>, vector<1x16xf32>,
    %broadcast_in_dim3A_418 = arith.constant 0.000000e+00 : f32
    %broadcast_in_dim3A_419 = vector.broadcast %broadcast_in_dim3A_418 : f32 to vector<16xf32>
    %swap3A_420 = arith.constant 5 : i32
    %swap3A_421 = arith.index_cast %swap3A_420 : i32 to index
    %swap3A_422 = arith.constant 48 : index
    %swap3A_423 = tpu.vector_load %arg9[%swap3A_421, %swap3A_422] {strides = array<i32>} : memref<8x128xf32, #tpu.memory_space<vmem>>, vector<1x16xf32>,
    %swap3A_424 = vector.shape_cast %swap3A_423 : vector<1x16xf32> to vector<16xf32>
    %swap3A_425 = vector.shape_cast %broadcast_in_dim3A_419 : vector<16xf32> to vector<1x16xf32>
    tpu.vector_store %arg9[%swap3A_421, %swap3A_422], %swap3A_425 {strides = array<i32>} : memref<8x128xf32, #tpu.memory_space<vmem>>, vector<1x16xf32>,
    %broadcast_in_dim3A_426 = arith.constant 0.000000e+00 : f32
    %broadcast_in_dim3A_427 = vector.broadcast %broadcast_in_dim3A_426 : f32 to vector<16xf32>
    %swap3A_428 = arith.constant 5 : i32
    %swap3A_429 = arith.index_cast %swap3A_428 : i32 to index
    %swap3A_430 = arith.constant 64 : index
    %swap3A_431 = tpu.vector_load %arg9[%swap3A_429, %swap3A_430] {strides = array<i32>} : memref<8x128xf32, #tpu.memory_space<vmem>>, vector<1x16xf32>,
    %swap3A_432 = vector.shape_cast %swap3A_431 : vector<1x16xf32> to vector<16xf32>
    %swap3A_433 = vector.shape_cast %broadcast_in_dim3A_427 : vector<16xf32> to vector<1x16xf32>
    tpu.vector_store %arg9[%swap3A_429, %swap3A_430], %swap3A_433 {strides = array<i32>} : memref<8x128xf32, #tpu.memory_space<vmem>>, vector<1x16xf32>,
    %broadcast_in_dim3A_434 = arith.constant 0.000000e+00 : f32
    %broadcast_in_dim3A_435 = vector.broadcast %broadcast_in_dim3A_434 : f32 to vector<16xf32>
    %swap3A_436 = arith.constant 5 : i32
    %swap3A_437 = arith.index_cast %swap3A_436 : i32 to index
    %swap3A_438 = arith.constant 80 : index
    %swap3A_439 = tpu.vector_load %arg9[%swap3A_437, %swap3A_438] {strides = array<i32>} : memref<8x128xf32, #tpu.memory_space<vmem>>, vector<1x16xf32>,
    %swap3A_440 = vector.shape_cast %swap3A_439 : vector<1x16xf32> to vector<16xf32>
    %swap3A_441 = vector.shape_cast %broadcast_in_dim3A_435 : vector<16xf32> to vector<1x16xf32>
    tpu.vector_store %arg9[%swap3A_437, %swap3A_438], %swap3A_441 {strides = array<i32>} : memref<8x128xf32, #tpu.memory_space<vmem>>, vector<1x16xf32>,
    %broadcast_in_dim3A_442 = arith.constant 0.000000e+00 : f32
    %broadcast_in_dim3A_443 = vector.broadcast %broadcast_in_dim3A_442 : f32 to vector<16xf32>
    %swap3A_444 = arith.constant 5 : i32
    %swap3A_445 = arith.index_cast %swap3A_444 : i32 to index
    %swap3A_446 = arith.constant 96 : index
    %swap3A_447 = tpu.vector_load %arg9[%swap3A_445, %swap3A_446] {strides = array<i32>} : memref<8x128xf32, #tpu.memory_space<vmem>>, vector<1x16xf32>,
    %swap3A_448 = vector.shape_cast %swap3A_447 : vector<1x16xf32> to vector<16xf32>
    %swap3A_449 = vector.shape_cast %broadcast_in_dim3A_443 : vector<16xf32> to vector<1x16xf32>
    tpu.vector_store %arg9[%swap3A_445, %swap3A_446], %swap3A_449 {strides = array<i32>} : memref<8x128xf32, #tpu.memory_space<vmem>>, vector<1x16xf32>,
    %broadcast_in_dim3A_450 = arith.constant 0.000000e+00 : f32
    %broadcast_in_dim3A_451 = vector.broadcast %broadcast_in_dim3A_450 : f32 to vector<16xf32>
    %swap3A_452 = arith.constant 5 : i32
    %swap3A_453 = arith.index_cast %swap3A_452 : i32 to index
    %swap3A_454 = arith.constant 112 : index
    %swap3A_455 = tpu.vector_load %arg9[%swap3A_453, %swap3A_454] {strides = array<i32>} : memref<8x128xf32, #tpu.memory_space<vmem>>, vector<1x16xf32>,
    %swap3A_456 = vector.shape_cast %swap3A_455 : vector<1x16xf32> to vector<16xf32>
    %swap3A_457 = vector.shape_cast %broadcast_in_dim3A_451 : vector<16xf32> to vector<1x16xf32>
    tpu.vector_store %arg9[%swap3A_453, %swap3A_454], %swap3A_457 {strides = array<i32>} : memref<8x128xf32, #tpu.memory_space<vmem>>, vector<1x16xf32>,
    %broadcast_in_dim3A_458 = arith.constant 0.000000e+00 : f32
    %broadcast_in_dim3A_459 = vector.broadcast %broadcast_in_dim3A_458 : f32 to vector<16xf32>
    %swap3A_460 = arith.constant 6 : i32
    %swap3A_461 = arith.index_cast %swap3A_460 : i32 to index
    %swap3A_462 = arith.constant 0 : index
    %swap3A_463 = tpu.vector_load %arg9[%swap3A_461, %swap3A_462] {strides = array<i32>} : memref<8x128xf32, #tpu.memory_space<vmem>>, vector<1x16xf32>,
    %swap3A_464 = vector.shape_cast %swap3A_463 : vector<1x16xf32> to vector<16xf32>
    %swap3A_465 = vector.shape_cast %broadcast_in_dim3A_459 : vector<16xf32> to vector<1x16xf32>
    tpu.vector_store %arg9[%swap3A_461, %swap3A_462], %swap3A_465 {strides = array<i32>} : memref<8x128xf32, #tpu.memory_space<vmem>>, vector<1x16xf32>,
    %broadcast_in_dim3A_466 = arith.constant 0.000000e+00 : f32
    %broadcast_in_dim3A_467 = vector.broadcast %broadcast_in_dim3A_466 : f32 to vector<16xf32>
    %swap3A_468 = arith.constant 6 : i32
    %swap3A_469 = arith.index_cast %swap3A_468 : i32 to index
    %swap3A_470 = arith.constant 16 : index
    %swap3A_471 = tpu.vector_load %arg9[%swap3A_469, %swap3A_470] {strides = array<i32>} : memref<8x128xf32, #tpu.memory_space<vmem>>, vector<1x16xf32>,
    %swap3A_472 = vector.shape_cast %swap3A_471 : vector<1x16xf32> to vector<16xf32>
    %swap3A_473 = vector.shape_cast %broadcast_in_dim3A_467 : vector<16xf32> to vector<1x16xf32>
    tpu.vector_store %arg9[%swap3A_469, %swap3A_470], %swap3A_473 {strides = array<i32>} : memref<8x128xf32, #tpu.memory_space<vmem>>, vector<1x16xf32>,
    %broadcast_in_dim3A_474 = arith.constant 0.000000e+00 : f32
    %broadcast_in_dim3A_475 = vector.broadcast %broadcast_in_dim3A_474 : f32 to vector<16xf32>
    %swap3A_476 = arith.constant 6 : i32
    %swap3A_477 = arith.index_cast %swap3A_476 : i32 to index
    %swap3A_478 = arith.constant 32 : index
    %swap3A_479 = tpu.vector_load %arg9[%swap3A_477, %swap3A_478] {strides = array<i32>} : memref<8x128xf32, #tpu.memory_space<vmem>>, vector<1x16xf32>,
    %swap3A_480 = vector.shape_cast %swap3A_479 : vector<1x16xf32> to vector<16xf32>
    %swap3A_481 = vector.shape_cast %broadcast_in_dim3A_475 : vector<16xf32> to vector<1x16xf32>
    tpu.vector_store %arg9[%swap3A_477, %swap3A_478], %swap3A_481 {strides = array<i32>} : memref<8x128xf32, #tpu.memory_space<vmem>>, vector<1x16xf32>,
    %broadcast_in_dim3A_482 = arith.constant 0.000000e+00 : f32
    %broadcast_in_dim3A_483 = vector.broadcast %broadcast_in_dim3A_482 : f32 to vector<16xf32>
    %swap3A_484 = arith.constant 6 : i32
    %swap3A_485 = arith.index_cast %swap3A_484 : i32 to index
    %swap3A_486 = arith.constant 48 : index
    %swap3A_487 = tpu.vector_load %arg9[%swap3A_485, %swap3A_486] {strides = array<i32>} : memref<8x128xf32, #tpu.memory_space<vmem>>, vector<1x16xf32>,
    %swap3A_488 = vector.shape_cast %swap3A_487 : vector<1x16xf32> to vector<16xf32>
    %swap3A_489 = vector.shape_cast %broadcast_in_dim3A_483 : vector<16xf32> to vector<1x16xf32>
    tpu.vector_store %arg9[%swap3A_485, %swap3A_486], %swap3A_489 {strides = array<i32>} : memref<8x128xf32, #tpu.memory_space<vmem>>, vector<1x16xf32>,
    %broadcast_in_dim3A_490 = arith.constant 0.000000e+00 : f32
    %broadcast_in_dim3A_491 = vector.broadcast %broadcast_in_dim3A_490 : f32 to vector<16xf32>
    %swap3A_492 = arith.constant 6 : i32
    %swap3A_493 = arith.index_cast %swap3A_492 : i32 to index
    %swap3A_494 = arith.constant 64 : index
    %swap3A_495 = tpu.vector_load %arg9[%swap3A_493, %swap3A_494] {strides = array<i32>} : memref<8x128xf32, #tpu.memory_space<vmem>>, vector<1x16xf32>,
    %swap3A_496 = vector.shape_cast %swap3A_495 : vector<1x16xf32> to vector<16xf32>
    %swap3A_497 = vector.shape_cast %broadcast_in_dim3A_491 : vector<16xf32> to vector<1x16xf32>
    tpu.vector_store %arg9[%swap3A_493, %swap3A_494], %swap3A_497 {strides = array<i32>} : memref<8x128xf32, #tpu.memory_space<vmem>>, vector<1x16xf32>,
    %broadcast_in_dim3A_498 = arith.constant 0.000000e+00 : f32
    %broadcast_in_dim3A_499 = vector.broadcast %broadcast_in_dim3A_498 : f32 to vector<16xf32>
    %swap3A_500 = arith.constant 6 : i32
    %swap3A_501 = arith.index_cast %swap3A_500 : i32 to index
    %swap3A_502 = arith.constant 80 : index
    %swap3A_503 = tpu.vector_load %arg9[%swap3A_501, %swap3A_502] {strides = array<i32>} : memref<8x128xf32, #tpu.memory_space<vmem>>, vector<1x16xf32>,
    %swap3A_504 = vector.shape_cast %swap3A_503 : vector<1x16xf32> to vector<16xf32>
    %swap3A_505 = vector.shape_cast %broadcast_in_dim3A_499 : vector<16xf32> to vector<1x16xf32>
    tpu.vector_store %arg9[%swap3A_501, %swap3A_502], %swap3A_505 {strides = array<i32>} : memref<8x128xf32, #tpu.memory_space<vmem>>, vector<1x16xf32>,
    %broadcast_in_dim3A_506 = arith.constant 0.000000e+00 : f32
    %broadcast_in_dim3A_507 = vector.broadcast %broadcast_in_dim3A_506 : f32 to vector<16xf32>
    %swap3A_508 = arith.constant 6 : i32
    %swap3A_509 = arith.index_cast %swap3A_508 : i32 to index
    %swap3A_510 = arith.constant 96 : index
    %swap3A_511 = tpu.vector_load %arg9[%swap3A_509, %swap3A_510] {strides = array<i32>} : memref<8x128xf32, #tpu.memory_space<vmem>>, vector<1x16xf32>,
    %swap3A_512 = vector.shape_cast %swap3A_511 : vector<1x16xf32> to vector<16xf32>
    %swap3A_513 = vector.shape_cast %broadcast_in_dim3A_507 : vector<16xf32> to vector<1x16xf32>
    tpu.vector_store %arg9[%swap3A_509, %swap3A_510], %swap3A_513 {strides = array<i32>} : memref<8x128xf32, #tpu.memory_space<vmem>>, vector<1x16xf32>,
    %broadcast_in_dim3A_514 = arith.constant 0.000000e+00 : f32
    %broadcast_in_dim3A_515 = vector.broadcast %broadcast_in_dim3A_514 : f32 to vector<16xf32>
    %swap3A_516 = arith.constant 6 : i32
    %swap3A_517 = arith.index_cast %swap3A_516 : i32 to index
    %swap3A_518 = arith.constant 112 : index
    %swap3A_519 = tpu.vector_load %arg9[%swap3A_517, %swap3A_518] {strides = array<i32>} : memref<8x128xf32, #tpu.memory_space<vmem>>, vector<1x16xf32>,
    %swap3A_520 = vector.shape_cast %swap3A_519 : vector<1x16xf32> to vector<16xf32>
    %swap3A_521 = vector.shape_cast %broadcast_in_dim3A_515 : vector<16xf32> to vector<1x16xf32>
    tpu.vector_store %arg9[%swap3A_517, %swap3A_518], %swap3A_521 {strides = array<i32>} : memref<8x128xf32, #tpu.memory_space<vmem>>, vector<1x16xf32>,
    %broadcast_in_dim3A_522 = arith.constant 0.000000e+00 : f32
    %broadcast_in_dim3A_523 = vector.broadcast %broadcast_in_dim3A_522 : f32 to vector<16xf32>
    %swap3A_524 = arith.constant 7 : i32
    %swap3A_525 = arith.index_cast %swap3A_524 : i32 to index
    %swap3A_526 = arith.constant 0 : index
    %swap3A_527 = tpu.vector_load %arg9[%swap3A_525, %swap3A_526] {strides = array<i32>} : memref<8x128xf32, #tpu.memory_space<vmem>>, vector<1x16xf32>,
    %swap3A_528 = vector.shape_cast %swap3A_527 : vector<1x16xf32> to vector<16xf32>
    %swap3A_529 = vector.shape_cast %broadcast_in_dim3A_523 : vector<16xf32> to vector<1x16xf32>
    tpu.vector_store %arg9[%swap3A_525, %swap3A_526], %swap3A_529 {strides = array<i32>} : memref<8x128xf32, #tpu.memory_space<vmem>>, vector<1x16xf32>,
    %broadcast_in_dim3A_530 = arith.constant 0.000000e+00 : f32
    %broadcast_in_dim3A_531 = vector.broadcast %broadcast_in_dim3A_530 : f32 to vector<16xf32>
    %swap3A_532 = arith.constant 7 : i32
    %swap3A_533 = arith.index_cast %swap3A_532 : i32 to index
    %swap3A_534 = arith.constant 16 : index
    %swap3A_535 = tpu.vector_load %arg9[%swap3A_533, %swap3A_534] {strides = array<i32>} : memref<8x128xf32, #tpu.memory_space<vmem>>, vector<1x16xf32>,
    %swap3A_536 = vector.shape_cast %swap3A_535 : vector<1x16xf32> to vector<16xf32>
    %swap3A_537 = vector.shape_cast %broadcast_in_dim3A_531 : vector<16xf32> to vector<1x16xf32>
    tpu.vector_store %arg9[%swap3A_533, %swap3A_534], %swap3A_537 {strides = array<i32>} : memref<8x128xf32, #tpu.memory_space<vmem>>, vector<1x16xf32>,
    %broadcast_in_dim3A_538 = arith.constant 0.000000e+00 : f32
    %broadcast_in_dim3A_539 = vector.broadcast %broadcast_in_dim3A_538 : f32 to vector<16xf32>
    %swap3A_540 = arith.constant 7 : i32
    %swap3A_541 = arith.index_cast %swap3A_540 : i32 to index
    %swap3A_542 = arith.constant 32 : index
    %swap3A_543 = tpu.vector_load %arg9[%swap3A_541, %swap3A_542] {strides = array<i32>} : memref<8x128xf32, #tpu.memory_space<vmem>>, vector<1x16xf32>,
    %swap3A_544 = vector.shape_cast %swap3A_543 : vector<1x16xf32> to vector<16xf32>
    %swap3A_545 = vector.shape_cast %broadcast_in_dim3A_539 : vector<16xf32> to vector<1x16xf32>
    tpu.vector_store %arg9[%swap3A_541, %swap3A_542], %swap3A_545 {strides = array<i32>} : memref<8x128xf32, #tpu.memory_space<vmem>>, vector<1x16xf32>,
    %broadcast_in_dim3A_546 = arith.constant 0.000000e+00 : f32
    %broadcast_in_dim3A_547 = vector.broadcast %broadcast_in_dim3A_546 : f32 to vector<16xf32>
    %swap3A_548 = arith.constant 7 : i32
    %swap3A_549 = arith.index_cast %swap3A_548 : i32 to index
    %swap3A_550 = arith.constant 48 : index
    %swap3A_551 = tpu.vector_load %arg9[%swap3A_549, %swap3A_550] {strides = array<i32>} : memref<8x128xf32, #tpu.memory_space<vmem>>, vector<1x16xf32>,
    %swap3A_552 = vector.shape_cast %swap3A_551 : vector<1x16xf32> to vector<16xf32>
    %swap3A_553 = vector.shape_cast %broadcast_in_dim3A_547 : vector<16xf32> to vector<1x16xf32>
    tpu.vector_store %arg9[%swap3A_549, %swap3A_550], %swap3A_553 {strides = array<i32>} : memref<8x128xf32, #tpu.memory_space<vmem>>, vector<1x16xf32>,
    %broadcast_in_dim3A_554 = arith.constant 0.000000e+00 : f32
    %broadcast_in_dim3A_555 = vector.broadcast %broadcast_in_dim3A_554 : f32 to vector<16xf32>
    %swap3A_556 = arith.constant 7 : i32
    %swap3A_557 = arith.index_cast %swap3A_556 : i32 to index
    %swap3A_558 = arith.constant 64 : index
    %swap3A_559 = tpu.vector_load %arg9[%swap3A_557, %swap3A_558] {strides = array<i32>} : memref<8x128xf32, #tpu.memory_space<vmem>>, vector<1x16xf32>,
    %swap3A_560 = vector.shape_cast %swap3A_559 : vector<1x16xf32> to vector<16xf32>
    %swap3A_561 = vector.shape_cast %broadcast_in_dim3A_555 : vector<16xf32> to vector<1x16xf32>
    tpu.vector_store %arg9[%swap3A_557, %swap3A_558], %swap3A_561 {strides = array<i32>} : memref<8x128xf32, #tpu.memory_space<vmem>>, vector<1x16xf32>,
    %broadcast_in_dim3A_562 = arith.constant 0.000000e+00 : f32
    %broadcast_in_dim3A_563 = vector.broadcast %broadcast_in_dim3A_562 : f32 to vector<16xf32>
    %swap3A_564 = arith.constant 7 : i32
    %swap3A_565 = arith.index_cast %swap3A_564 : i32 to index
    %swap3A_566 = arith.constant 80 : index
    %swap3A_567 = tpu.vector_load %arg9[%swap3A_565, %swap3A_566] {strides = array<i32>} : memref<8x128xf32, #tpu.memory_space<vmem>>, vector<1x16xf32>,
    %swap3A_568 = vector.shape_cast %swap3A_567 : vector<1x16xf32> to vector<16xf32>
    %swap3A_569 = vector.shape_cast %broadcast_in_dim3A_563 : vector<16xf32> to vector<1x16xf32>
    tpu.vector_store %arg9[%swap3A_565, %swap3A_566], %swap3A_569 {strides = array<i32>} : memref<8x128xf32, #tpu.memory_space<vmem>>, vector<1x16xf32>,
    %broadcast_in_dim3A_570 = arith.constant 0.000000e+00 : f32
    %broadcast_in_dim3A_571 = vector.broadcast %broadcast_in_dim3A_570 : f32 to vector<16xf32>
    %swap3A_572 = arith.constant 7 : i32
    %swap3A_573 = arith.index_cast %swap3A_572 : i32 to index
    %swap3A_574 = arith.constant 96 : index
    %swap3A_575 = tpu.vector_load %arg9[%swap3A_573, %swap3A_574] {strides = array<i32>} : memref<8x128xf32, #tpu.memory_space<vmem>>, vector<1x16xf32>,
    %swap3A_576 = vector.shape_cast %swap3A_575 : vector<1x16xf32> to vector<16xf32>
    %swap3A_577 = vector.shape_cast %broadcast_in_dim3A_571 : vector<16xf32> to vector<1x16xf32>
    tpu.vector_store %arg9[%swap3A_573, %swap3A_574], %swap3A_577 {strides = array<i32>} : memref<8x128xf32, #tpu.memory_space<vmem>>, vector<1x16xf32>,
    %broadcast_in_dim3A_578 = arith.constant 0.000000e+00 : f32
    %broadcast_in_dim3A_579 = vector.broadcast %broadcast_in_dim3A_578 : f32 to vector<16xf32>
    %swap3A_580 = arith.constant 7 : i32
    %swap3A_581 = arith.index_cast %swap3A_580 : i32 to index
    %swap3A_582 = arith.constant 112 : index
    %swap3A_583 = tpu.vector_load %arg9[%swap3A_581, %swap3A_582] {strides = array<i32>} : memref<8x128xf32, #tpu.memory_space<vmem>>, vector<1x16xf32>,
    %swap3A_584 = vector.shape_cast %swap3A_583 : vector<1x16xf32> to vector<16xf32>
    %swap3A_585 = vector.shape_cast %broadcast_in_dim3A_579 : vector<16xf32> to vector<1x16xf32>
    tpu.vector_store %arg9[%swap3A_581, %swap3A_582], %swap3A_585 {strides = array<i32>} : memref<8x128xf32, #tpu.memory_space<vmem>>, vector<1x16xf32>,
    %scan3A = arith.constant 0 : i32
    %scan3A_586 = arith.constant 0 : i32
    %scan3A_587 = arith.constant 79 : i32
    %scan3A_588 = arith.addi %scan3A_586, %scan3A_587 : i32
    %scan3A_589 = arith.constant 1 : i32
    scf.for %scan3A_766 = %scan3A_586 to %scan3A_588 step %scan3A_589  : i32 {
      %mul3A_767 = arith.constant 632 : i32
      %mul3A_768 = arith.muli %arg1, %mul3A_767 : i32
      %mul3A_769 = arith.constant 8 : i32
      %mul3A_770 = arith.muli %scan3A_766, %mul3A_769 : i32
      %add3A_771 = arith.addi %mul3A_768, %mul3A_770 : i32
      "tpu.region"() ({
        %run_scoped3A = tpu.sem_alloc : memref<!tpu.dma_semaphore, #tpu.memory_space<semaphore_mem>>
        %dma_start3A_772 = arith.constant 0 : i32
        %dma_start3A_773 = tpu.memref_slice %arg10[%add3A_771, %dma_start3A_772] : memref<10112x128xf32, #tpu.memory_space<vmem_shared>> -> memref<8x128xf32, #tpu.memory_space<vmem_shared>>
        %dma_start3A_774 = arith.constant 0 : i32
        %dma_start3A_775 = tpu.memref_slice %arg10[%add3A_771, %dma_start3A_774] : memref<10112x128xf32, #tpu.memory_space<vmem_shared>> -> memref<8x128xf32, #tpu.memory_space<vmem_shared>>
        tpu.enqueue_dma source(%arg9 : memref<8x128xf32, #tpu.memory_space<vmem>>) target(%dma_start3A_775 : memref<8x128xf32, #tpu.memory_space<vmem_shared>>) target_semaphore(%run_scoped3A : memref<!tpu.dma_semaphore, #tpu.memory_space<semaphore_mem>>)
        %dma_wait3A_776 = arith.constant 0 : i32
        %dma_wait3A_777 = tpu.memref_slice %arg10[%add3A_771, %dma_wait3A_776] : memref<10112x128xf32, #tpu.memory_space<vmem_shared>> -> memref<8x128xf32, #tpu.memory_space<vmem_shared>>
        %dma_wait3A_778 = arith.constant 0 : i32
        %dma_wait3A_779 = tpu.memref_slice %arg10[%add3A_771, %dma_wait3A_778] : memref<10112x128xf32, #tpu.memory_space<vmem_shared>> -> memref<8x128xf32, #tpu.memory_space<vmem_shared>>
        tpu.wait_dma2 semaphore(%run_scoped3A : memref<!tpu.dma_semaphore, #tpu.memory_space<semaphore_mem>>) src(%arg9 : memref<8x128xf32, #tpu.memory_space<vmem>>) dst(%dma_wait3A_779 : memref<8x128xf32, #tpu.memory_space<vmem_shared>>)
        tpu.yield
      }) : () -> ()
    }
    %scan3A_590 = arith.constant 79 : i32
    %barrier3A = arith.constant 0 : index
    tpu.barrier barrier_id(%barrier3A)
    %scan3A_591 = arith.constant 0 : i32
    %scan3A_592 = arith.constant 0 : i32
    %scan3A_593 = arith.constant 53 : i32
    %scan3A_594 = arith.addi %scan3A_592, %scan3A_593 : i32
    %scan3A_595 = arith.constant 1 : i32
    scf.for %scan3A_766 = %scan3A_592 to %scan3A_594 step %scan3A_595  : i32 {
      %mul3A_767 = arith.constant 6 : i32
      %mul3A_768 = arith.muli %scan3A_766, %mul3A_767 : i32
      %add3A_769 = arith.constant 0 : i32
      %add3A_770 = arith.addi %mul3A_768, %add3A_769 : i32
      %jit3A = arith.constant 4 : i32
      %div3A = arith.divsi %add3A_770, %jit3A : i32
      %sign3A = arith.constant 0 : i32
      %sign3A_771 = arith.cmpi sgt, %add3A_770, %sign3A : i32
      %sign3A_772 = arith.extui %sign3A_771 : i1 to i32
      %sign3A_773 = arith.constant 0 : i32
      %sign3A_774 = arith.cmpi slt, %add3A_770, %sign3A_773 : i32
      %sign3A_775 = arith.extui %sign3A_774 : i1 to i32
      %sign3A_776 = arith.subi %sign3A_772, %sign3A_775 : i32
      %sign3A_777 = arith.constant 0 : i32
      %sign3A_778 = arith.cmpi sgt, %jit3A, %sign3A_777 : i32
      %sign3A_779 = arith.extui %sign3A_778 : i1 to i32
      %sign3A_780 = arith.constant 0 : i32
      %sign3A_781 = arith.cmpi slt, %jit3A, %sign3A_780 : i32
      %sign3A_782 = arith.extui %sign3A_781 : i1 to i32
      %sign3A_783 = arith.subi %sign3A_779, %sign3A_782 : i32
      %ne3A = arith.cmpi ne, %sign3A_776, %sign3A_783 : i32
      %rem3A = arith.remsi %add3A_770, %jit3A : i32
      %ne3A_784 = arith.constant 0 : i32
      %ne3A_785 = arith.cmpi ne, %rem3A, %ne3A_784 : i32
      %and3A = arith.andi %ne3A, %ne3A_785 : i1
      %sub3A = arith.constant 1 : i32
      %sub3A_786 = arith.subi %div3A, %sub3A : i32
      %select_n3A = arith.select %and3A, %sub3A_786, %div3A : i32
      %jit3A_787 = arith.constant 4 : i32
      %eq3A_788 = arith.constant 0 : i32
      %eq3A_789 = arith.cmpi eq, %jit3A_787, %eq3A_788 : i32
      %jit3A_790 = arith.constant 1 : i32
      %select_n3A_791 = arith.select %eq3A_789, %jit3A_790, %jit3A_787 : i32
      %rem3A_792 = arith.remsi %add3A_770, %select_n3A_791 : i32
      %ne3A_793 = arith.constant 0 : i32
      %ne3A_794 = arith.cmpi ne, %rem3A_792, %ne3A_793 : i32
      %lt3A = arith.constant 0 : i32
      %lt3A_795 = arith.cmpi slt, %rem3A_792, %lt3A : i32
      %lt3A_796 = arith.constant 0 : i32
      %lt3A_797 = arith.cmpi slt, %select_n3A_791, %lt3A_796 : i32
      %ne3A_798 = arith.xori %lt3A_795, %lt3A_797 : i1
      %and3A_799 = arith.andi %ne3A_798, %ne3A_794 : i1
      %add3A_800 = arith.addi %rem3A_792, %select_n3A_791 : i32
      %select_n3A_801 = arith.select %and3A_799, %add3A_800, %rem3A_792 : i32
      %mul3A_802 = arith.constant 32 : i32
      %mul3A_803 = arith.muli %select_n3A_801, %mul3A_802 : i32
      %add3A_804 = arith.constant 0 : i32
      %add3A_805 = arith.addi %mul3A_803, %add3A_804 : i32
      %get3A_806 = arith.index_cast %select_n3A : i32 to index
      %get3A_807 = arith.index_cast %add3A_805 : i32 to index
      %get3A_808 = tpu.vector_load %arg7[%get3A_806, %get3A_807] {strides = array<i32>} : memref<80x128xi32, #tpu.memory_space<vmem>>, vector<1x16xi32>,
      %get3A_809 = vector.shape_cast %get3A_808 : vector<1x16xi32> to vector<16xi32>
      %swap3A_810 = arith.constant 0 : index
      %swap3A_811 = tpu.vector_load %arg11[%swap3A_810] {strides = array<i32>} : memref<32xi32, #tpu.memory_space<vmem>>, vector<16xi32>,
      %swap3A_812 = vector.shape_cast %swap3A_811 : vector<16xi32> to vector<16xi32>
      %swap3A_813 = vector.shape_cast %get3A_809 : vector<16xi32> to vector<16xi32>
      tpu.vector_store %arg11[%swap3A_810], %swap3A_813 {strides = array<i32>} : memref<32xi32, #tpu.memory_space<vmem>>, vector<16xi32>,
      %add3A_814 = arith.constant 16 : i32
      %add3A_815 = arith.addi %mul3A_803, %add3A_814 : i32
      %get3A_816 = arith.index_cast %select_n3A : i32 to index
      %get3A_817 = arith.index_cast %add3A_815 : i32 to index
      %get3A_818 = tpu.vector_load %arg7[%get3A_816, %get3A_817] {strides = array<i32>} : memref<80x128xi32, #tpu.memory_space<vmem>>, vector<1x16xi32>,
      %get3A_819 = vector.shape_cast %get3A_818 : vector<1x16xi32> to vector<16xi32>
      %swap3A_820 = arith.constant 16 : index
      %swap3A_821 = tpu.vector_load %arg11[%swap3A_820] {strides = array<i32>} : memref<32xi32, #tpu.memory_space<vmem>>, vector<16xi32>,
      %swap3A_822 = vector.shape_cast %swap3A_821 : vector<16xi32> to vector<16xi32>
      %swap3A_823 = vector.shape_cast %get3A_819 : vector<16xi32> to vector<16xi32>
      tpu.vector_store %arg11[%swap3A_820], %swap3A_823 {strides = array<i32>} : memref<32xi32, #tpu.memory_space<vmem>>, vector<16xi32>,
      %add3A_824 = arith.constant 0 : i32
      %add3A_825 = arith.addi %mul3A_768, %add3A_824 : i32
      %jit3A_826 = arith.constant 4 : i32
      %div3A_827 = arith.divsi %add3A_825, %jit3A_826 : i32
      %sign3A_828 = arith.constant 0 : i32
      %sign3A_829 = arith.cmpi sgt, %add3A_825, %sign3A_828 : i32
      %sign3A_830 = arith.extui %sign3A_829 : i1 to i32
      %sign3A_831 = arith.constant 0 : i32
      %sign3A_832 = arith.cmpi slt, %add3A_825, %sign3A_831 : i32
      %sign3A_833 = arith.extui %sign3A_832 : i1 to i32
      %sign3A_834 = arith.subi %sign3A_830, %sign3A_833 : i32
      %sign3A_835 = arith.constant 0 : i32
      %sign3A_836 = arith.cmpi sgt, %jit3A_826, %sign3A_835 : i32
      %sign3A_837 = arith.extui %sign3A_836 : i1 to i32
      %sign3A_838 = arith.constant 0 : i32
      %sign3A_839 = arith.cmpi slt, %jit3A_826, %sign3A_838 : i32
      %sign3A_840 = arith.extui %sign3A_839 : i1 to i32
      %sign3A_841 = arith.subi %sign3A_837, %sign3A_840 : i32
      %ne3A_842 = arith.cmpi ne, %sign3A_834, %sign3A_841 : i32
      %rem3A_843 = arith.remsi %add3A_825, %jit3A_826 : i32
      %ne3A_844 = arith.constant 0 : i32
      %ne3A_845 = arith.cmpi ne, %rem3A_843, %ne3A_844 : i32
      %and3A_846 = arith.andi %ne3A_842, %ne3A_845 : i1
      %sub3A_847 = arith.constant 1 : i32
      %sub3A_848 = arith.subi %div3A_827, %sub3A_847 : i32
      %select_n3A_849 = arith.select %and3A_846, %sub3A_848, %div3A_827 : i32
      %jit3A_850 = arith.constant 4 : i32
      %eq3A_851 = arith.constant 0 : i32
      %eq3A_852 = arith.cmpi eq, %jit3A_850, %eq3A_851 : i32
      %jit3A_853 = arith.constant 1 : i32
      %select_n3A_854 = arith.select %eq3A_852, %jit3A_853, %jit3A_850 : i32
      %rem3A_855 = arith.remsi %add3A_825, %select_n3A_854 : i32
      %ne3A_856 = arith.constant 0 : i32
      %ne3A_857 = arith.cmpi ne, %rem3A_855, %ne3A_856 : i32
      %lt3A_858 = arith.constant 0 : i32
      %lt3A_859 = arith.cmpi slt, %rem3A_855, %lt3A_858 : i32
      %lt3A_860 = arith.constant 0 : i32
      %lt3A_861 = arith.cmpi slt, %select_n3A_854, %lt3A_860 : i32
      %ne3A_862 = arith.xori %lt3A_859, %lt3A_861 : i1
      %and3A_863 = arith.andi %ne3A_862, %ne3A_857 : i1
      %add3A_864 = arith.addi %rem3A_855, %select_n3A_854 : i32
      %select_n3A_865 = arith.select %and3A_863, %add3A_864, %rem3A_855 : i32
      %mul3A_866 = arith.constant 32 : i32
      %mul3A_867 = arith.muli %select_n3A_865, %mul3A_866 : i32
      %dma_wait3A_868 = arith.constant 0 : i32
      %dma_wait3A_869 = arith.constant 0 : i32
      %dma_wait3A_870 = arith.constant 0 : i32
      %dma_wait3A_871 = tpu.memref_slice %arg8[%dma_wait3A_868, %dma_wait3A_869, %dma_wait3A_870] : memref<6x32x128xf32, #tpu.memory_space<vmem>> -> memref<1x32x128xf32, #tpu.memory_space<vmem>>
      %dma_wait3A_872 = tpu.memref_squeeze %dma_wait3A_871 : memref<1x32x128xf32, #tpu.memory_space<vmem>> -> memref<32x128xf32, #tpu.memory_space<vmem>>
      %dma_wait3A_873 = tpu.memref_slice %arg6[%select_n3A_849, %mul3A_867] : memref<80x128xi32, #tpu.memory_space<vmem>> -> memref<1x32xi32, #tpu.memory_space<vmem>>
      %dma_wait3A_874 = tpu.memref_squeeze %dma_wait3A_873 : memref<1x32xi32, #tpu.memory_space<vmem>> -> memref<32xi32, #tpu.memory_space<vmem>>
      %dma_wait3A_875 = arith.constant 0 : i32
      %dma_wait3A_876 = arith.constant 0 : i32
      %dma_wait3A_877 = tpu.memref_slice %arg2[%dma_wait3A_875, %dma_wait3A_876] : memref<10000x128xf32, #tpu.memory_space<hbm>> -> memref<10000x128xf32, #tpu.memory_space<hbm>>
      tpu.wait_indirect_dma semaphore(%arg17 : memref<!tpu.dma_semaphore, #tpu.memory_space<semaphore_mem>>) src(%dma_wait3A_877 : memref<10000x128xf32, #tpu.memory_space<hbm>>) dst(%dma_wait3A_872 : memref<32x128xf32, #tpu.memory_space<vmem>>)
      %dma_start3A_878 = arith.constant 0 : i32
      %dma_start3A_879 = arith.constant 0 : i32
      %dma_start3A_880 = arith.constant 0 : i32
      %dma_start3A_881 = tpu.memref_slice %arg8[%dma_start3A_878, %dma_start3A_879, %dma_start3A_880] : memref<6x32x128xf32, #tpu.memory_space<vmem>> -> memref<1x32x128xf32, #tpu.memory_space<vmem>>
      %dma_start3A_882 = tpu.memref_squeeze %dma_start3A_881 : memref<1x32x128xf32, #tpu.memory_space<vmem>> -> memref<32x128xf32, #tpu.memory_space<vmem>>
      %dma_start3A_883 = arith.constant 0 : i32
      %dma_start3A_884 = arith.constant 0 : i32
      %dma_start3A_885 = tpu.memref_slice %arg10[%dma_start3A_883, %dma_start3A_884] : memref<10112x128xf32, #tpu.memory_space<vmem_shared>> -> memref<10112x128xf32, #tpu.memory_space<vmem_shared>>
      tpu.enqueue_indirect_dma source(%dma_start3A_882 : memref<32x128xf32, #tpu.memory_space<vmem>>) target(%dma_start3A_885 : memref<10112x128xf32, #tpu.memory_space<vmem_shared>>) offsets(%arg11 : memref<32xi32, #tpu.memory_space<vmem>>) semaphore(%arg23 : memref<!tpu.dma_semaphore, #tpu.memory_space<semaphore_mem>>) {add = true}
      %add3A_886 = arith.constant 1 : i32
      %add3A_887 = arith.addi %mul3A_768, %add3A_886 : i32
      %jit3A_888 = arith.constant 4 : i32
      %div3A_889 = arith.divsi %add3A_887, %jit3A_888 : i32
      %sign3A_890 = arith.constant 0 : i32
      %sign3A_891 = arith.cmpi sgt, %add3A_887, %sign3A_890 : i32
      %sign3A_892 = arith.extui %sign3A_891 : i1 to i32
      %sign3A_893 = arith.constant 0 : i32
      %sign3A_894 = arith.cmpi slt, %add3A_887, %sign3A_893 : i32
      %sign3A_895 = arith.extui %sign3A_894 : i1 to i32
      %sign3A_896 = arith.subi %sign3A_892, %sign3A_895 : i32
      %sign3A_897 = arith.constant 0 : i32
      %sign3A_898 = arith.cmpi sgt, %jit3A_888, %sign3A_897 : i32
      %sign3A_899 = arith.extui %sign3A_898 : i1 to i32
      %sign3A_900 = arith.constant 0 : i32
      %sign3A_901 = arith.cmpi slt, %jit3A_888, %sign3A_900 : i32
      %sign3A_902 = arith.extui %sign3A_901 : i1 to i32
      %sign3A_903 = arith.subi %sign3A_899, %sign3A_902 : i32
      %ne3A_904 = arith.cmpi ne, %sign3A_896, %sign3A_903 : i32
      %rem3A_905 = arith.remsi %add3A_887, %jit3A_888 : i32
      %ne3A_906 = arith.constant 0 : i32
      %ne3A_907 = arith.cmpi ne, %rem3A_905, %ne3A_906 : i32
      %and3A_908 = arith.andi %ne3A_904, %ne3A_907 : i1
      %sub3A_909 = arith.constant 1 : i32
      %sub3A_910 = arith.subi %div3A_889, %sub3A_909 : i32
      %select_n3A_911 = arith.select %and3A_908, %sub3A_910, %div3A_889 : i32
      %jit3A_912 = arith.constant 4 : i32
      %eq3A_913 = arith.constant 0 : i32
      %eq3A_914 = arith.cmpi eq, %jit3A_912, %eq3A_913 : i32
      %jit3A_915 = arith.constant 1 : i32
      %select_n3A_916 = arith.select %eq3A_914, %jit3A_915, %jit3A_912 : i32
      %rem3A_917 = arith.remsi %add3A_887, %select_n3A_916 : i32
      %ne3A_918 = arith.constant 0 : i32
      %ne3A_919 = arith.cmpi ne, %rem3A_917, %ne3A_918 : i32
      %lt3A_920 = arith.constant 0 : i32
      %lt3A_921 = arith.cmpi slt, %rem3A_917, %lt3A_920 : i32
      %lt3A_922 = arith.constant 0 : i32
      %lt3A_923 = arith.cmpi slt, %select_n3A_916, %lt3A_922 : i32
      %ne3A_924 = arith.xori %lt3A_921, %lt3A_923 : i1
      %and3A_925 = arith.andi %ne3A_924, %ne3A_919 : i1
      %add3A_926 = arith.addi %rem3A_917, %select_n3A_916 : i32
      %select_n3A_927 = arith.select %and3A_925, %add3A_926, %rem3A_917 : i32
      %mul3A_928 = arith.constant 32 : i32
      %mul3A_929 = arith.muli %select_n3A_927, %mul3A_928 : i32
      %add3A_930 = arith.constant 0 : i32
      %add3A_931 = arith.addi %mul3A_929, %add3A_930 : i32
      %get3A_932 = arith.index_cast %select_n3A_911 : i32 to index
      %get3A_933 = arith.index_cast %add3A_931 : i32 to index
      %get3A_934 = tpu.vector_load %arg7[%get3A_932, %get3A_933] {strides = array<i32>} : memref<80x128xi32, #tpu.memory_space<vmem>>, vector<1x16xi32>,
      %get3A_935 = vector.shape_cast %get3A_934 : vector<1x16xi32> to vector<16xi32>
      %swap3A_936 = arith.constant 0 : index
      %swap3A_937 = tpu.vector_load %arg12[%swap3A_936] {strides = array<i32>} : memref<32xi32, #tpu.memory_space<vmem>>, vector<16xi32>,
      %swap3A_938 = vector.shape_cast %swap3A_937 : vector<16xi32> to vector<16xi32>
      %swap3A_939 = vector.shape_cast %get3A_935 : vector<16xi32> to vector<16xi32>
      tpu.vector_store %arg12[%swap3A_936], %swap3A_939 {strides = array<i32>} : memref<32xi32, #tpu.memory_space<vmem>>, vector<16xi32>,
      %add3A_940 = arith.constant 16 : i32
      %add3A_941 = arith.addi %mul3A_929, %add3A_940 : i32
      %get3A_942 = arith.index_cast %select_n3A_911 : i32 to index
      %get3A_943 = arith.index_cast %add3A_941 : i32 to index
      %get3A_944 = tpu.vector_load %arg7[%get3A_942, %get3A_943] {strides = array<i32>} : memref<80x128xi32, #tpu.memory_space<vmem>>, vector<1x16xi32>,
      %get3A_945 = vector.shape_cast %get3A_944 : vector<1x16xi32> to vector<16xi32>
      %swap3A_946 = arith.constant 16 : index
      %swap3A_947 = tpu.vector_load %arg12[%swap3A_946] {strides = array<i32>} : memref<32xi32, #tpu.memory_space<vmem>>, vector<16xi32>,
      %swap3A_948 = vector.shape_cast %swap3A_947 : vector<16xi32> to vector<16xi32>
      %swap3A_949 = vector.shape_cast %get3A_945 : vector<16xi32> to vector<16xi32>
      tpu.vector_store %arg12[%swap3A_946], %swap3A_949 {strides = array<i32>} : memref<32xi32, #tpu.memory_space<vmem>>, vector<16xi32>,
      %add3A_950 = arith.constant 1 : i32
      %add3A_951 = arith.addi %mul3A_768, %add3A_950 : i32
      %jit3A_952 = arith.constant 4 : i32
      %div3A_953 = arith.divsi %add3A_951, %jit3A_952 : i32
      %sign3A_954 = arith.constant 0 : i32
      %sign3A_955 = arith.cmpi sgt, %add3A_951, %sign3A_954 : i32
      %sign3A_956 = arith.extui %sign3A_955 : i1 to i32
      %sign3A_957 = arith.constant 0 : i32
      %sign3A_958 = arith.cmpi slt, %add3A_951, %sign3A_957 : i32
      %sign3A_959 = arith.extui %sign3A_958 : i1 to i32
      %sign3A_960 = arith.subi %sign3A_956, %sign3A_959 : i32
      %sign3A_961 = arith.constant 0 : i32
      %sign3A_962 = arith.cmpi sgt, %jit3A_952, %sign3A_961 : i32
      %sign3A_963 = arith.extui %sign3A_962 : i1 to i32
      %sign3A_964 = arith.constant 0 : i32
      %sign3A_965 = arith.cmpi slt, %jit3A_952, %sign3A_964 : i32
      %sign3A_966 = arith.extui %sign3A_965 : i1 to i32
      %sign3A_967 = arith.subi %sign3A_963, %sign3A_966 : i32
      %ne3A_968 = arith.cmpi ne, %sign3A_960, %sign3A_967 : i32
      %rem3A_969 = arith.remsi %add3A_951, %jit3A_952 : i32
      %ne3A_970 = arith.constant 0 : i32
      %ne3A_971 = arith.cmpi ne, %rem3A_969, %ne3A_970 : i32
      %and3A_972 = arith.andi %ne3A_968, %ne3A_971 : i1
      %sub3A_973 = arith.constant 1 : i32
      %sub3A_974 = arith.subi %div3A_953, %sub3A_973 : i32
      %select_n3A_975 = arith.select %and3A_972, %sub3A_974, %div3A_953 : i32
      %jit3A_976 = arith.constant 4 : i32
      %eq3A_977 = arith.constant 0 : i32
      %eq3A_978 = arith.cmpi eq, %jit3A_976, %eq3A_977 : i32
      %jit3A_979 = arith.constant 1 : i32
      %select_n3A_980 = arith.select %eq3A_978, %jit3A_979, %jit3A_976 : i32
      %rem3A_981 = arith.remsi %add3A_951, %select_n3A_980 : i32
      %ne3A_982 = arith.constant 0 : i32
      %ne3A_983 = arith.cmpi ne, %rem3A_981, %ne3A_982 : i32
      %lt3A_984 = arith.constant 0 : i32
      %lt3A_985 = arith.cmpi slt, %rem3A_981, %lt3A_984 : i32
      %lt3A_986 = arith.constant 0 : i32
      %lt3A_987 = arith.cmpi slt, %select_n3A_980, %lt3A_986 : i32
      %ne3A_988 = arith.xori %lt3A_985, %lt3A_987 : i1
      %and3A_989 = arith.andi %ne3A_988, %ne3A_983 : i1
      %add3A_990 = arith.addi %rem3A_981, %select_n3A_980 : i32
      %select_n3A_991 = arith.select %and3A_989, %add3A_990, %rem3A_981 : i32
      %mul3A_992 = arith.constant 32 : i32
      %mul3A_993 = arith.muli %select_n3A_991, %mul3A_992 : i32
      %dma_wait3A_994 = arith.constant 1 : i32
      %dma_wait3A_995 = arith.constant 0 : i32
      %dma_wait3A_996 = arith.constant 0 : i32
      %dma_wait3A_997 = tpu.memref_slice %arg8[%dma_wait3A_994, %dma_wait3A_995, %dma_wait3A_996] : memref<6x32x128xf32, #tpu.memory_space<vmem>> -> memref<1x32x128xf32, #tpu.memory_space<vmem>>
      %dma_wait3A_998 = tpu.memref_squeeze %dma_wait3A_997 : memref<1x32x128xf32, #tpu.memory_space<vmem>> -> memref<32x128xf32, #tpu.memory_space<vmem>>
      %dma_wait3A_999 = tpu.memref_slice %arg6[%select_n3A_975, %mul3A_993] : memref<80x128xi32, #tpu.memory_space<vmem>> -> memref<1x32xi32, #tpu.memory_space<vmem>>
      %dma_wait3A_1000 = tpu.memref_squeeze %dma_wait3A_999 : memref<1x32xi32, #tpu.memory_space<vmem>> -> memref<32xi32, #tpu.memory_space<vmem>>
      %dma_wait3A_1001 = arith.constant 0 : i32
      %dma_wait3A_1002 = arith.constant 0 : i32
      %dma_wait3A_1003 = tpu.memref_slice %arg2[%dma_wait3A_1001, %dma_wait3A_1002] : memref<10000x128xf32, #tpu.memory_space<hbm>> -> memref<10000x128xf32, #tpu.memory_space<hbm>>
      tpu.wait_indirect_dma semaphore(%arg18 : memref<!tpu.dma_semaphore, #tpu.memory_space<semaphore_mem>>) src(%dma_wait3A_1003 : memref<10000x128xf32, #tpu.memory_space<hbm>>) dst(%dma_wait3A_998 : memref<32x128xf32, #tpu.memory_space<vmem>>)
      %dma_start3A_1004 = arith.constant 1 : i32
      %dma_start3A_1005 = arith.constant 0 : i32
      %dma_start3A_1006 = arith.constant 0 : i32
      %dma_start3A_1007 = tpu.memref_slice %arg8[%dma_start3A_1004, %dma_start3A_1005, %dma_start3A_1006] : memref<6x32x128xf32, #tpu.memory_space<vmem>> -> memref<1x32x128xf32, #tpu.memory_space<vmem>>
      %dma_start3A_1008 = tpu.memref_squeeze %dma_start3A_1007 : memref<1x32x128xf32, #tpu.memory_space<vmem>> -> memref<32x128xf32, #tpu.memory_space<vmem>>
      %dma_start3A_1009 = arith.constant 0 : i32
      %dma_start3A_1010 = arith.constant 0 : i32
      %dma_start3A_1011 = tpu.memref_slice %arg10[%dma_start3A_1009, %dma_start3A_1010] : memref<10112x128xf32, #tpu.memory_space<vmem_shared>> -> memref<10112x128xf32, #tpu.memory_space<vmem_shared>>
      tpu.enqueue_indirect_dma source(%dma_start3A_1008 : memref<32x128xf32, #tpu.memory_space<vmem>>) target(%dma_start3A_1011 : memref<10112x128xf32, #tpu.memory_space<vmem_shared>>) offsets(%arg12 : memref<32xi32, #tpu.memory_space<vmem>>) semaphore(%arg24 : memref<!tpu.dma_semaphore, #tpu.memory_space<semaphore_mem>>) {add = true}
      %add3A_1012 = arith.constant 2 : i32
      %add3A_1013 = arith.addi %mul3A_768, %add3A_1012 : i32
      %jit3A_1014 = arith.constant 4 : i32
      %div3A_1015 = arith.divsi %add3A_1013, %jit3A_1014 : i32
      %sign3A_1016 = arith.constant 0 : i32
      %sign3A_1017 = arith.cmpi sgt, %add3A_1013, %sign3A_1016 : i32
      %sign3A_1018 = arith.extui %sign3A_1017 : i1 to i32
      %sign3A_1019 = arith.constant 0 : i32
      %sign3A_1020 = arith.cmpi slt, %add3A_1013, %sign3A_1019 : i32
      %sign3A_1021 = arith.extui %sign3A_1020 : i1 to i32
      %sign3A_1022 = arith.subi %sign3A_1018, %sign3A_1021 : i32
      %sign3A_1023 = arith.constant 0 : i32
      %sign3A_1024 = arith.cmpi sgt, %jit3A_1014, %sign3A_1023 : i32
      %sign3A_1025 = arith.extui %sign3A_1024 : i1 to i32
      %sign3A_1026 = arith.constant 0 : i32
      %sign3A_1027 = arith.cmpi slt, %jit3A_1014, %sign3A_1026 : i32
      %sign3A_1028 = arith.extui %sign3A_1027 : i1 to i32
      %sign3A_1029 = arith.subi %sign3A_1025, %sign3A_1028 : i32
      %ne3A_1030 = arith.cmpi ne, %sign3A_1022, %sign3A_1029 : i32
      %rem3A_1031 = arith.remsi %add3A_1013, %jit3A_1014 : i32
      %ne3A_1032 = arith.constant 0 : i32
      %ne3A_1033 = arith.cmpi ne, %rem3A_1031, %ne3A_1032 : i32
      %and3A_1034 = arith.andi %ne3A_1030, %ne3A_1033 : i1
      %sub3A_1035 = arith.constant 1 : i32
      %sub3A_1036 = arith.subi %div3A_1015, %sub3A_1035 : i32
      %select_n3A_1037 = arith.select %and3A_1034, %sub3A_1036, %div3A_1015 : i32
      %jit3A_1038 = arith.constant 4 : i32
      %eq3A_1039 = arith.constant 0 : i32
      %eq3A_1040 = arith.cmpi eq, %jit3A_1038, %eq3A_1039 : i32
      %jit3A_1041 = arith.constant 1 : i32
      %select_n3A_1042 = arith.select %eq3A_1040, %jit3A_1041, %jit3A_1038 : i32
      %rem3A_1043 = arith.remsi %add3A_1013, %select_n3A_1042 : i32
      %ne3A_1044 = arith.constant 0 : i32
      %ne3A_1045 = arith.cmpi ne, %rem3A_1043, %ne3A_1044 : i32
      %lt3A_1046 = arith.constant 0 : i32
      %lt3A_1047 = arith.cmpi slt, %rem3A_1043, %lt3A_1046 : i32
      %lt3A_1048 = arith.constant 0 : i32
      %lt3A_1049 = arith.cmpi slt, %select_n3A_1042, %lt3A_1048 : i32
      %ne3A_1050 = arith.xori %lt3A_1047, %lt3A_1049 : i1
      %and3A_1051 = arith.andi %ne3A_1050, %ne3A_1045 : i1
      %add3A_1052 = arith.addi %rem3A_1043, %select_n3A_1042 : i32
      %select_n3A_1053 = arith.select %and3A_1051, %add3A_1052, %rem3A_1043 : i32
      %mul3A_1054 = arith.constant 32 : i32
      %mul3A_1055 = arith.muli %select_n3A_1053, %mul3A_1054 : i32
      %add3A_1056 = arith.constant 0 : i32
      %add3A_1057 = arith.addi %mul3A_1055, %add3A_1056 : i32
      %get3A_1058 = arith.index_cast %select_n3A_1037 : i32 to index
      %get3A_1059 = arith.index_cast %add3A_1057 : i32 to index
      %get3A_1060 = tpu.vector_load %arg7[%get3A_1058, %get3A_1059] {strides = array<i32>} : memref<80x128xi32, #tpu.memory_space<vmem>>, vector<1x16xi32>,
      %get3A_1061 = vector.shape_cast %get3A_1060 : vector<1x16xi32> to vector<16xi32>
      %swap3A_1062 = arith.constant 0 : index
      %swap3A_1063 = tpu.vector_load %arg13[%swap3A_1062] {strides = array<i32>} : memref<32xi32, #tpu.memory_space<vmem>>, vector<16xi32>,
      %swap3A_1064 = vector.shape_cast %swap3A_1063 : vector<16xi32> to vector<16xi32>
      %swap3A_1065 = vector.shape_cast %get3A_1061 : vector<16xi32> to vector<16xi32>
      tpu.vector_store %arg13[%swap3A_1062], %swap3A_1065 {strides = array<i32>} : memref<32xi32, #tpu.memory_space<vmem>>, vector<16xi32>,
      %add3A_1066 = arith.constant 16 : i32
      %add3A_1067 = arith.addi %mul3A_1055, %add3A_1066 : i32
      %get3A_1068 = arith.index_cast %select_n3A_1037 : i32 to index
      %get3A_1069 = arith.index_cast %add3A_1067 : i32 to index
      %get3A_1070 = tpu.vector_load %arg7[%get3A_1068, %get3A_1069] {strides = array<i32>} : memref<80x128xi32, #tpu.memory_space<vmem>>, vector<1x16xi32>,
      %get3A_1071 = vector.shape_cast %get3A_1070 : vector<1x16xi32> to vector<16xi32>
      %swap3A_1072 = arith.constant 16 : index
      %swap3A_1073 = tpu.vector_load %arg13[%swap3A_1072] {strides = array<i32>} : memref<32xi32, #tpu.memory_space<vmem>>, vector<16xi32>,
      %swap3A_1074 = vector.shape_cast %swap3A_1073 : vector<16xi32> to vector<16xi32>
      %swap3A_1075 = vector.shape_cast %get3A_1071 : vector<16xi32> to vector<16xi32>
      tpu.vector_store %arg13[%swap3A_1072], %swap3A_1075 {strides = array<i32>} : memref<32xi32, #tpu.memory_space<vmem>>, vector<16xi32>,
      %add3A_1076 = arith.constant 2 : i32
      %add3A_1077 = arith.addi %mul3A_768, %add3A_1076 : i32
      %jit3A_1078 = arith.constant 4 : i32
      %div3A_1079 = arith.divsi %add3A_1077, %jit3A_1078 : i32
      %sign3A_1080 = arith.constant 0 : i32
      %sign3A_1081 = arith.cmpi sgt, %add3A_1077, %sign3A_1080 : i32
      %sign3A_1082 = arith.extui %sign3A_1081 : i1 to i32
      %sign3A_1083 = arith.constant 0 : i32
      %sign3A_1084 = arith.cmpi slt, %add3A_1077, %sign3A_1083 : i32
      %sign3A_1085 = arith.extui %sign3A_1084 : i1 to i32
      %sign3A_1086 = arith.subi %sign3A_1082, %sign3A_1085 : i32
      %sign3A_1087 = arith.constant 0 : i32
      %sign3A_1088 = arith.cmpi sgt, %jit3A_1078, %sign3A_1087 : i32
      %sign3A_1089 = arith.extui %sign3A_1088 : i1 to i32
      %sign3A_1090 = arith.constant 0 : i32
      %sign3A_1091 = arith.cmpi slt, %jit3A_1078, %sign3A_1090 : i32
      %sign3A_1092 = arith.extui %sign3A_1091 : i1 to i32
      %sign3A_1093 = arith.subi %sign3A_1089, %sign3A_1092 : i32
      %ne3A_1094 = arith.cmpi ne, %sign3A_1086, %sign3A_1093 : i32
      %rem3A_1095 = arith.remsi %add3A_1077, %jit3A_1078 : i32
      %ne3A_1096 = arith.constant 0 : i32
      %ne3A_1097 = arith.cmpi ne, %rem3A_1095, %ne3A_1096 : i32
      %and3A_1098 = arith.andi %ne3A_1094, %ne3A_1097 : i1
      %sub3A_1099 = arith.constant 1 : i32
      %sub3A_1100 = arith.subi %div3A_1079, %sub3A_1099 : i32
      %select_n3A_1101 = arith.select %and3A_1098, %sub3A_1100, %div3A_1079 : i32
      %jit3A_1102 = arith.constant 4 : i32
      %eq3A_1103 = arith.constant 0 : i32
      %eq3A_1104 = arith.cmpi eq, %jit3A_1102, %eq3A_1103 : i32
      %jit3A_1105 = arith.constant 1 : i32
      %select_n3A_1106 = arith.select %eq3A_1104, %jit3A_1105, %jit3A_1102 : i32
      %rem3A_1107 = arith.remsi %add3A_1077, %select_n3A_1106 : i32
      %ne3A_1108 = arith.constant 0 : i32
      %ne3A_1109 = arith.cmpi ne, %rem3A_1107, %ne3A_1108 : i32
      %lt3A_1110 = arith.constant 0 : i32
      %lt3A_1111 = arith.cmpi slt, %rem3A_1107, %lt3A_1110 : i32
      %lt3A_1112 = arith.constant 0 : i32
      %lt3A_1113 = arith.cmpi slt, %select_n3A_1106, %lt3A_1112 : i32
      %ne3A_1114 = arith.xori %lt3A_1111, %lt3A_1113 : i1
      %and3A_1115 = arith.andi %ne3A_1114, %ne3A_1109 : i1
      %add3A_1116 = arith.addi %rem3A_1107, %select_n3A_1106 : i32
      %select_n3A_1117 = arith.select %and3A_1115, %add3A_1116, %rem3A_1107 : i32
      %mul3A_1118 = arith.constant 32 : i32
      %mul3A_1119 = arith.muli %select_n3A_1117, %mul3A_1118 : i32
      %dma_wait3A_1120 = arith.constant 2 : i32
      %dma_wait3A_1121 = arith.constant 0 : i32
      %dma_wait3A_1122 = arith.constant 0 : i32
      %dma_wait3A_1123 = tpu.memref_slice %arg8[%dma_wait3A_1120, %dma_wait3A_1121, %dma_wait3A_1122] : memref<6x32x128xf32, #tpu.memory_space<vmem>> -> memref<1x32x128xf32, #tpu.memory_space<vmem>>
      %dma_wait3A_1124 = tpu.memref_squeeze %dma_wait3A_1123 : memref<1x32x128xf32, #tpu.memory_space<vmem>> -> memref<32x128xf32, #tpu.memory_space<vmem>>
      %dma_wait3A_1125 = tpu.memref_slice %arg6[%select_n3A_1101, %mul3A_1119] : memref<80x128xi32, #tpu.memory_space<vmem>> -> memref<1x32xi32, #tpu.memory_space<vmem>>
      %dma_wait3A_1126 = tpu.memref_squeeze %dma_wait3A_1125 : memref<1x32xi32, #tpu.memory_space<vmem>> -> memref<32xi32, #tpu.memory_space<vmem>>
      %dma_wait3A_1127 = arith.constant 0 : i32
      %dma_wait3A_1128 = arith.constant 0 : i32
      %dma_wait3A_1129 = tpu.memref_slice %arg2[%dma_wait3A_1127, %dma_wait3A_1128] : memref<10000x128xf32, #tpu.memory_space<hbm>> -> memref<10000x128xf32, #tpu.memory_space<hbm>>
      tpu.wait_indirect_dma semaphore(%arg19 : memref<!tpu.dma_semaphore, #tpu.memory_space<semaphore_mem>>) src(%dma_wait3A_1129 : memref<10000x128xf32, #tpu.memory_space<hbm>>) dst(%dma_wait3A_1124 : memref<32x128xf32, #tpu.memory_space<vmem>>)
      %dma_start3A_1130 = arith.constant 2 : i32
      %dma_start3A_1131 = arith.constant 0 : i32
      %dma_start3A_1132 = arith.constant 0 : i32
      %dma_start3A_1133 = tpu.memref_slice %arg8[%dma_start3A_1130, %dma_start3A_1131, %dma_start3A_1132] : memref<6x32x128xf32, #tpu.memory_space<vmem>> -> memref<1x32x128xf32, #tpu.memory_space<vmem>>
      %dma_start3A_1134 = tpu.memref_squeeze %dma_start3A_1133 : memref<1x32x128xf32, #tpu.memory_space<vmem>> -> memref<32x128xf32, #tpu.memory_space<vmem>>
      %dma_start3A_1135 = arith.constant 0 : i32
      %dma_start3A_1136 = arith.constant 0 : i32
      %dma_start3A_1137 = tpu.memref_slice %arg10[%dma_start3A_1135, %dma_start3A_1136] : memref<10112x128xf32, #tpu.memory_space<vmem_shared>> -> memref<10112x128xf32, #tpu.memory_space<vmem_shared>>
      tpu.enqueue_indirect_dma source(%dma_start3A_1134 : memref<32x128xf32, #tpu.memory_space<vmem>>) target(%dma_start3A_1137 : memref<10112x128xf32, #tpu.memory_space<vmem_shared>>) offsets(%arg13 : memref<32xi32, #tpu.memory_space<vmem>>) semaphore(%arg25 : memref<!tpu.dma_semaphore, #tpu.memory_space<semaphore_mem>>) {add = true}
      %add3A_1138 = arith.constant 3 : i32
      %add3A_1139 = arith.addi %mul3A_768, %add3A_1138 : i32
      %jit3A_1140 = arith.constant 4 : i32
      %div3A_1141 = arith.divsi %add3A_1139, %jit3A_1140 : i32
      %sign3A_1142 = arith.constant 0 : i32
      %sign3A_1143 = arith.cmpi sgt, %add3A_1139, %sign3A_1142 : i32
      %sign3A_1144 = arith.extui %sign3A_1143 : i1 to i32
      %sign3A_1145 = arith.constant 0 : i32
      %sign3A_1146 = arith.cmpi slt, %add3A_1139, %sign3A_1145 : i32
      %sign3A_1147 = arith.extui %sign3A_1146 : i1 to i32
      %sign3A_1148 = arith.subi %sign3A_1144, %sign3A_1147 : i32
      %sign3A_1149 = arith.constant 0 : i32
      %sign3A_1150 = arith.cmpi sgt, %jit3A_1140, %sign3A_1149 : i32
      %sign3A_1151 = arith.extui %sign3A_1150 : i1 to i32
      %sign3A_1152 = arith.constant 0 : i32
      %sign3A_1153 = arith.cmpi slt, %jit3A_1140, %sign3A_1152 : i32
      %sign3A_1154 = arith.extui %sign3A_1153 : i1 to i32
      %sign3A_1155 = arith.subi %sign3A_1151, %sign3A_1154 : i32
      %ne3A_1156 = arith.cmpi ne, %sign3A_1148, %sign3A_1155 : i32
      %rem3A_1157 = arith.remsi %add3A_1139, %jit3A_1140 : i32
      %ne3A_1158 = arith.constant 0 : i32
      %ne3A_1159 = arith.cmpi ne, %rem3A_1157, %ne3A_1158 : i32
      %and3A_1160 = arith.andi %ne3A_1156, %ne3A_1159 : i1
      %sub3A_1161 = arith.constant 1 : i32
      %sub3A_1162 = arith.subi %div3A_1141, %sub3A_1161 : i32
      %select_n3A_1163 = arith.select %and3A_1160, %sub3A_1162, %div3A_1141 : i32
      %jit3A_1164 = arith.constant 4 : i32
      %eq3A_1165 = arith.constant 0 : i32
      %eq3A_1166 = arith.cmpi eq, %jit3A_1164, %eq3A_1165 : i32
      %jit3A_1167 = arith.constant 1 : i32
      %select_n3A_1168 = arith.select %eq3A_1166, %jit3A_1167, %jit3A_1164 : i32
      %rem3A_1169 = arith.remsi %add3A_1139, %select_n3A_1168 : i32
      %ne3A_1170 = arith.constant 0 : i32
      %ne3A_1171 = arith.cmpi ne, %rem3A_1169, %ne3A_1170 : i32
      %lt3A_1172 = arith.constant 0 : i32
      %lt3A_1173 = arith.cmpi slt, %rem3A_1169, %lt3A_1172 : i32
      %lt3A_1174 = arith.constant 0 : i32
      %lt3A_1175 = arith.cmpi slt, %select_n3A_1168, %lt3A_1174 : i32
      %ne3A_1176 = arith.xori %lt3A_1173, %lt3A_1175 : i1
      %and3A_1177 = arith.andi %ne3A_1176, %ne3A_1171 : i1
      %add3A_1178 = arith.addi %rem3A_1169, %select_n3A_1168 : i32
      %select_n3A_1179 = arith.select %and3A_1177, %add3A_1178, %rem3A_1169 : i32
      %mul3A_1180 = arith.constant 32 : i32
      %mul3A_1181 = arith.muli %select_n3A_1179, %mul3A_1180 : i32
      %add3A_1182 = arith.constant 0 : i32
      %add3A_1183 = arith.addi %mul3A_1181, %add3A_1182 : i32
      %get3A_1184 = arith.index_cast %select_n3A_1163 : i32 to index
      %get3A_1185 = arith.index_cast %add3A_1183 : i32 to index
      %get3A_1186 = tpu.vector_load %arg7[%get3A_1184, %get3A_1185] {strides = array<i32>} : memref<80x128xi32, #tpu.memory_space<vmem>>, vector<1x16xi32>,
      %get3A_1187 = vector.shape_cast %get3A_1186 : vector<1x16xi32> to vector<16xi32>
      %swap3A_1188 = arith.constant 0 : index
      %swap3A_1189 = tpu.vector_load %arg14[%swap3A_1188] {strides = array<i32>} : memref<32xi32, #tpu.memory_space<vmem>>, vector<16xi32>,
      %swap3A_1190 = vector.shape_cast %swap3A_1189 : vector<16xi32> to vector<16xi32>
      %swap3A_1191 = vector.shape_cast %get3A_1187 : vector<16xi32> to vector<16xi32>
      tpu.vector_store %arg14[%swap3A_1188], %swap3A_1191 {strides = array<i32>} : memref<32xi32, #tpu.memory_space<vmem>>, vector<16xi32>,
      %add3A_1192 = arith.constant 16 : i32
      %add3A_1193 = arith.addi %mul3A_1181, %add3A_1192 : i32
      %get3A_1194 = arith.index_cast %select_n3A_1163 : i32 to index
      %get3A_1195 = arith.index_cast %add3A_1193 : i32 to index
      %get3A_1196 = tpu.vector_load %arg7[%get3A_1194, %get3A_1195] {strides = array<i32>} : memref<80x128xi32, #tpu.memory_space<vmem>>, vector<1x16xi32>,
      %get3A_1197 = vector.shape_cast %get3A_1196 : vector<1x16xi32> to vector<16xi32>
      %swap3A_1198 = arith.constant 16 : index
      %swap3A_1199 = tpu.vector_load %arg14[%swap3A_1198] {strides = array<i32>} : memref<32xi32, #tpu.memory_space<vmem>>, vector<16xi32>,
      %swap3A_1200 = vector.shape_cast %swap3A_1199 : vector<16xi32> to vector<16xi32>
      %swap3A_1201 = vector.shape_cast %get3A_1197 : vector<16xi32> to vector<16xi32>
      tpu.vector_store %arg14[%swap3A_1198], %swap3A_1201 {strides = array<i32>} : memref<32xi32, #tpu.memory_space<vmem>>, vector<16xi32>,
      %add3A_1202 = arith.constant 3 : i32
      %add3A_1203 = arith.addi %mul3A_768, %add3A_1202 : i32
      %jit3A_1204 = arith.constant 4 : i32
      %div3A_1205 = arith.divsi %add3A_1203, %jit3A_1204 : i32
      %sign3A_1206 = arith.constant 0 : i32
      %sign3A_1207 = arith.cmpi sgt, %add3A_1203, %sign3A_1206 : i32
      %sign3A_1208 = arith.extui %sign3A_1207 : i1 to i32
      %sign3A_1209 = arith.constant 0 : i32
      %sign3A_1210 = arith.cmpi slt, %add3A_1203, %sign3A_1209 : i32
      %sign3A_1211 = arith.extui %sign3A_1210 : i1 to i32
      %sign3A_1212 = arith.subi %sign3A_1208, %sign3A_1211 : i32
      %sign3A_1213 = arith.constant 0 : i32
      %sign3A_1214 = arith.cmpi sgt, %jit3A_1204, %sign3A_1213 : i32
      %sign3A_1215 = arith.extui %sign3A_1214 : i1 to i32
      %sign3A_1216 = arith.constant 0 : i32
      %sign3A_1217 = arith.cmpi slt, %jit3A_1204, %sign3A_1216 : i32
      %sign3A_1218 = arith.extui %sign3A_1217 : i1 to i32
      %sign3A_1219 = arith.subi %sign3A_1215, %sign3A_1218 : i32
      %ne3A_1220 = arith.cmpi ne, %sign3A_1212, %sign3A_1219 : i32
      %rem3A_1221 = arith.remsi %add3A_1203, %jit3A_1204 : i32
      %ne3A_1222 = arith.constant 0 : i32
      %ne3A_1223 = arith.cmpi ne, %rem3A_1221, %ne3A_1222 : i32
      %and3A_1224 = arith.andi %ne3A_1220, %ne3A_1223 : i1
      %sub3A_1225 = arith.constant 1 : i32
      %sub3A_1226 = arith.subi %div3A_1205, %sub3A_1225 : i32
      %select_n3A_1227 = arith.select %and3A_1224, %sub3A_1226, %div3A_1205 : i32
      %jit3A_1228 = arith.constant 4 : i32
      %eq3A_1229 = arith.constant 0 : i32
      %eq3A_1230 = arith.cmpi eq, %jit3A_1228, %eq3A_1229 : i32
      %jit3A_1231 = arith.constant 1 : i32
      %select_n3A_1232 = arith.select %eq3A_1230, %jit3A_1231, %jit3A_1228 : i32
      %rem3A_1233 = arith.remsi %add3A_1203, %select_n3A_1232 : i32
      %ne3A_1234 = arith.constant 0 : i32
      %ne3A_1235 = arith.cmpi ne, %rem3A_1233, %ne3A_1234 : i32
      %lt3A_1236 = arith.constant 0 : i32
      %lt3A_1237 = arith.cmpi slt, %rem3A_1233, %lt3A_1236 : i32
      %lt3A_1238 = arith.constant 0 : i32
      %lt3A_1239 = arith.cmpi slt, %select_n3A_1232, %lt3A_1238 : i32
      %ne3A_1240 = arith.xori %lt3A_1237, %lt3A_1239 : i1
      %and3A_1241 = arith.andi %ne3A_1240, %ne3A_1235 : i1
      %add3A_1242 = arith.addi %rem3A_1233, %select_n3A_1232 : i32
      %select_n3A_1243 = arith.select %and3A_1241, %add3A_1242, %rem3A_1233 : i32
      %mul3A_1244 = arith.constant 32 : i32
      %mul3A_1245 = arith.muli %select_n3A_1243, %mul3A_1244 : i32
      %dma_wait3A_1246 = arith.constant 3 : i32
      %dma_wait3A_1247 = arith.constant 0 : i32
      %dma_wait3A_1248 = arith.constant 0 : i32
      %dma_wait3A_1249 = tpu.memref_slice %arg8[%dma_wait3A_1246, %dma_wait3A_1247, %dma_wait3A_1248] : memref<6x32x128xf32, #tpu.memory_space<vmem>> -> memref<1x32x128xf32, #tpu.memory_space<vmem>>
      %dma_wait3A_1250 = tpu.memref_squeeze %dma_wait3A_1249 : memref<1x32x128xf32, #tpu.memory_space<vmem>> -> memref<32x128xf32, #tpu.memory_space<vmem>>
      %dma_wait3A_1251 = tpu.memref_slice %arg6[%select_n3A_1227, %mul3A_1245] : memref<80x128xi32, #tpu.memory_space<vmem>> -> memref<1x32xi32, #tpu.memory_space<vmem>>
      %dma_wait3A_1252 = tpu.memref_squeeze %dma_wait3A_1251 : memref<1x32xi32, #tpu.memory_space<vmem>> -> memref<32xi32, #tpu.memory_space<vmem>>
      %dma_wait3A_1253 = arith.constant 0 : i32
      %dma_wait3A_1254 = arith.constant 0 : i32
      %dma_wait3A_1255 = tpu.memref_slice %arg2[%dma_wait3A_1253, %dma_wait3A_1254] : memref<10000x128xf32, #tpu.memory_space<hbm>> -> memref<10000x128xf32, #tpu.memory_space<hbm>>
      tpu.wait_indirect_dma semaphore(%arg20 : memref<!tpu.dma_semaphore, #tpu.memory_space<semaphore_mem>>) src(%dma_wait3A_1255 : memref<10000x128xf32, #tpu.memory_space<hbm>>) dst(%dma_wait3A_1250 : memref<32x128xf32, #tpu.memory_space<vmem>>)
      %dma_start3A_1256 = arith.constant 3 : i32
      %dma_start3A_1257 = arith.constant 0 : i32
      %dma_start3A_1258 = arith.constant 0 : i32
      %dma_start3A_1259 = tpu.memref_slice %arg8[%dma_start3A_1256, %dma_start3A_1257, %dma_start3A_1258] : memref<6x32x128xf32, #tpu.memory_space<vmem>> -> memref<1x32x128xf32, #tpu.memory_space<vmem>>
      %dma_start3A_1260 = tpu.memref_squeeze %dma_start3A_1259 : memref<1x32x128xf32, #tpu.memory_space<vmem>> -> memref<32x128xf32, #tpu.memory_space<vmem>>
      %dma_start3A_1261 = arith.constant 0 : i32
      %dma_start3A_1262 = arith.constant 0 : i32
      %dma_start3A_1263 = tpu.memref_slice %arg10[%dma_start3A_1261, %dma_start3A_1262] : memref<10112x128xf32, #tpu.memory_space<vmem_shared>> -> memref<10112x128xf32, #tpu.memory_space<vmem_shared>>
      tpu.enqueue_indirect_dma source(%dma_start3A_1260 : memref<32x128xf32, #tpu.memory_space<vmem>>) target(%dma_start3A_1263 : memref<10112x128xf32, #tpu.memory_space<vmem_shared>>) offsets(%arg14 : memref<32xi32, #tpu.memory_space<vmem>>) semaphore(%arg26 : memref<!tpu.dma_semaphore, #tpu.memory_space<semaphore_mem>>) {add = true}
      %add3A_1264 = arith.constant 4 : i32
      %add3A_1265 = arith.addi %mul3A_768, %add3A_1264 : i32
      %jit3A_1266 = arith.constant 4 : i32
      %div3A_1267 = arith.divsi %add3A_1265, %jit3A_1266 : i32
      %sign3A_1268 = arith.constant 0 : i32
      %sign3A_1269 = arith.cmpi sgt, %add3A_1265, %sign3A_1268 : i32
      %sign3A_1270 = arith.extui %sign3A_1269 : i1 to i32
      %sign3A_1271 = arith.constant 0 : i32
      %sign3A_1272 = arith.cmpi slt, %add3A_1265, %sign3A_1271 : i32
      %sign3A_1273 = arith.extui %sign3A_1272 : i1 to i32
      %sign3A_1274 = arith.subi %sign3A_1270, %sign3A_1273 : i32
      %sign3A_1275 = arith.constant 0 : i32
      %sign3A_1276 = arith.cmpi sgt, %jit3A_1266, %sign3A_1275 : i32
      %sign3A_1277 = arith.extui %sign3A_1276 : i1 to i32
      %sign3A_1278 = arith.constant 0 : i32
      %sign3A_1279 = arith.cmpi slt, %jit3A_1266, %sign3A_1278 : i32
      %sign3A_1280 = arith.extui %sign3A_1279 : i1 to i32
      %sign3A_1281 = arith.subi %sign3A_1277, %sign3A_1280 : i32
      %ne3A_1282 = arith.cmpi ne, %sign3A_1274, %sign3A_1281 : i32
      %rem3A_1283 = arith.remsi %add3A_1265, %jit3A_1266 : i32
      %ne3A_1284 = arith.constant 0 : i32
      %ne3A_1285 = arith.cmpi ne, %rem3A_1283, %ne3A_1284 : i32
      %and3A_1286 = arith.andi %ne3A_1282, %ne3A_1285 : i1
      %sub3A_1287 = arith.constant 1 : i32
      %sub3A_1288 = arith.subi %div3A_1267, %sub3A_1287 : i32
      %select_n3A_1289 = arith.select %and3A_1286, %sub3A_1288, %div3A_1267 : i32
      %jit3A_1290 = arith.constant 4 : i32
      %eq3A_1291 = arith.constant 0 : i32
      %eq3A_1292 = arith.cmpi eq, %jit3A_1290, %eq3A_1291 : i32
      %jit3A_1293 = arith.constant 1 : i32
      %select_n3A_1294 = arith.select %eq3A_1292, %jit3A_1293, %jit3A_1290 : i32
      %rem3A_1295 = arith.remsi %add3A_1265, %select_n3A_1294 : i32
      %ne3A_1296 = arith.constant 0 : i32
      %ne3A_1297 = arith.cmpi ne, %rem3A_1295, %ne3A_1296 : i32
      %lt3A_1298 = arith.constant 0 : i32
      %lt3A_1299 = arith.cmpi slt, %rem3A_1295, %lt3A_1298 : i32
      %lt3A_1300 = arith.constant 0 : i32
      %lt3A_1301 = arith.cmpi slt, %select_n3A_1294, %lt3A_1300 : i32
      %ne3A_1302 = arith.xori %lt3A_1299, %lt3A_1301 : i1
      %and3A_1303 = arith.andi %ne3A_1302, %ne3A_1297 : i1
      %add3A_1304 = arith.addi %rem3A_1295, %select_n3A_1294 : i32
      %select_n3A_1305 = arith.select %and3A_1303, %add3A_1304, %rem3A_1295 : i32
      %mul3A_1306 = arith.constant 32 : i32
      %mul3A_1307 = arith.muli %select_n3A_1305, %mul3A_1306 : i32
      %add3A_1308 = arith.constant 0 : i32
      %add3A_1309 = arith.addi %mul3A_1307, %add3A_1308 : i32
      %get3A_1310 = arith.index_cast %select_n3A_1289 : i32 to index
      %get3A_1311 = arith.index_cast %add3A_1309 : i32 to index
      %get3A_1312 = tpu.vector_load %arg7[%get3A_1310, %get3A_1311] {strides = array<i32>} : memref<80x128xi32, #tpu.memory_space<vmem>>, vector<1x16xi32>,
      %get3A_1313 = vector.shape_cast %get3A_1312 : vector<1x16xi32> to vector<16xi32>
      %swap3A_1314 = arith.constant 0 : index
      %swap3A_1315 = tpu.vector_load %arg15[%swap3A_1314] {strides = array<i32>} : memref<32xi32, #tpu.memory_space<vmem>>, vector<16xi32>,
      %swap3A_1316 = vector.shape_cast %swap3A_1315 : vector<16xi32> to vector<16xi32>
      %swap3A_1317 = vector.shape_cast %get3A_1313 : vector<16xi32> to vector<16xi32>
      tpu.vector_store %arg15[%swap3A_1314], %swap3A_1317 {strides = array<i32>} : memref<32xi32, #tpu.memory_space<vmem>>, vector<16xi32>,
      %add3A_1318 = arith.constant 16 : i32
      %add3A_1319 = arith.addi %mul3A_1307, %add3A_1318 : i32
      %get3A_1320 = arith.index_cast %select_n3A_1289 : i32 to index
      %get3A_1321 = arith.index_cast %add3A_1319 : i32 to index
      %get3A_1322 = tpu.vector_load %arg7[%get3A_1320, %get3A_1321] {strides = array<i32>} : memref<80x128xi32, #tpu.memory_space<vmem>>, vector<1x16xi32>,
      %get3A_1323 = vector.shape_cast %get3A_1322 : vector<1x16xi32> to vector<16xi32>
      %swap3A_1324 = arith.constant 16 : index
      %swap3A_1325 = tpu.vector_load %arg15[%swap3A_1324] {strides = array<i32>} : memref<32xi32, #tpu.memory_space<vmem>>, vector<16xi32>,
      %swap3A_1326 = vector.shape_cast %swap3A_1325 : vector<16xi32> to vector<16xi32>
      %swap3A_1327 = vector.shape_cast %get3A_1323 : vector<16xi32> to vector<16xi32>
      tpu.vector_store %arg15[%swap3A_1324], %swap3A_1327 {strides = array<i32>} : memref<32xi32, #tpu.memory_space<vmem>>, vector<16xi32>,
      %add3A_1328 = arith.constant 4 : i32
      %add3A_1329 = arith.addi %mul3A_768, %add3A_1328 : i32
      %jit3A_1330 = arith.constant 4 : i32
      %div3A_1331 = arith.divsi %add3A_1329, %jit3A_1330 : i32
      %sign3A_1332 = arith.constant 0 : i32
      %sign3A_1333 = arith.cmpi sgt, %add3A_1329, %sign3A_1332 : i32
      %sign3A_1334 = arith.extui %sign3A_1333 : i1 to i32
      %sign3A_1335 = arith.constant 0 : i32
      %sign3A_1336 = arith.cmpi slt, %add3A_1329, %sign3A_1335 : i32
      %sign3A_1337 = arith.extui %sign3A_1336 : i1 to i32
      %sign3A_1338 = arith.subi %sign3A_1334, %sign3A_1337 : i32
      %sign3A_1339 = arith.constant 0 : i32
      %sign3A_1340 = arith.cmpi sgt, %jit3A_1330, %sign3A_1339 : i32
      %sign3A_1341 = arith.extui %sign3A_1340 : i1 to i32
      %sign3A_1342 = arith.constant 0 : i32
      %sign3A_1343 = arith.cmpi slt, %jit3A_1330, %sign3A_1342 : i32
      %sign3A_1344 = arith.extui %sign3A_1343 : i1 to i32
      %sign3A_1345 = arith.subi %sign3A_1341, %sign3A_1344 : i32
      %ne3A_1346 = arith.cmpi ne, %sign3A_1338, %sign3A_1345 : i32
      %rem3A_1347 = arith.remsi %add3A_1329, %jit3A_1330 : i32
      %ne3A_1348 = arith.constant 0 : i32
      %ne3A_1349 = arith.cmpi ne, %rem3A_1347, %ne3A_1348 : i32
      %and3A_1350 = arith.andi %ne3A_1346, %ne3A_1349 : i1
      %sub3A_1351 = arith.constant 1 : i32
      %sub3A_1352 = arith.subi %div3A_1331, %sub3A_1351 : i32
      %select_n3A_1353 = arith.select %and3A_1350, %sub3A_1352, %div3A_1331 : i32
      %jit3A_1354 = arith.constant 4 : i32
      %eq3A_1355 = arith.constant 0 : i32
      %eq3A_1356 = arith.cmpi eq, %jit3A_1354, %eq3A_1355 : i32
      %jit3A_1357 = arith.constant 1 : i32
      %select_n3A_1358 = arith.select %eq3A_1356, %jit3A_1357, %jit3A_1354 : i32
      %rem3A_1359 = arith.remsi %add3A_1329, %select_n3A_1358 : i32
      %ne3A_1360 = arith.constant 0 : i32
      %ne3A_1361 = arith.cmpi ne, %rem3A_1359, %ne3A_1360 : i32
      %lt3A_1362 = arith.constant 0 : i32
      %lt3A_1363 = arith.cmpi slt, %rem3A_1359, %lt3A_1362 : i32
      %lt3A_1364 = arith.constant 0 : i32
      %lt3A_1365 = arith.cmpi slt, %select_n3A_1358, %lt3A_1364 : i32
      %ne3A_1366 = arith.xori %lt3A_1363, %lt3A_1365 : i1
      %and3A_1367 = arith.andi %ne3A_1366, %ne3A_1361 : i1
      %add3A_1368 = arith.addi %rem3A_1359, %select_n3A_1358 : i32
      %select_n3A_1369 = arith.select %and3A_1367, %add3A_1368, %rem3A_1359 : i32
      %mul3A_1370 = arith.constant 32 : i32
      %mul3A_1371 = arith.muli %select_n3A_1369, %mul3A_1370 : i32
      %dma_wait3A_1372 = arith.constant 4 : i32
      %dma_wait3A_1373 = arith.constant 0 : i32
      %dma_wait3A_1374 = arith.constant 0 : i32
      %dma_wait3A_1375 = tpu.memref_slice %arg8[%dma_wait3A_1372, %dma_wait3A_1373, %dma_wait3A_1374] : memref<6x32x128xf32, #tpu.memory_space<vmem>> -> memref<1x32x128xf32, #tpu.memory_space<vmem>>
      %dma_wait3A_1376 = tpu.memref_squeeze %dma_wait3A_1375 : memref<1x32x128xf32, #tpu.memory_space<vmem>> -> memref<32x128xf32, #tpu.memory_space<vmem>>
      %dma_wait3A_1377 = tpu.memref_slice %arg6[%select_n3A_1353, %mul3A_1371] : memref<80x128xi32, #tpu.memory_space<vmem>> -> memref<1x32xi32, #tpu.memory_space<vmem>>
      %dma_wait3A_1378 = tpu.memref_squeeze %dma_wait3A_1377 : memref<1x32xi32, #tpu.memory_space<vmem>> -> memref<32xi32, #tpu.memory_space<vmem>>
      %dma_wait3A_1379 = arith.constant 0 : i32
      %dma_wait3A_1380 = arith.constant 0 : i32
      %dma_wait3A_1381 = tpu.memref_slice %arg2[%dma_wait3A_1379, %dma_wait3A_1380] : memref<10000x128xf32, #tpu.memory_space<hbm>> -> memref<10000x128xf32, #tpu.memory_space<hbm>>
      tpu.wait_indirect_dma semaphore(%arg21 : memref<!tpu.dma_semaphore, #tpu.memory_space<semaphore_mem>>) src(%dma_wait3A_1381 : memref<10000x128xf32, #tpu.memory_space<hbm>>) dst(%dma_wait3A_1376 : memref<32x128xf32, #tpu.memory_space<vmem>>)
      %dma_start3A_1382 = arith.constant 4 : i32
      %dma_start3A_1383 = arith.constant 0 : i32
      %dma_start3A_1384 = arith.constant 0 : i32
      %dma_start3A_1385 = tpu.memref_slice %arg8[%dma_start3A_1382, %dma_start3A_1383, %dma_start3A_1384] : memref<6x32x128xf32, #tpu.memory_space<vmem>> -> memref<1x32x128xf32, #tpu.memory_space<vmem>>
      %dma_start3A_1386 = tpu.memref_squeeze %dma_start3A_1385 : memref<1x32x128xf32, #tpu.memory_space<vmem>> -> memref<32x128xf32, #tpu.memory_space<vmem>>
      %dma_start3A_1387 = arith.constant 0 : i32
      %dma_start3A_1388 = arith.constant 0 : i32
      %dma_start3A_1389 = tpu.memref_slice %arg10[%dma_start3A_1387, %dma_start3A_1388] : memref<10112x128xf32, #tpu.memory_space<vmem_shared>> -> memref<10112x128xf32, #tpu.memory_space<vmem_shared>>
      tpu.enqueue_indirect_dma source(%dma_start3A_1386 : memref<32x128xf32, #tpu.memory_space<vmem>>) target(%dma_start3A_1389 : memref<10112x128xf32, #tpu.memory_space<vmem_shared>>) offsets(%arg15 : memref<32xi32, #tpu.memory_space<vmem>>) semaphore(%arg27 : memref<!tpu.dma_semaphore, #tpu.memory_space<semaphore_mem>>) {add = true}
      %add3A_1390 = arith.constant 5 : i32
      %add3A_1391 = arith.addi %mul3A_768, %add3A_1390 : i32
      %jit3A_1392 = arith.constant 4 : i32
      %div3A_1393 = arith.divsi %add3A_1391, %jit3A_1392 : i32
      %sign3A_1394 = arith.constant 0 : i32
      %sign3A_1395 = arith.cmpi sgt, %add3A_1391, %sign3A_1394 : i32
      %sign3A_1396 = arith.extui %sign3A_1395 : i1 to i32
      %sign3A_1397 = arith.constant 0 : i32
      %sign3A_1398 = arith.cmpi slt, %add3A_1391, %sign3A_1397 : i32
      %sign3A_1399 = arith.extui %sign3A_1398 : i1 to i32
      %sign3A_1400 = arith.subi %sign3A_1396, %sign3A_1399 : i32
      %sign3A_1401 = arith.constant 0 : i32
      %sign3A_1402 = arith.cmpi sgt, %jit3A_1392, %sign3A_1401 : i32
      %sign3A_1403 = arith.extui %sign3A_1402 : i1 to i32
      %sign3A_1404 = arith.constant 0 : i32
      %sign3A_1405 = arith.cmpi slt, %jit3A_1392, %sign3A_1404 : i32
      %sign3A_1406 = arith.extui %sign3A_1405 : i1 to i32
      %sign3A_1407 = arith.subi %sign3A_1403, %sign3A_1406 : i32
      %ne3A_1408 = arith.cmpi ne, %sign3A_1400, %sign3A_1407 : i32
      %rem3A_1409 = arith.remsi %add3A_1391, %jit3A_1392 : i32
      %ne3A_1410 = arith.constant 0 : i32
      %ne3A_1411 = arith.cmpi ne, %rem3A_1409, %ne3A_1410 : i32
      %and3A_1412 = arith.andi %ne3A_1408, %ne3A_1411 : i1
      %sub3A_1413 = arith.constant 1 : i32
      %sub3A_1414 = arith.subi %div3A_1393, %sub3A_1413 : i32
      %select_n3A_1415 = arith.select %and3A_1412, %sub3A_1414, %div3A_1393 : i32
      %jit3A_1416 = arith.constant 4 : i32
      %eq3A_1417 = arith.constant 0 : i32
      %eq3A_1418 = arith.cmpi eq, %jit3A_1416, %eq3A_1417 : i32
      %jit3A_1419 = arith.constant 1 : i32
      %select_n3A_1420 = arith.select %eq3A_1418, %jit3A_1419, %jit3A_1416 : i32
      %rem3A_1421 = arith.remsi %add3A_1391, %select_n3A_1420 : i32
      %ne3A_1422 = arith.constant 0 : i32
      %ne3A_1423 = arith.cmpi ne, %rem3A_1421, %ne3A_1422 : i32
      %lt3A_1424 = arith.constant 0 : i32
      %lt3A_1425 = arith.cmpi slt, %rem3A_1421, %lt3A_1424 : i32
      %lt3A_1426 = arith.constant 0 : i32
      %lt3A_1427 = arith.cmpi slt, %select_n3A_1420, %lt3A_1426 : i32
      %ne3A_1428 = arith.xori %lt3A_1425, %lt3A_1427 : i1
      %and3A_1429 = arith.andi %ne3A_1428, %ne3A_1423 : i1
      %add3A_1430 = arith.addi %rem3A_1421, %select_n3A_1420 : i32
      %select_n3A_1431 = arith.select %and3A_1429, %add3A_1430, %rem3A_1421 : i32
      %mul3A_1432 = arith.constant 32 : i32
      %mul3A_1433 = arith.muli %select_n3A_1431, %mul3A_1432 : i32
      %add3A_1434 = arith.constant 0 : i32
      %add3A_1435 = arith.addi %mul3A_1433, %add3A_1434 : i32
      %get3A_1436 = arith.index_cast %select_n3A_1415 : i32 to index
      %get3A_1437 = arith.index_cast %add3A_1435 : i32 to index
      %get3A_1438 = tpu.vector_load %arg7[%get3A_1436, %get3A_1437] {strides = array<i32>} : memref<80x128xi32, #tpu.memory_space<vmem>>, vector<1x16xi32>,
      %get3A_1439 = vector.shape_cast %get3A_1438 : vector<1x16xi32> to vector<16xi32>
      %swap3A_1440 = arith.constant 0 : index
      %swap3A_1441 = tpu.vector_load %arg16[%swap3A_1440] {strides = array<i32>} : memref<32xi32, #tpu.memory_space<vmem>>, vector<16xi32>,
      %swap3A_1442 = vector.shape_cast %swap3A_1441 : vector<16xi32> to vector<16xi32>
      %swap3A_1443 = vector.shape_cast %get3A_1439 : vector<16xi32> to vector<16xi32>
      tpu.vector_store %arg16[%swap3A_1440], %swap3A_1443 {strides = array<i32>} : memref<32xi32, #tpu.memory_space<vmem>>, vector<16xi32>,
      %add3A_1444 = arith.constant 16 : i32
      %add3A_1445 = arith.addi %mul3A_1433, %add3A_1444 : i32
      %get3A_1446 = arith.index_cast %select_n3A_1415 : i32 to index
      %get3A_1447 = arith.index_cast %add3A_1445 : i32 to index
      %get3A_1448 = tpu.vector_load %arg7[%get3A_1446, %get3A_1447] {strides = array<i32>} : memref<80x128xi32, #tpu.memory_space<vmem>>, vector<1x16xi32>,
      %get3A_1449 = vector.shape_cast %get3A_1448 : vector<1x16xi32> to vector<16xi32>
      %swap3A_1450 = arith.constant 16 : index
      %swap3A_1451 = tpu.vector_load %arg16[%swap3A_1450] {strides = array<i32>} : memref<32xi32, #tpu.memory_space<vmem>>, vector<16xi32>,
      %swap3A_1452 = vector.shape_cast %swap3A_1451 : vector<16xi32> to vector<16xi32>
      %swap3A_1453 = vector.shape_cast %get3A_1449 : vector<16xi32> to vector<16xi32>
      tpu.vector_store %arg16[%swap3A_1450], %swap3A_1453 {strides = array<i32>} : memref<32xi32, #tpu.memory_space<vmem>>, vector<16xi32>,
      %add3A_1454 = arith.constant 5 : i32
      %add3A_1455 = arith.addi %mul3A_768, %add3A_1454 : i32
      %jit3A_1456 = arith.constant 4 : i32
      %div3A_1457 = arith.divsi %add3A_1455, %jit3A_1456 : i32
      %sign3A_1458 = arith.constant 0 : i32
      %sign3A_1459 = arith.cmpi sgt, %add3A_1455, %sign3A_1458 : i32
      %sign3A_1460 = arith.extui %sign3A_1459 : i1 to i32
      %sign3A_1461 = arith.constant 0 : i32
      %sign3A_1462 = arith.cmpi slt, %add3A_1455, %sign3A_1461 : i32
      %sign3A_1463 = arith.extui %sign3A_1462 : i1 to i32
      %sign3A_1464 = arith.subi %sign3A_1460, %sign3A_1463 : i32
      %sign3A_1465 = arith.constant 0 : i32
      %sign3A_1466 = arith.cmpi sgt, %jit3A_1456, %sign3A_1465 : i32
      %sign3A_1467 = arith.extui %sign3A_1466 : i1 to i32
      %sign3A_1468 = arith.constant 0 : i32
      %sign3A_1469 = arith.cmpi slt, %jit3A_1456, %sign3A_1468 : i32
      %sign3A_1470 = arith.extui %sign3A_1469 : i1 to i32
      %sign3A_1471 = arith.subi %sign3A_1467, %sign3A_1470 : i32
      %ne3A_1472 = arith.cmpi ne, %sign3A_1464, %sign3A_1471 : i32
      %rem3A_1473 = arith.remsi %add3A_1455, %jit3A_1456 : i32
      %ne3A_1474 = arith.constant 0 : i32
      %ne3A_1475 = arith.cmpi ne, %rem3A_1473, %ne3A_1474 : i32
      %and3A_1476 = arith.andi %ne3A_1472, %ne3A_1475 : i1
      %sub3A_1477 = arith.constant 1 : i32
      %sub3A_1478 = arith.subi %div3A_1457, %sub3A_1477 : i32
      %select_n3A_1479 = arith.select %and3A_1476, %sub3A_1478, %div3A_1457 : i32
      %jit3A_1480 = arith.constant 4 : i32
      %eq3A_1481 = arith.constant 0 : i32
      %eq3A_1482 = arith.cmpi eq, %jit3A_1480, %eq3A_1481 : i32
      %jit3A_1483 = arith.constant 1 : i32
      %select_n3A_1484 = arith.select %eq3A_1482, %jit3A_1483, %jit3A_1480 : i32
      %rem3A_1485 = arith.remsi %add3A_1455, %select_n3A_1484 : i32
      %ne3A_1486 = arith.constant 0 : i32
      %ne3A_1487 = arith.cmpi ne, %rem3A_1485, %ne3A_1486 : i32
      %lt3A_1488 = arith.constant 0 : i32
      %lt3A_1489 = arith.cmpi slt, %rem3A_1485, %lt3A_1488 : i32
      %lt3A_1490 = arith.constant 0 : i32
      %lt3A_1491 = arith.cmpi slt, %select_n3A_1484, %lt3A_1490 : i32
      %ne3A_1492 = arith.xori %lt3A_1489, %lt3A_1491 : i1
      %and3A_1493 = arith.andi %ne3A_1492, %ne3A_1487 : i1
      %add3A_1494 = arith.addi %rem3A_1485, %select_n3A_1484 : i32
      %select_n3A_1495 = arith.select %and3A_1493, %add3A_1494, %rem3A_1485 : i32
      %mul3A_1496 = arith.constant 32 : i32
      %mul3A_1497 = arith.muli %select_n3A_1495, %mul3A_1496 : i32
      %dma_wait3A_1498 = arith.constant 5 : i32
      %dma_wait3A_1499 = arith.constant 0 : i32
      %dma_wait3A_1500 = arith.constant 0 : i32
      %dma_wait3A_1501 = tpu.memref_slice %arg8[%dma_wait3A_1498, %dma_wait3A_1499, %dma_wait3A_1500] : memref<6x32x128xf32, #tpu.memory_space<vmem>> -> memref<1x32x128xf32, #tpu.memory_space<vmem>>
      %dma_wait3A_1502 = tpu.memref_squeeze %dma_wait3A_1501 : memref<1x32x128xf32, #tpu.memory_space<vmem>> -> memref<32x128xf32, #tpu.memory_space<vmem>>
      %dma_wait3A_1503 = tpu.memref_slice %arg6[%select_n3A_1479, %mul3A_1497] : memref<80x128xi32, #tpu.memory_space<vmem>> -> memref<1x32xi32, #tpu.memory_space<vmem>>
      %dma_wait3A_1504 = tpu.memref_squeeze %dma_wait3A_1503 : memref<1x32xi32, #tpu.memory_space<vmem>> -> memref<32xi32, #tpu.memory_space<vmem>>
      %dma_wait3A_1505 = arith.constant 0 : i32
      %dma_wait3A_1506 = arith.constant 0 : i32
      %dma_wait3A_1507 = tpu.memref_slice %arg2[%dma_wait3A_1505, %dma_wait3A_1506] : memref<10000x128xf32, #tpu.memory_space<hbm>> -> memref<10000x128xf32, #tpu.memory_space<hbm>>
      tpu.wait_indirect_dma semaphore(%arg22 : memref<!tpu.dma_semaphore, #tpu.memory_space<semaphore_mem>>) src(%dma_wait3A_1507 : memref<10000x128xf32, #tpu.memory_space<hbm>>) dst(%dma_wait3A_1502 : memref<32x128xf32, #tpu.memory_space<vmem>>)
      %dma_start3A_1508 = arith.constant 5 : i32
      %dma_start3A_1509 = arith.constant 0 : i32
      %dma_start3A_1510 = arith.constant 0 : i32
      %dma_start3A_1511 = tpu.memref_slice %arg8[%dma_start3A_1508, %dma_start3A_1509, %dma_start3A_1510] : memref<6x32x128xf32, #tpu.memory_space<vmem>> -> memref<1x32x128xf32, #tpu.memory_space<vmem>>
      %dma_start3A_1512 = tpu.memref_squeeze %dma_start3A_1511 : memref<1x32x128xf32, #tpu.memory_space<vmem>> -> memref<32x128xf32, #tpu.memory_space<vmem>>
      %dma_start3A_1513 = arith.constant 0 : i32
      %dma_start3A_1514 = arith.constant 0 : i32
      %dma_start3A_1515 = tpu.memref_slice %arg10[%dma_start3A_1513, %dma_start3A_1514] : memref<10112x128xf32, #tpu.memory_space<vmem_shared>> -> memref<10112x128xf32, #tpu.memory_space<vmem_shared>>
      tpu.enqueue_indirect_dma source(%dma_start3A_1512 : memref<32x128xf32, #tpu.memory_space<vmem>>) target(%dma_start3A_1515 : memref<10112x128xf32, #tpu.memory_space<vmem_shared>>) offsets(%arg16 : memref<32xi32, #tpu.memory_space<vmem>>) semaphore(%arg28 : memref<!tpu.dma_semaphore, #tpu.memory_space<semaphore_mem>>) {add = true}
      %lt3A_1516 = arith.constant 52 : i32
      %lt3A_1517 = arith.cmpi slt, %scan3A_766, %lt3A_1516 : i32
      %convert_element_type3A_1518 = arith.extui %lt3A_1517 : i1 to i32
      %cond3A_1519 = arith.constant 0 : i32
      %cond3A_1520 = arith.cmpi ne, %convert_element_type3A_1518, %cond3A_1519 : i32
      scf.if %cond3A_1520 {
        %dma_wait3A_1546 = arith.constant 0 : i32
        %dma_wait3A_1547 = arith.constant 0 : i32
        %dma_wait3A_1548 = arith.constant 0 : i32
        %dma_wait3A_1549 = tpu.memref_slice %arg8[%dma_wait3A_1546, %dma_wait3A_1547, %dma_wait3A_1548] : memref<6x32x128xf32, #tpu.memory_space<vmem>> -> memref<1x32x128xf32, #tpu.memory_space<vmem>>
        %dma_wait3A_1550 = tpu.memref_squeeze %dma_wait3A_1549 : memref<1x32x128xf32, #tpu.memory_space<vmem>> -> memref<32x128xf32, #tpu.memory_space<vmem>>
        %dma_wait3A_1551 = arith.constant 0 : i32
        %dma_wait3A_1552 = arith.constant 0 : i32
        %dma_wait3A_1553 = tpu.memref_slice %arg10[%dma_wait3A_1551, %dma_wait3A_1552] : memref<10112x128xf32, #tpu.memory_space<vmem_shared>> -> memref<10112x128xf32, #tpu.memory_space<vmem_shared>>
        tpu.wait_indirect_dma semaphore(%arg23 : memref<!tpu.dma_semaphore, #tpu.memory_space<semaphore_mem>>) src(%dma_wait3A_1550 : memref<32x128xf32, #tpu.memory_space<vmem>>) dst(%dma_wait3A_1553 : memref<10112x128xf32, #tpu.memory_space<vmem_shared>>)
        %add3A_1554 = arith.constant 6 : i32
        %add3A_1555 = arith.addi %mul3A_768, %add3A_1554 : i32
        %add3A_1556 = arith.constant 0 : i32
        %add3A_1557 = arith.addi %add3A_1555, %add3A_1556 : i32
        %jit3A_1558 = arith.constant 4 : i32
        %div3A_1559 = arith.divsi %add3A_1557, %jit3A_1558 : i32
        %sign3A_1560 = arith.constant 0 : i32
        %sign3A_1561 = arith.cmpi sgt, %add3A_1557, %sign3A_1560 : i32
        %sign3A_1562 = arith.extui %sign3A_1561 : i1 to i32
        %sign3A_1563 = arith.constant 0 : i32
        %sign3A_1564 = arith.cmpi slt, %add3A_1557, %sign3A_1563 : i32
        %sign3A_1565 = arith.extui %sign3A_1564 : i1 to i32
        %sign3A_1566 = arith.subi %sign3A_1562, %sign3A_1565 : i32
        %sign3A_1567 = arith.constant 0 : i32
        %sign3A_1568 = arith.cmpi sgt, %jit3A_1558, %sign3A_1567 : i32
        %sign3A_1569 = arith.extui %sign3A_1568 : i1 to i32
        %sign3A_1570 = arith.constant 0 : i32
        %sign3A_1571 = arith.cmpi slt, %jit3A_1558, %sign3A_1570 : i32
        %sign3A_1572 = arith.extui %sign3A_1571 : i1 to i32
        %sign3A_1573 = arith.subi %sign3A_1569, %sign3A_1572 : i32
        %ne3A_1574 = arith.cmpi ne, %sign3A_1566, %sign3A_1573 : i32
        %rem3A_1575 = arith.remsi %add3A_1557, %jit3A_1558 : i32
        %ne3A_1576 = arith.constant 0 : i32
        %ne3A_1577 = arith.cmpi ne, %rem3A_1575, %ne3A_1576 : i32
        %and3A_1578 = arith.andi %ne3A_1574, %ne3A_1577 : i1
        %sub3A_1579 = arith.constant 1 : i32
        %sub3A_1580 = arith.subi %div3A_1559, %sub3A_1579 : i32
        %select_n3A_1581 = arith.select %and3A_1578, %sub3A_1580, %div3A_1559 : i32
        %jit3A_1582 = arith.constant 4 : i32
        %eq3A_1583 = arith.constant 0 : i32
        %eq3A_1584 = arith.cmpi eq, %jit3A_1582, %eq3A_1583 : i32
        %jit3A_1585 = arith.constant 1 : i32
        %select_n3A_1586 = arith.select %eq3A_1584, %jit3A_1585, %jit3A_1582 : i32
        %rem3A_1587 = arith.remsi %add3A_1557, %select_n3A_1586 : i32
        %ne3A_1588 = arith.constant 0 : i32
        %ne3A_1589 = arith.cmpi ne, %rem3A_1587, %ne3A_1588 : i32
        %lt3A_1590 = arith.constant 0 : i32
        %lt3A_1591 = arith.cmpi slt, %rem3A_1587, %lt3A_1590 : i32
        %lt3A_1592 = arith.constant 0 : i32
        %lt3A_1593 = arith.cmpi slt, %select_n3A_1586, %lt3A_1592 : i32
        %ne3A_1594 = arith.xori %lt3A_1591, %lt3A_1593 : i1
        %and3A_1595 = arith.andi %ne3A_1594, %ne3A_1589 : i1
        %add3A_1596 = arith.addi %rem3A_1587, %select_n3A_1586 : i32
        %select_n3A_1597 = arith.select %and3A_1595, %add3A_1596, %rem3A_1587 : i32
        %mul3A_1598 = arith.constant 32 : i32
        %mul3A_1599 = arith.muli %select_n3A_1597, %mul3A_1598 : i32
        %dma_start3A_1600 = arith.constant 0 : i32
        %dma_start3A_1601 = arith.constant 0 : i32
        %dma_start3A_1602 = arith.constant 0 : i32
        %dma_start3A_1603 = tpu.memref_slice %arg8[%dma_start3A_1600, %dma_start3A_1601, %dma_start3A_1602] : memref<6x32x128xf32, #tpu.memory_space<vmem>> -> memref<1x32x128xf32, #tpu.memory_space<vmem>>
        %dma_start3A_1604 = tpu.memref_squeeze %dma_start3A_1603 : memref<1x32x128xf32, #tpu.memory_space<vmem>> -> memref<32x128xf32, #tpu.memory_space<vmem>>
        %dma_start3A_1605 = tpu.memref_slice %arg6[%select_n3A_1581, %mul3A_1599] : memref<80x128xi32, #tpu.memory_space<vmem>> -> memref<1x32xi32, #tpu.memory_space<vmem>>
        %dma_start3A_1606 = tpu.memref_squeeze %dma_start3A_1605 : memref<1x32xi32, #tpu.memory_space<vmem>> -> memref<32xi32, #tpu.memory_space<vmem>>
        %dma_start3A_1607 = arith.constant 0 : i32
        %dma_start3A_1608 = arith.constant 0 : i32
        %dma_start3A_1609 = tpu.memref_slice %arg2[%dma_start3A_1607, %dma_start3A_1608] : memref<10000x128xf32, #tpu.memory_space<hbm>> -> memref<10000x128xf32, #tpu.memory_space<hbm>>
        tpu.enqueue_indirect_dma source(%dma_start3A_1609 : memref<10000x128xf32, #tpu.memory_space<hbm>>) target(%dma_start3A_1604 : memref<32x128xf32, #tpu.memory_space<vmem>>) offsets(%dma_start3A_1606 : memref<32xi32, #tpu.memory_space<vmem>>) semaphore(%arg17 : memref<!tpu.dma_semaphore, #tpu.memory_space<semaphore_mem>>)
      } else {
      }
      %lt3A_1521 = arith.constant 52 : i32
      %lt3A_1522 = arith.cmpi slt, %scan3A_766, %lt3A_1521 : i32
      %convert_element_type3A_1523 = arith.extui %lt3A_1522 : i1 to i32
      %cond3A_1524 = arith.constant 0 : i32
      %cond3A_1525 = arith.cmpi ne, %convert_element_type3A_1523, %cond3A_1524 : i32
      scf.if %cond3A_1525 {
        %dma_wait3A_1546 = arith.constant 1 : i32
        %dma_wait3A_1547 = arith.constant 0 : i32
        %dma_wait3A_1548 = arith.constant 0 : i32
        %dma_wait3A_1549 = tpu.memref_slice %arg8[%dma_wait3A_1546, %dma_wait3A_1547, %dma_wait3A_1548] : memref<6x32x128xf32, #tpu.memory_space<vmem>> -> memref<1x32x128xf32, #tpu.memory_space<vmem>>
        %dma_wait3A_1550 = tpu.memref_squeeze %dma_wait3A_1549 : memref<1x32x128xf32, #tpu.memory_space<vmem>> -> memref<32x128xf32, #tpu.memory_space<vmem>>
        %dma_wait3A_1551 = arith.constant 0 : i32
        %dma_wait3A_1552 = arith.constant 0 : i32
        %dma_wait3A_1553 = tpu.memref_slice %arg10[%dma_wait3A_1551, %dma_wait3A_1552] : memref<10112x128xf32, #tpu.memory_space<vmem_shared>> -> memref<10112x128xf32, #tpu.memory_space<vmem_shared>>
        tpu.wait_indirect_dma semaphore(%arg24 : memref<!tpu.dma_semaphore, #tpu.memory_space<semaphore_mem>>) src(%dma_wait3A_1550 : memref<32x128xf32, #tpu.memory_space<vmem>>) dst(%dma_wait3A_1553 : memref<10112x128xf32, #tpu.memory_space<vmem_shared>>)
        %add3A_1554 = arith.constant 6 : i32
        %add3A_1555 = arith.addi %mul3A_768, %add3A_1554 : i32
        %add3A_1556 = arith.constant 1 : i32
        %add3A_1557 = arith.addi %add3A_1555, %add3A_1556 : i32
        %jit3A_1558 = arith.constant 4 : i32
        %div3A_1559 = arith.divsi %add3A_1557, %jit3A_1558 : i32
        %sign3A_1560 = arith.constant 0 : i32
        %sign3A_1561 = arith.cmpi sgt, %add3A_1557, %sign3A_1560 : i32
        %sign3A_1562 = arith.extui %sign3A_1561 : i1 to i32
        %sign3A_1563 = arith.constant 0 : i32
        %sign3A_1564 = arith.cmpi slt, %add3A_1557, %sign3A_1563 : i32
        %sign3A_1565 = arith.extui %sign3A_1564 : i1 to i32
        %sign3A_1566 = arith.subi %sign3A_1562, %sign3A_1565 : i32
        %sign3A_1567 = arith.constant 0 : i32
        %sign3A_1568 = arith.cmpi sgt, %jit3A_1558, %sign3A_1567 : i32
        %sign3A_1569 = arith.extui %sign3A_1568 : i1 to i32
        %sign3A_1570 = arith.constant 0 : i32
        %sign3A_1571 = arith.cmpi slt, %jit3A_1558, %sign3A_1570 : i32
        %sign3A_1572 = arith.extui %sign3A_1571 : i1 to i32
        %sign3A_1573 = arith.subi %sign3A_1569, %sign3A_1572 : i32
        %ne3A_1574 = arith.cmpi ne, %sign3A_1566, %sign3A_1573 : i32
        %rem3A_1575 = arith.remsi %add3A_1557, %jit3A_1558 : i32
        %ne3A_1576 = arith.constant 0 : i32
        %ne3A_1577 = arith.cmpi ne, %rem3A_1575, %ne3A_1576 : i32
        %and3A_1578 = arith.andi %ne3A_1574, %ne3A_1577 : i1
        %sub3A_1579 = arith.constant 1 : i32
        %sub3A_1580 = arith.subi %div3A_1559, %sub3A_1579 : i32
        %select_n3A_1581 = arith.select %and3A_1578, %sub3A_1580, %div3A_1559 : i32
        %jit3A_1582 = arith.constant 4 : i32
        %eq3A_1583 = arith.constant 0 : i32
        %eq3A_1584 = arith.cmpi eq, %jit3A_1582, %eq3A_1583 : i32
        %jit3A_1585 = arith.constant 1 : i32
        %select_n3A_1586 = arith.select %eq3A_1584, %jit3A_1585, %jit3A_1582 : i32
        %rem3A_1587 = arith.remsi %add3A_1557, %select_n3A_1586 : i32
        %ne3A_1588 = arith.constant 0 : i32
        %ne3A_1589 = arith.cmpi ne, %rem3A_1587, %ne3A_1588 : i32
        %lt3A_1590 = arith.constant 0 : i32
        %lt3A_1591 = arith.cmpi slt, %rem3A_1587, %lt3A_1590 : i32
        %lt3A_1592 = arith.constant 0 : i32
        %lt3A_1593 = arith.cmpi slt, %select_n3A_1586, %lt3A_1592 : i32
        %ne3A_1594 = arith.xori %lt3A_1591, %lt3A_1593 : i1
        %and3A_1595 = arith.andi %ne3A_1594, %ne3A_1589 : i1
        %add3A_1596 = arith.addi %rem3A_1587, %select_n3A_1586 : i32
        %select_n3A_1597 = arith.select %and3A_1595, %add3A_1596, %rem3A_1587 : i32
        %mul3A_1598 = arith.constant 32 : i32
        %mul3A_1599 = arith.muli %select_n3A_1597, %mul3A_1598 : i32
        %dma_start3A_1600 = arith.constant 1 : i32
        %dma_start3A_1601 = arith.constant 0 : i32
        %dma_start3A_1602 = arith.constant 0 : i32
        %dma_start3A_1603 = tpu.memref_slice %arg8[%dma_start3A_1600, %dma_start3A_1601, %dma_start3A_1602] : memref<6x32x128xf32, #tpu.memory_space<vmem>> -> memref<1x32x128xf32, #tpu.memory_space<vmem>>
        %dma_start3A_1604 = tpu.memref_squeeze %dma_start3A_1603 : memref<1x32x128xf32, #tpu.memory_space<vmem>> -> memref<32x128xf32, #tpu.memory_space<vmem>>
        %dma_start3A_1605 = tpu.memref_slice %arg6[%select_n3A_1581, %mul3A_1599] : memref<80x128xi32, #tpu.memory_space<vmem>> -> memref<1x32xi32, #tpu.memory_space<vmem>>
        %dma_start3A_1606 = tpu.memref_squeeze %dma_start3A_1605 : memref<1x32xi32, #tpu.memory_space<vmem>> -> memref<32xi32, #tpu.memory_space<vmem>>
        %dma_start3A_1607 = arith.constant 0 : i32
        %dma_start3A_1608 = arith.constant 0 : i32
        %dma_start3A_1609 = tpu.memref_slice %arg2[%dma_start3A_1607, %dma_start3A_1608] : memref<10000x128xf32, #tpu.memory_space<hbm>> -> memref<10000x128xf32, #tpu.memory_space<hbm>>
        tpu.enqueue_indirect_dma source(%dma_start3A_1609 : memref<10000x128xf32, #tpu.memory_space<hbm>>) target(%dma_start3A_1604 : memref<32x128xf32, #tpu.memory_space<vmem>>) offsets(%dma_start3A_1606 : memref<32xi32, #tpu.memory_space<vmem>>) semaphore(%arg18 : memref<!tpu.dma_semaphore, #tpu.memory_space<semaphore_mem>>)
      } else {
      }
      %lt3A_1526 = arith.constant 52 : i32
      %lt3A_1527 = arith.cmpi slt, %scan3A_766, %lt3A_1526 : i32
      %convert_element_type3A_1528 = arith.extui %lt3A_1527 : i1 to i32
      %cond3A_1529 = arith.constant 0 : i32
      %cond3A_1530 = arith.cmpi ne, %convert_element_type3A_1528, %cond3A_1529 : i32
      scf.if %cond3A_1530 {
        %dma_wait3A_1546 = arith.constant 2 : i32
        %dma_wait3A_1547 = arith.constant 0 : i32
        %dma_wait3A_1548 = arith.constant 0 : i32
        %dma_wait3A_1549 = tpu.memref_slice %arg8[%dma_wait3A_1546, %dma_wait3A_1547, %dma_wait3A_1548] : memref<6x32x128xf32, #tpu.memory_space<vmem>> -> memref<1x32x128xf32, #tpu.memory_space<vmem>>
        %dma_wait3A_1550 = tpu.memref_squeeze %dma_wait3A_1549 : memref<1x32x128xf32, #tpu.memory_space<vmem>> -> memref<32x128xf32, #tpu.memory_space<vmem>>
        %dma_wait3A_1551 = arith.constant 0 : i32
        %dma_wait3A_1552 = arith.constant 0 : i32
        %dma_wait3A_1553 = tpu.memref_slice %arg10[%dma_wait3A_1551, %dma_wait3A_1552] : memref<10112x128xf32, #tpu.memory_space<vmem_shared>> -> memref<10112x128xf32, #tpu.memory_space<vmem_shared>>
        tpu.wait_indirect_dma semaphore(%arg25 : memref<!tpu.dma_semaphore, #tpu.memory_space<semaphore_mem>>) src(%dma_wait3A_1550 : memref<32x128xf32, #tpu.memory_space<vmem>>) dst(%dma_wait3A_1553 : memref<10112x128xf32, #tpu.memory_space<vmem_shared>>)
        %add3A_1554 = arith.constant 6 : i32
        %add3A_1555 = arith.addi %mul3A_768, %add3A_1554 : i32
        %add3A_1556 = arith.constant 2 : i32
        %add3A_1557 = arith.addi %add3A_1555, %add3A_1556 : i32
        %jit3A_1558 = arith.constant 4 : i32
        %div3A_1559 = arith.divsi %add3A_1557, %jit3A_1558 : i32
        %sign3A_1560 = arith.constant 0 : i32
        %sign3A_1561 = arith.cmpi sgt, %add3A_1557, %sign3A_1560 : i32
        %sign3A_1562 = arith.extui %sign3A_1561 : i1 to i32
        %sign3A_1563 = arith.constant 0 : i32
        %sign3A_1564 = arith.cmpi slt, %add3A_1557, %sign3A_1563 : i32
        %sign3A_1565 = arith.extui %sign3A_1564 : i1 to i32
        %sign3A_1566 = arith.subi %sign3A_1562, %sign3A_1565 : i32
        %sign3A_1567 = arith.constant 0 : i32
        %sign3A_1568 = arith.cmpi sgt, %jit3A_1558, %sign3A_1567 : i32
        %sign3A_1569 = arith.extui %sign3A_1568 : i1 to i32
        %sign3A_1570 = arith.constant 0 : i32
        %sign3A_1571 = arith.cmpi slt, %jit3A_1558, %sign3A_1570 : i32
        %sign3A_1572 = arith.extui %sign3A_1571 : i1 to i32
        %sign3A_1573 = arith.subi %sign3A_1569, %sign3A_1572 : i32
        %ne3A_1574 = arith.cmpi ne, %sign3A_1566, %sign3A_1573 : i32
        %rem3A_1575 = arith.remsi %add3A_1557, %jit3A_1558 : i32
        %ne3A_1576 = arith.constant 0 : i32
        %ne3A_1577 = arith.cmpi ne, %rem3A_1575, %ne3A_1576 : i32
        %and3A_1578 = arith.andi %ne3A_1574, %ne3A_1577 : i1
        %sub3A_1579 = arith.constant 1 : i32
        %sub3A_1580 = arith.subi %div3A_1559, %sub3A_1579 : i32
        %select_n3A_1581 = arith.select %and3A_1578, %sub3A_1580, %div3A_1559 : i32
        %jit3A_1582 = arith.constant 4 : i32
        %eq3A_1583 = arith.constant 0 : i32
        %eq3A_1584 = arith.cmpi eq, %jit3A_1582, %eq3A_1583 : i32
        %jit3A_1585 = arith.constant 1 : i32
        %select_n3A_1586 = arith.select %eq3A_1584, %jit3A_1585, %jit3A_1582 : i32
        %rem3A_1587 = arith.remsi %add3A_1557, %select_n3A_1586 : i32
        %ne3A_1588 = arith.constant 0 : i32
        %ne3A_1589 = arith.cmpi ne, %rem3A_1587, %ne3A_1588 : i32
        %lt3A_1590 = arith.constant 0 : i32
        %lt3A_1591 = arith.cmpi slt, %rem3A_1587, %lt3A_1590 : i32
        %lt3A_1592 = arith.constant 0 : i32
        %lt3A_1593 = arith.cmpi slt, %select_n3A_1586, %lt3A_1592 : i32
        %ne3A_1594 = arith.xori %lt3A_1591, %lt3A_1593 : i1
        %and3A_1595 = arith.andi %ne3A_1594, %ne3A_1589 : i1
        %add3A_1596 = arith.addi %rem3A_1587, %select_n3A_1586 : i32
        %select_n3A_1597 = arith.select %and3A_1595, %add3A_1596, %rem3A_1587 : i32
        %mul3A_1598 = arith.constant 32 : i32
        %mul3A_1599 = arith.muli %select_n3A_1597, %mul3A_1598 : i32
        %dma_start3A_1600 = arith.constant 2 : i32
        %dma_start3A_1601 = arith.constant 0 : i32
        %dma_start3A_1602 = arith.constant 0 : i32
        %dma_start3A_1603 = tpu.memref_slice %arg8[%dma_start3A_1600, %dma_start3A_1601, %dma_start3A_1602] : memref<6x32x128xf32, #tpu.memory_space<vmem>> -> memref<1x32x128xf32, #tpu.memory_space<vmem>>
        %dma_start3A_1604 = tpu.memref_squeeze %dma_start3A_1603 : memref<1x32x128xf32, #tpu.memory_space<vmem>> -> memref<32x128xf32, #tpu.memory_space<vmem>>
        %dma_start3A_1605 = tpu.memref_slice %arg6[%select_n3A_1581, %mul3A_1599] : memref<80x128xi32, #tpu.memory_space<vmem>> -> memref<1x32xi32, #tpu.memory_space<vmem>>
        %dma_start3A_1606 = tpu.memref_squeeze %dma_start3A_1605 : memref<1x32xi32, #tpu.memory_space<vmem>> -> memref<32xi32, #tpu.memory_space<vmem>>
        %dma_start3A_1607 = arith.constant 0 : i32
        %dma_start3A_1608 = arith.constant 0 : i32
        %dma_start3A_1609 = tpu.memref_slice %arg2[%dma_start3A_1607, %dma_start3A_1608] : memref<10000x128xf32, #tpu.memory_space<hbm>> -> memref<10000x128xf32, #tpu.memory_space<hbm>>
        tpu.enqueue_indirect_dma source(%dma_start3A_1609 : memref<10000x128xf32, #tpu.memory_space<hbm>>) target(%dma_start3A_1604 : memref<32x128xf32, #tpu.memory_space<vmem>>) offsets(%dma_start3A_1606 : memref<32xi32, #tpu.memory_space<vmem>>) semaphore(%arg19 : memref<!tpu.dma_semaphore, #tpu.memory_space<semaphore_mem>>)
      } else {
      }
      %lt3A_1531 = arith.constant 52 : i32
      %lt3A_1532 = arith.cmpi slt, %scan3A_766, %lt3A_1531 : i32
      %convert_element_type3A_1533 = arith.extui %lt3A_1532 : i1 to i32
      %cond3A_1534 = arith.constant 0 : i32
      %cond3A_1535 = arith.cmpi ne, %convert_element_type3A_1533, %cond3A_1534 : i32
      scf.if %cond3A_1535 {
        %dma_wait3A_1546 = arith.constant 3 : i32
        %dma_wait3A_1547 = arith.constant 0 : i32
        %dma_wait3A_1548 = arith.constant 0 : i32
        %dma_wait3A_1549 = tpu.memref_slice %arg8[%dma_wait3A_1546, %dma_wait3A_1547, %dma_wait3A_1548] : memref<6x32x128xf32, #tpu.memory_space<vmem>> -> memref<1x32x128xf32, #tpu.memory_space<vmem>>
        %dma_wait3A_1550 = tpu.memref_squeeze %dma_wait3A_1549 : memref<1x32x128xf32, #tpu.memory_space<vmem>> -> memref<32x128xf32, #tpu.memory_space<vmem>>
        %dma_wait3A_1551 = arith.constant 0 : i32
        %dma_wait3A_1552 = arith.constant 0 : i32
        %dma_wait3A_1553 = tpu.memref_slice %arg10[%dma_wait3A_1551, %dma_wait3A_1552] : memref<10112x128xf32, #tpu.memory_space<vmem_shared>> -> memref<10112x128xf32, #tpu.memory_space<vmem_shared>>
        tpu.wait_indirect_dma semaphore(%arg26 : memref<!tpu.dma_semaphore, #tpu.memory_space<semaphore_mem>>) src(%dma_wait3A_1550 : memref<32x128xf32, #tpu.memory_space<vmem>>) dst(%dma_wait3A_1553 : memref<10112x128xf32, #tpu.memory_space<vmem_shared>>)
        %add3A_1554 = arith.constant 6 : i32
        %add3A_1555 = arith.addi %mul3A_768, %add3A_1554 : i32
        %add3A_1556 = arith.constant 3 : i32
        %add3A_1557 = arith.addi %add3A_1555, %add3A_1556 : i32
        %jit3A_1558 = arith.constant 4 : i32
        %div3A_1559 = arith.divsi %add3A_1557, %jit3A_1558 : i32
        %sign3A_1560 = arith.constant 0 : i32
        %sign3A_1561 = arith.cmpi sgt, %add3A_1557, %sign3A_1560 : i32
        %sign3A_1562 = arith.extui %sign3A_1561 : i1 to i32
        %sign3A_1563 = arith.constant 0 : i32
        %sign3A_1564 = arith.cmpi slt, %add3A_1557, %sign3A_1563 : i32
        %sign3A_1565 = arith.extui %sign3A_1564 : i1 to i32
        %sign3A_1566 = arith.subi %sign3A_1562, %sign3A_1565 : i32
        %sign3A_1567 = arith.constant 0 : i32
        %sign3A_1568 = arith.cmpi sgt, %jit3A_1558, %sign3A_1567 : i32
        %sign3A_1569 = arith.extui %sign3A_1568 : i1 to i32
        %sign3A_1570 = arith.constant 0 : i32
        %sign3A_1571 = arith.cmpi slt, %jit3A_1558, %sign3A_1570 : i32
        %sign3A_1572 = arith.extui %sign3A_1571 : i1 to i32
        %sign3A_1573 = arith.subi %sign3A_1569, %sign3A_1572 : i32
        %ne3A_1574 = arith.cmpi ne, %sign3A_1566, %sign3A_1573 : i32
        %rem3A_1575 = arith.remsi %add3A_1557, %jit3A_1558 : i32
        %ne3A_1576 = arith.constant 0 : i32
        %ne3A_1577 = arith.cmpi ne, %rem3A_1575, %ne3A_1576 : i32
        %and3A_1578 = arith.andi %ne3A_1574, %ne3A_1577 : i1
        %sub3A_1579 = arith.constant 1 : i32
        %sub3A_1580 = arith.subi %div3A_1559, %sub3A_1579 : i32
        %select_n3A_1581 = arith.select %and3A_1578, %sub3A_1580, %div3A_1559 : i32
        %jit3A_1582 = arith.constant 4 : i32
        %eq3A_1583 = arith.constant 0 : i32
        %eq3A_1584 = arith.cmpi eq, %jit3A_1582, %eq3A_1583 : i32
        %jit3A_1585 = arith.constant 1 : i32
        %select_n3A_1586 = arith.select %eq3A_1584, %jit3A_1585, %jit3A_1582 : i32
        %rem3A_1587 = arith.remsi %add3A_1557, %select_n3A_1586 : i32
        %ne3A_1588 = arith.constant 0 : i32
        %ne3A_1589 = arith.cmpi ne, %rem3A_1587, %ne3A_1588 : i32
        %lt3A_1590 = arith.constant 0 : i32
        %lt3A_1591 = arith.cmpi slt, %rem3A_1587, %lt3A_1590 : i32
        %lt3A_1592 = arith.constant 0 : i32
        %lt3A_1593 = arith.cmpi slt, %select_n3A_1586, %lt3A_1592 : i32
        %ne3A_1594 = arith.xori %lt3A_1591, %lt3A_1593 : i1
        %and3A_1595 = arith.andi %ne3A_1594, %ne3A_1589 : i1
        %add3A_1596 = arith.addi %rem3A_1587, %select_n3A_1586 : i32
        %select_n3A_1597 = arith.select %and3A_1595, %add3A_1596, %rem3A_1587 : i32
        %mul3A_1598 = arith.constant 32 : i32
        %mul3A_1599 = arith.muli %select_n3A_1597, %mul3A_1598 : i32
        %dma_start3A_1600 = arith.constant 3 : i32
        %dma_start3A_1601 = arith.constant 0 : i32
        %dma_start3A_1602 = arith.constant 0 : i32
        %dma_start3A_1603 = tpu.memref_slice %arg8[%dma_start3A_1600, %dma_start3A_1601, %dma_start3A_1602] : memref<6x32x128xf32, #tpu.memory_space<vmem>> -> memref<1x32x128xf32, #tpu.memory_space<vmem>>
        %dma_start3A_1604 = tpu.memref_squeeze %dma_start3A_1603 : memref<1x32x128xf32, #tpu.memory_space<vmem>> -> memref<32x128xf32, #tpu.memory_space<vmem>>
        %dma_start3A_1605 = tpu.memref_slice %arg6[%select_n3A_1581, %mul3A_1599] : memref<80x128xi32, #tpu.memory_space<vmem>> -> memref<1x32xi32, #tpu.memory_space<vmem>>
        %dma_start3A_1606 = tpu.memref_squeeze %dma_start3A_1605 : memref<1x32xi32, #tpu.memory_space<vmem>> -> memref<32xi32, #tpu.memory_space<vmem>>
        %dma_start3A_1607 = arith.constant 0 : i32
        %dma_start3A_1608 = arith.constant 0 : i32
        %dma_start3A_1609 = tpu.memref_slice %arg2[%dma_start3A_1607, %dma_start3A_1608] : memref<10000x128xf32, #tpu.memory_space<hbm>> -> memref<10000x128xf32, #tpu.memory_space<hbm>>
        tpu.enqueue_indirect_dma source(%dma_start3A_1609 : memref<10000x128xf32, #tpu.memory_space<hbm>>) target(%dma_start3A_1604 : memref<32x128xf32, #tpu.memory_space<vmem>>) offsets(%dma_start3A_1606 : memref<32xi32, #tpu.memory_space<vmem>>) semaphore(%arg20 : memref<!tpu.dma_semaphore, #tpu.memory_space<semaphore_mem>>)
      } else {
      }
      %lt3A_1536 = arith.constant 52 : i32
      %lt3A_1537 = arith.cmpi slt, %scan3A_766, %lt3A_1536 : i32
      %convert_element_type3A_1538 = arith.extui %lt3A_1537 : i1 to i32
      %cond3A_1539 = arith.constant 0 : i32
      %cond3A_1540 = arith.cmpi ne, %convert_element_type3A_1538, %cond3A_1539 : i32
      scf.if %cond3A_1540 {
        %dma_wait3A_1546 = arith.constant 4 : i32
        %dma_wait3A_1547 = arith.constant 0 : i32
        %dma_wait3A_1548 = arith.constant 0 : i32
        %dma_wait3A_1549 = tpu.memref_slice %arg8[%dma_wait3A_1546, %dma_wait3A_1547, %dma_wait3A_1548] : memref<6x32x128xf32, #tpu.memory_space<vmem>> -> memref<1x32x128xf32, #tpu.memory_space<vmem>>
        %dma_wait3A_1550 = tpu.memref_squeeze %dma_wait3A_1549 : memref<1x32x128xf32, #tpu.memory_space<vmem>> -> memref<32x128xf32, #tpu.memory_space<vmem>>
        %dma_wait3A_1551 = arith.constant 0 : i32
        %dma_wait3A_1552 = arith.constant 0 : i32
        %dma_wait3A_1553 = tpu.memref_slice %arg10[%dma_wait3A_1551, %dma_wait3A_1552] : memref<10112x128xf32, #tpu.memory_space<vmem_shared>> -> memref<10112x128xf32, #tpu.memory_space<vmem_shared>>
        tpu.wait_indirect_dma semaphore(%arg27 : memref<!tpu.dma_semaphore, #tpu.memory_space<semaphore_mem>>) src(%dma_wait3A_1550 : memref<32x128xf32, #tpu.memory_space<vmem>>) dst(%dma_wait3A_1553 : memref<10112x128xf32, #tpu.memory_space<vmem_shared>>)
        %add3A_1554 = arith.constant 6 : i32
        %add3A_1555 = arith.addi %mul3A_768, %add3A_1554 : i32
        %add3A_1556 = arith.constant 4 : i32
        %add3A_1557 = arith.addi %add3A_1555, %add3A_1556 : i32
        %jit3A_1558 = arith.constant 4 : i32
        %div3A_1559 = arith.divsi %add3A_1557, %jit3A_1558 : i32
        %sign3A_1560 = arith.constant 0 : i32
        %sign3A_1561 = arith.cmpi sgt, %add3A_1557, %sign3A_1560 : i32
        %sign3A_1562 = arith.extui %sign3A_1561 : i1 to i32
        %sign3A_1563 = arith.constant 0 : i32
        %sign3A_1564 = arith.cmpi slt, %add3A_1557, %sign3A_1563 : i32
        %sign3A_1565 = arith.extui %sign3A_1564 : i1 to i32
        %sign3A_1566 = arith.subi %sign3A_1562, %sign3A_1565 : i32
        %sign3A_1567 = arith.constant 0 : i32
        %sign3A_1568 = arith.cmpi sgt, %jit3A_1558, %sign3A_1567 : i32
        %sign3A_1569 = arith.extui %sign3A_1568 : i1 to i32
        %sign3A_1570 = arith.constant 0 : i32
        %sign3A_1571 = arith.cmpi slt, %jit3A_1558, %sign3A_1570 : i32
        %sign3A_1572 = arith.extui %sign3A_1571 : i1 to i32
        %sign3A_1573 = arith.subi %sign3A_1569, %sign3A_1572 : i32
        %ne3A_1574 = arith.cmpi ne, %sign3A_1566, %sign3A_1573 : i32
        %rem3A_1575 = arith.remsi %add3A_1557, %jit3A_1558 : i32
        %ne3A_1576 = arith.constant 0 : i32
        %ne3A_1577 = arith.cmpi ne, %rem3A_1575, %ne3A_1576 : i32
        %and3A_1578 = arith.andi %ne3A_1574, %ne3A_1577 : i1
        %sub3A_1579 = arith.constant 1 : i32
        %sub3A_1580 = arith.subi %div3A_1559, %sub3A_1579 : i32
        %select_n3A_1581 = arith.select %and3A_1578, %sub3A_1580, %div3A_1559 : i32
        %jit3A_1582 = arith.constant 4 : i32
        %eq3A_1583 = arith.constant 0 : i32
        %eq3A_1584 = arith.cmpi eq, %jit3A_1582, %eq3A_1583 : i32
        %jit3A_1585 = arith.constant 1 : i32
        %select_n3A_1586 = arith.select %eq3A_1584, %jit3A_1585, %jit3A_1582 : i32
        %rem3A_1587 = arith.remsi %add3A_1557, %select_n3A_1586 : i32
        %ne3A_1588 = arith.constant 0 : i32
        %ne3A_1589 = arith.cmpi ne, %rem3A_1587, %ne3A_1588 : i32
        %lt3A_1590 = arith.constant 0 : i32
        %lt3A_1591 = arith.cmpi slt, %rem3A_1587, %lt3A_1590 : i32
        %lt3A_1592 = arith.constant 0 : i32
        %lt3A_1593 = arith.cmpi slt, %select_n3A_1586, %lt3A_1592 : i32
        %ne3A_1594 = arith.xori %lt3A_1591, %lt3A_1593 : i1
        %and3A_1595 = arith.andi %ne3A_1594, %ne3A_1589 : i1
        %add3A_1596 = arith.addi %rem3A_1587, %select_n3A_1586 : i32
        %select_n3A_1597 = arith.select %and3A_1595, %add3A_1596, %rem3A_1587 : i32
        %mul3A_1598 = arith.constant 32 : i32
        %mul3A_1599 = arith.muli %select_n3A_1597, %mul3A_1598 : i32
        %dma_start3A_1600 = arith.constant 4 : i32
        %dma_start3A_1601 = arith.constant 0 : i32
        %dma_start3A_1602 = arith.constant 0 : i32
        %dma_start3A_1603 = tpu.memref_slice %arg8[%dma_start3A_1600, %dma_start3A_1601, %dma_start3A_1602] : memref<6x32x128xf32, #tpu.memory_space<vmem>> -> memref<1x32x128xf32, #tpu.memory_space<vmem>>
        %dma_start3A_1604 = tpu.memref_squeeze %dma_start3A_1603 : memref<1x32x128xf32, #tpu.memory_space<vmem>> -> memref<32x128xf32, #tpu.memory_space<vmem>>
        %dma_start3A_1605 = tpu.memref_slice %arg6[%select_n3A_1581, %mul3A_1599] : memref<80x128xi32, #tpu.memory_space<vmem>> -> memref<1x32xi32, #tpu.memory_space<vmem>>
        %dma_start3A_1606 = tpu.memref_squeeze %dma_start3A_1605 : memref<1x32xi32, #tpu.memory_space<vmem>> -> memref<32xi32, #tpu.memory_space<vmem>>
        %dma_start3A_1607 = arith.constant 0 : i32
        %dma_start3A_1608 = arith.constant 0 : i32
        %dma_start3A_1609 = tpu.memref_slice %arg2[%dma_start3A_1607, %dma_start3A_1608] : memref<10000x128xf32, #tpu.memory_space<hbm>> -> memref<10000x128xf32, #tpu.memory_space<hbm>>
        tpu.enqueue_indirect_dma source(%dma_start3A_1609 : memref<10000x128xf32, #tpu.memory_space<hbm>>) target(%dma_start3A_1604 : memref<32x128xf32, #tpu.memory_space<vmem>>) offsets(%dma_start3A_1606 : memref<32xi32, #tpu.memory_space<vmem>>) semaphore(%arg21 : memref<!tpu.dma_semaphore, #tpu.memory_space<semaphore_mem>>)
      } else {
      }
      %lt3A_1541 = arith.constant 52 : i32
      %lt3A_1542 = arith.cmpi slt, %scan3A_766, %lt3A_1541 : i32
      %convert_element_type3A_1543 = arith.extui %lt3A_1542 : i1 to i32
      %cond3A_1544 = arith.constant 0 : i32
      %cond3A_1545 = arith.cmpi ne, %convert_element_type3A_1543, %cond3A_1544 : i32
      scf.if %cond3A_1545 {
        %dma_wait3A_1546 = arith.constant 5 : i32
        %dma_wait3A_1547 = arith.constant 0 : i32
        %dma_wait3A_1548 = arith.constant 0 : i32
        %dma_wait3A_1549 = tpu.memref_slice %arg8[%dma_wait3A_1546, %dma_wait3A_1547, %dma_wait3A_1548] : memref<6x32x128xf32, #tpu.memory_space<vmem>> -> memref<1x32x128xf32, #tpu.memory_space<vmem>>
        %dma_wait3A_1550 = tpu.memref_squeeze %dma_wait3A_1549 : memref<1x32x128xf32, #tpu.memory_space<vmem>> -> memref<32x128xf32, #tpu.memory_space<vmem>>
        %dma_wait3A_1551 = arith.constant 0 : i32
        %dma_wait3A_1552 = arith.constant 0 : i32
        %dma_wait3A_1553 = tpu.memref_slice %arg10[%dma_wait3A_1551, %dma_wait3A_1552] : memref<10112x128xf32, #tpu.memory_space<vmem_shared>> -> memref<10112x128xf32, #tpu.memory_space<vmem_shared>>
        tpu.wait_indirect_dma semaphore(%arg28 : memref<!tpu.dma_semaphore, #tpu.memory_space<semaphore_mem>>) src(%dma_wait3A_1550 : memref<32x128xf32, #tpu.memory_space<vmem>>) dst(%dma_wait3A_1553 : memref<10112x128xf32, #tpu.memory_space<vmem_shared>>)
        %add3A_1554 = arith.constant 6 : i32
        %add3A_1555 = arith.addi %mul3A_768, %add3A_1554 : i32
        %add3A_1556 = arith.constant 5 : i32
        %add3A_1557 = arith.addi %add3A_1555, %add3A_1556 : i32
        %jit3A_1558 = arith.constant 4 : i32
        %div3A_1559 = arith.divsi %add3A_1557, %jit3A_1558 : i32
        %sign3A_1560 = arith.constant 0 : i32
        %sign3A_1561 = arith.cmpi sgt, %add3A_1557, %sign3A_1560 : i32
        %sign3A_1562 = arith.extui %sign3A_1561 : i1 to i32
        %sign3A_1563 = arith.constant 0 : i32
        %sign3A_1564 = arith.cmpi slt, %add3A_1557, %sign3A_1563 : i32
        %sign3A_1565 = arith.extui %sign3A_1564 : i1 to i32
        %sign3A_1566 = arith.subi %sign3A_1562, %sign3A_1565 : i32
        %sign3A_1567 = arith.constant 0 : i32
        %sign3A_1568 = arith.cmpi sgt, %jit3A_1558, %sign3A_1567 : i32
        %sign3A_1569 = arith.extui %sign3A_1568 : i1 to i32
        %sign3A_1570 = arith.constant 0 : i32
        %sign3A_1571 = arith.cmpi slt, %jit3A_1558, %sign3A_1570 : i32
        %sign3A_1572 = arith.extui %sign3A_1571 : i1 to i32
        %sign3A_1573 = arith.subi %sign3A_1569, %sign3A_1572 : i32
        %ne3A_1574 = arith.cmpi ne, %sign3A_1566, %sign3A_1573 : i32
        %rem3A_1575 = arith.remsi %add3A_1557, %jit3A_1558 : i32
        %ne3A_1576 = arith.constant 0 : i32
        %ne3A_1577 = arith.cmpi ne, %rem3A_1575, %ne3A_1576 : i32
        %and3A_1578 = arith.andi %ne3A_1574, %ne3A_1577 : i1
        %sub3A_1579 = arith.constant 1 : i32
        %sub3A_1580 = arith.subi %div3A_1559, %sub3A_1579 : i32
        %select_n3A_1581 = arith.select %and3A_1578, %sub3A_1580, %div3A_1559 : i32
        %jit3A_1582 = arith.constant 4 : i32
        %eq3A_1583 = arith.constant 0 : i32
        %eq3A_1584 = arith.cmpi eq, %jit3A_1582, %eq3A_1583 : i32
        %jit3A_1585 = arith.constant 1 : i32
        %select_n3A_1586 = arith.select %eq3A_1584, %jit3A_1585, %jit3A_1582 : i32
        %rem3A_1587 = arith.remsi %add3A_1557, %select_n3A_1586 : i32
        %ne3A_1588 = arith.constant 0 : i32
        %ne3A_1589 = arith.cmpi ne, %rem3A_1587, %ne3A_1588 : i32
        %lt3A_1590 = arith.constant 0 : i32
        %lt3A_1591 = arith.cmpi slt, %rem3A_1587, %lt3A_1590 : i32
        %lt3A_1592 = arith.constant 0 : i32
        %lt3A_1593 = arith.cmpi slt, %select_n3A_1586, %lt3A_1592 : i32
        %ne3A_1594 = arith.xori %lt3A_1591, %lt3A_1593 : i1
        %and3A_1595 = arith.andi %ne3A_1594, %ne3A_1589 : i1
        %add3A_1596 = arith.addi %rem3A_1587, %select_n3A_1586 : i32
        %select_n3A_1597 = arith.select %and3A_1595, %add3A_1596, %rem3A_1587 : i32
        %mul3A_1598 = arith.constant 32 : i32
        %mul3A_1599 = arith.muli %select_n3A_1597, %mul3A_1598 : i32
        %dma_start3A_1600 = arith.constant 5 : i32
        %dma_start3A_1601 = arith.constant 0 : i32
        %dma_start3A_1602 = arith.constant 0 : i32
        %dma_start3A_1603 = tpu.memref_slice %arg8[%dma_start3A_1600, %dma_start3A_1601, %dma_start3A_1602] : memref<6x32x128xf32, #tpu.memory_space<vmem>> -> memref<1x32x128xf32, #tpu.memory_space<vmem>>
        %dma_start3A_1604 = tpu.memref_squeeze %dma_start3A_1603 : memref<1x32x128xf32, #tpu.memory_space<vmem>> -> memref<32x128xf32, #tpu.memory_space<vmem>>
        %dma_start3A_1605 = tpu.memref_slice %arg6[%select_n3A_1581, %mul3A_1599] : memref<80x128xi32, #tpu.memory_space<vmem>> -> memref<1x32xi32, #tpu.memory_space<vmem>>
        %dma_start3A_1606 = tpu.memref_squeeze %dma_start3A_1605 : memref<1x32xi32, #tpu.memory_space<vmem>> -> memref<32xi32, #tpu.memory_space<vmem>>
        %dma_start3A_1607 = arith.constant 0 : i32
        %dma_start3A_1608 = arith.constant 0 : i32
        %dma_start3A_1609 = tpu.memref_slice %arg2[%dma_start3A_1607, %dma_start3A_1608] : memref<10000x128xf32, #tpu.memory_space<hbm>> -> memref<10000x128xf32, #tpu.memory_space<hbm>>
        tpu.enqueue_indirect_dma source(%dma_start3A_1609 : memref<10000x128xf32, #tpu.memory_space<hbm>>) target(%dma_start3A_1604 : memref<32x128xf32, #tpu.memory_space<vmem>>) offsets(%dma_start3A_1606 : memref<32xi32, #tpu.memory_space<vmem>>) semaphore(%arg22 : memref<!tpu.dma_semaphore, #tpu.memory_space<semaphore_mem>>)
      } else {
      }
    }
    %scan3A_596 = arith.constant 53 : i32
    %dma_wait3A = arith.constant 0 : i32
    %dma_wait3A_597 = arith.constant 0 : i32
    %dma_wait3A_598 = arith.constant 0 : i32
    %dma_wait3A_599 = tpu.memref_slice %arg8[%dma_wait3A, %dma_wait3A_597, %dma_wait3A_598] : memref<6x32x128xf32, #tpu.memory_space<vmem>> -> memref<1x32x128xf32, #tpu.memory_space<vmem>>
    %dma_wait3A_600 = tpu.memref_squeeze %dma_wait3A_599 : memref<1x32x128xf32, #tpu.memory_space<vmem>> -> memref<32x128xf32, #tpu.memory_space<vmem>>
    %dma_wait3A_601 = arith.constant 0 : i32
    %dma_wait3A_602 = arith.constant 0 : i32
    %dma_wait3A_603 = tpu.memref_slice %arg10[%dma_wait3A_601, %dma_wait3A_602] : memref<10112x128xf32, #tpu.memory_space<vmem_shared>> -> memref<10112x128xf32, #tpu.memory_space<vmem_shared>>
    tpu.wait_indirect_dma semaphore(%arg23 : memref<!tpu.dma_semaphore, #tpu.memory_space<semaphore_mem>>) src(%dma_wait3A_600 : memref<32x128xf32, #tpu.memory_space<vmem>>) dst(%dma_wait3A_603 : memref<10112x128xf32, #tpu.memory_space<vmem_shared>>)
    %dma_wait3A_604 = arith.constant 1 : i32
    %dma_wait3A_605 = arith.constant 0 : i32
    %dma_wait3A_606 = arith.constant 0 : i32
    %dma_wait3A_607 = tpu.memref_slice %arg8[%dma_wait3A_604, %dma_wait3A_605, %dma_wait3A_606] : memref<6x32x128xf32, #tpu.memory_space<vmem>> -> memref<1x32x128xf32, #tpu.memory_space<vmem>>
    %dma_wait3A_608 = tpu.memref_squeeze %dma_wait3A_607 : memref<1x32x128xf32, #tpu.memory_space<vmem>> -> memref<32x128xf32, #tpu.memory_space<vmem>>
    %dma_wait3A_609 = arith.constant 0 : i32
    %dma_wait3A_610 = arith.constant 0 : i32
    %dma_wait3A_611 = tpu.memref_slice %arg10[%dma_wait3A_609, %dma_wait3A_610] : memref<10112x128xf32, #tpu.memory_space<vmem_shared>> -> memref<10112x128xf32, #tpu.memory_space<vmem_shared>>
    tpu.wait_indirect_dma semaphore(%arg24 : memref<!tpu.dma_semaphore, #tpu.memory_space<semaphore_mem>>) src(%dma_wait3A_608 : memref<32x128xf32, #tpu.memory_space<vmem>>) dst(%dma_wait3A_611 : memref<10112x128xf32, #tpu.memory_space<vmem_shared>>)
    %dma_wait3A_612 = arith.constant 2 : i32
    %dma_wait3A_613 = arith.constant 0 : i32
    %dma_wait3A_614 = arith.constant 0 : i32
    %dma_wait3A_615 = tpu.memref_slice %arg8[%dma_wait3A_612, %dma_wait3A_613, %dma_wait3A_614] : memref<6x32x128xf32, #tpu.memory_space<vmem>> -> memref<1x32x128xf32, #tpu.memory_space<vmem>>
    %dma_wait3A_616 = tpu.memref_squeeze %dma_wait3A_615 : memref<1x32x128xf32, #tpu.memory_space<vmem>> -> memref<32x128xf32, #tpu.memory_space<vmem>>
    %dma_wait3A_617 = arith.constant 0 : i32
    %dma_wait3A_618 = arith.constant 0 : i32
    %dma_wait3A_619 = tpu.memref_slice %arg10[%dma_wait3A_617, %dma_wait3A_618] : memref<10112x128xf32, #tpu.memory_space<vmem_shared>> -> memref<10112x128xf32, #tpu.memory_space<vmem_shared>>
    tpu.wait_indirect_dma semaphore(%arg25 : memref<!tpu.dma_semaphore, #tpu.memory_space<semaphore_mem>>) src(%dma_wait3A_616 : memref<32x128xf32, #tpu.memory_space<vmem>>) dst(%dma_wait3A_619 : memref<10112x128xf32, #tpu.memory_space<vmem_shared>>)
    %dma_wait3A_620 = arith.constant 3 : i32
    %dma_wait3A_621 = arith.constant 0 : i32
    %dma_wait3A_622 = arith.constant 0 : i32
    %dma_wait3A_623 = tpu.memref_slice %arg8[%dma_wait3A_620, %dma_wait3A_621, %dma_wait3A_622] : memref<6x32x128xf32, #tpu.memory_space<vmem>> -> memref<1x32x128xf32, #tpu.memory_space<vmem>>
    %dma_wait3A_624 = tpu.memref_squeeze %dma_wait3A_623 : memref<1x32x128xf32, #tpu.memory_space<vmem>> -> memref<32x128xf32, #tpu.memory_space<vmem>>
    %dma_wait3A_625 = arith.constant 0 : i32
    %dma_wait3A_626 = arith.constant 0 : i32
    %dma_wait3A_627 = tpu.memref_slice %arg10[%dma_wait3A_625, %dma_wait3A_626] : memref<10112x128xf32, #tpu.memory_space<vmem_shared>> -> memref<10112x128xf32, #tpu.memory_space<vmem_shared>>
    tpu.wait_indirect_dma semaphore(%arg26 : memref<!tpu.dma_semaphore, #tpu.memory_space<semaphore_mem>>) src(%dma_wait3A_624 : memref<32x128xf32, #tpu.memory_space<vmem>>) dst(%dma_wait3A_627 : memref<10112x128xf32, #tpu.memory_space<vmem_shared>>)
    %dma_wait3A_628 = arith.constant 4 : i32
    %dma_wait3A_629 = arith.constant 0 : i32
    %dma_wait3A_630 = arith.constant 0 : i32
    %dma_wait3A_631 = tpu.memref_slice %arg8[%dma_wait3A_628, %dma_wait3A_629, %dma_wait3A_630] : memref<6x32x128xf32, #tpu.memory_space<vmem>> -> memref<1x32x128xf32, #tpu.memory_space<vmem>>
    %dma_wait3A_632 = tpu.memref_squeeze %dma_wait3A_631 : memref<1x32x128xf32, #tpu.memory_space<vmem>> -> memref<32x128xf32, #tpu.memory_space<vmem>>
    %dma_wait3A_633 = arith.constant 0 : i32
    %dma_wait3A_634 = arith.constant 0 : i32
    %dma_wait3A_635 = tpu.memref_slice %arg10[%dma_wait3A_633, %dma_wait3A_634] : memref<10112x128xf32, #tpu.memory_space<vmem_shared>> -> memref<10112x128xf32, #tpu.memory_space<vmem_shared>>
    tpu.wait_indirect_dma semaphore(%arg27 : memref<!tpu.dma_semaphore, #tpu.memory_space<semaphore_mem>>) src(%dma_wait3A_632 : memref<32x128xf32, #tpu.memory_space<vmem>>) dst(%dma_wait3A_635 : memref<10112x128xf32, #tpu.memory_space<vmem_shared>>)
    %dma_wait3A_636 = arith.constant 5 : i32
    %dma_wait3A_637 = arith.constant 0 : i32
    %dma_wait3A_638 = arith.constant 0 : i32
    %dma_wait3A_639 = tpu.memref_slice %arg8[%dma_wait3A_636, %dma_wait3A_637, %dma_wait3A_638] : memref<6x32x128xf32, #tpu.memory_space<vmem>> -> memref<1x32x128xf32, #tpu.memory_space<vmem>>
    %dma_wait3A_640 = tpu.memref_squeeze %dma_wait3A_639 : memref<1x32x128xf32, #tpu.memory_space<vmem>> -> memref<32x128xf32, #tpu.memory_space<vmem>>
    %dma_wait3A_641 = arith.constant 0 : i32
    %dma_wait3A_642 = arith.constant 0 : i32
    %dma_wait3A_643 = tpu.memref_slice %arg10[%dma_wait3A_641, %dma_wait3A_642] : memref<10112x128xf32, #tpu.memory_space<vmem_shared>> -> memref<10112x128xf32, #tpu.memory_space<vmem_shared>>
    tpu.wait_indirect_dma semaphore(%arg28 : memref<!tpu.dma_semaphore, #tpu.memory_space<semaphore_mem>>) src(%dma_wait3A_640 : memref<32x128xf32, #tpu.memory_space<vmem>>) dst(%dma_wait3A_643 : memref<10112x128xf32, #tpu.memory_space<vmem_shared>>)
    %get3A = arith.constant 79 : i32
    %get3A_644 = arith.index_cast %get3A : i32 to index
    %get3A_645 = arith.constant 64 : index
    %get3A_646 = tpu.vector_load %arg7[%get3A_644, %get3A_645] {strides = array<i32>} : memref<80x128xi32, #tpu.memory_space<vmem>>, vector<1x16xi32>,
    %get3A_647 = vector.shape_cast %get3A_646 : vector<1x16xi32> to vector<16xi32>
    %swap3A_648 = arith.constant 0 : index
    %swap3A_649 = tpu.vector_load %arg11[%swap3A_648] {strides = array<i32>} : memref<32xi32, #tpu.memory_space<vmem>>, vector<16xi32>,
    %swap3A_650 = vector.shape_cast %swap3A_649 : vector<16xi32> to vector<16xi32>
    %swap3A_651 = vector.shape_cast %get3A_647 : vector<16xi32> to vector<16xi32>
    tpu.vector_store %arg11[%swap3A_648], %swap3A_651 {strides = array<i32>} : memref<32xi32, #tpu.memory_space<vmem>>, vector<16xi32>,
    %get3A_652 = arith.constant 79 : i32
    %get3A_653 = arith.index_cast %get3A_652 : i32 to index
    %get3A_654 = arith.constant 80 : index
    %get3A_655 = tpu.vector_load %arg7[%get3A_653, %get3A_654] {strides = array<i32>} : memref<80x128xi32, #tpu.memory_space<vmem>>, vector<1x16xi32>,
    %get3A_656 = vector.shape_cast %get3A_655 : vector<1x16xi32> to vector<16xi32>
    %swap3A_657 = arith.constant 16 : index
    %swap3A_658 = tpu.vector_load %arg11[%swap3A_657] {strides = array<i32>} : memref<32xi32, #tpu.memory_space<vmem>>, vector<16xi32>,
    %swap3A_659 = vector.shape_cast %swap3A_658 : vector<16xi32> to vector<16xi32>
    %swap3A_660 = vector.shape_cast %get3A_656 : vector<16xi32> to vector<16xi32>
    tpu.vector_store %arg11[%swap3A_657], %swap3A_660 {strides = array<i32>} : memref<32xi32, #tpu.memory_space<vmem>>, vector<16xi32>,
    %dma_start3A_661 = arith.constant 79 : i32
    %dma_start3A_662 = arith.constant 0 : i32
    %dma_start3A_663 = arith.constant 0 : i32
    %dma_start3A_664 = arith.constant 0 : i32
    %dma_start3A_665 = tpu.memref_slice %arg8[%dma_start3A_662, %dma_start3A_663, %dma_start3A_664] : memref<6x32x128xf32, #tpu.memory_space<vmem>> -> memref<1x32x128xf32, #tpu.memory_space<vmem>>
    %dma_start3A_666 = tpu.memref_squeeze %dma_start3A_665 : memref<1x32x128xf32, #tpu.memory_space<vmem>> -> memref<32x128xf32, #tpu.memory_space<vmem>>
    %dma_start3A_667 = arith.constant 64 : i32
    %dma_start3A_668 = tpu.memref_slice %arg6[%dma_start3A_661, %dma_start3A_667] : memref<80x128xi32, #tpu.memory_space<vmem>> -> memref<1x32xi32, #tpu.memory_space<vmem>>
    %dma_start3A_669 = tpu.memref_squeeze %dma_start3A_668 : memref<1x32xi32, #tpu.memory_space<vmem>> -> memref<32xi32, #tpu.memory_space<vmem>>
    %dma_start3A_670 = arith.constant 0 : i32
    %dma_start3A_671 = arith.constant 0 : i32
    %dma_start3A_672 = tpu.memref_slice %arg2[%dma_start3A_670, %dma_start3A_671] : memref<10000x128xf32, #tpu.memory_space<hbm>> -> memref<10000x128xf32, #tpu.memory_space<hbm>>
    tpu.enqueue_indirect_dma source(%dma_start3A_672 : memref<10000x128xf32, #tpu.memory_space<hbm>>) target(%dma_start3A_666 : memref<32x128xf32, #tpu.memory_space<vmem>>) offsets(%dma_start3A_669 : memref<32xi32, #tpu.memory_space<vmem>>) semaphore(%arg17 : memref<!tpu.dma_semaphore, #tpu.memory_space<semaphore_mem>>)
    %dma_wait3A_673 = arith.constant 79 : i32
    %dma_wait3A_674 = arith.constant 0 : i32
    %dma_wait3A_675 = arith.constant 0 : i32
    %dma_wait3A_676 = arith.constant 0 : i32
    %dma_wait3A_677 = tpu.memref_slice %arg8[%dma_wait3A_674, %dma_wait3A_675, %dma_wait3A_676] : memref<6x32x128xf32, #tpu.memory_space<vmem>> -> memref<1x32x128xf32, #tpu.memory_space<vmem>>
    %dma_wait3A_678 = tpu.memref_squeeze %dma_wait3A_677 : memref<1x32x128xf32, #tpu.memory_space<vmem>> -> memref<32x128xf32, #tpu.memory_space<vmem>>
    %dma_wait3A_679 = arith.constant 64 : i32
    %dma_wait3A_680 = tpu.memref_slice %arg6[%dma_wait3A_673, %dma_wait3A_679] : memref<80x128xi32, #tpu.memory_space<vmem>> -> memref<1x32xi32, #tpu.memory_space<vmem>>
    %dma_wait3A_681 = tpu.memref_squeeze %dma_wait3A_680 : memref<1x32xi32, #tpu.memory_space<vmem>> -> memref<32xi32, #tpu.memory_space<vmem>>
    %dma_wait3A_682 = arith.constant 0 : i32
    %dma_wait3A_683 = arith.constant 0 : i32
    %dma_wait3A_684 = tpu.memref_slice %arg2[%dma_wait3A_682, %dma_wait3A_683] : memref<10000x128xf32, #tpu.memory_space<hbm>> -> memref<10000x128xf32, #tpu.memory_space<hbm>>
    tpu.wait_indirect_dma semaphore(%arg17 : memref<!tpu.dma_semaphore, #tpu.memory_space<semaphore_mem>>) src(%dma_wait3A_684 : memref<10000x128xf32, #tpu.memory_space<hbm>>) dst(%dma_wait3A_678 : memref<32x128xf32, #tpu.memory_space<vmem>>)
    %dma_start3A_685 = arith.constant 0 : i32
    %dma_start3A_686 = arith.constant 0 : i32
    %dma_start3A_687 = arith.constant 0 : i32
    %dma_start3A_688 = tpu.memref_slice %arg8[%dma_start3A_685, %dma_start3A_686, %dma_start3A_687] : memref<6x32x128xf32, #tpu.memory_space<vmem>> -> memref<1x32x128xf32, #tpu.memory_space<vmem>>
    %dma_start3A_689 = tpu.memref_squeeze %dma_start3A_688 : memref<1x32x128xf32, #tpu.memory_space<vmem>> -> memref<32x128xf32, #tpu.memory_space<vmem>>
    %dma_start3A_690 = arith.constant 0 : i32
    %dma_start3A_691 = arith.constant 0 : i32
    %dma_start3A_692 = tpu.memref_slice %arg10[%dma_start3A_690, %dma_start3A_691] : memref<10112x128xf32, #tpu.memory_space<vmem_shared>> -> memref<10112x128xf32, #tpu.memory_space<vmem_shared>>
    tpu.enqueue_indirect_dma source(%dma_start3A_689 : memref<32x128xf32, #tpu.memory_space<vmem>>) target(%dma_start3A_692 : memref<10112x128xf32, #tpu.memory_space<vmem_shared>>) offsets(%arg11 : memref<32xi32, #tpu.memory_space<vmem>>) semaphore(%arg23 : memref<!tpu.dma_semaphore, #tpu.memory_space<semaphore_mem>>) {add = true}
    %dma_wait3A_693 = arith.constant 0 : i32
    %dma_wait3A_694 = arith.constant 0 : i32
    %dma_wait3A_695 = arith.constant 0 : i32
    %dma_wait3A_696 = tpu.memref_slice %arg8[%dma_wait3A_693, %dma_wait3A_694, %dma_wait3A_695] : memref<6x32x128xf32, #tpu.memory_space<vmem>> -> memref<1x32x128xf32, #tpu.memory_space<vmem>>
    %dma_wait3A_697 = tpu.memref_squeeze %dma_wait3A_696 : memref<1x32x128xf32, #tpu.memory_space<vmem>> -> memref<32x128xf32, #tpu.memory_space<vmem>>
    %dma_wait3A_698 = arith.constant 0 : i32
    %dma_wait3A_699 = arith.constant 0 : i32
    %dma_wait3A_700 = tpu.memref_slice %arg10[%dma_wait3A_698, %dma_wait3A_699] : memref<10112x128xf32, #tpu.memory_space<vmem_shared>> -> memref<10112x128xf32, #tpu.memory_space<vmem_shared>>
    tpu.wait_indirect_dma semaphore(%arg23 : memref<!tpu.dma_semaphore, #tpu.memory_space<semaphore_mem>>) src(%dma_wait3A_697 : memref<32x128xf32, #tpu.memory_space<vmem>>) dst(%dma_wait3A_700 : memref<10112x128xf32, #tpu.memory_space<vmem_shared>>)
    %get3A_701 = arith.constant 79 : i32
    %get3A_702 = arith.index_cast %get3A_701 : i32 to index
    %get3A_703 = arith.constant 96 : index
    %get3A_704 = tpu.vector_load %arg7[%get3A_702, %get3A_703] {strides = array<i32>} : memref<80x128xi32, #tpu.memory_space<vmem>>, vector<1x16xi32>,
    %get3A_705 = vector.shape_cast %get3A_704 : vector<1x16xi32> to vector<16xi32>
    %swap3A_706 = arith.constant 0 : index
    %swap3A_707 = tpu.vector_load %arg11[%swap3A_706] {strides = array<i32>} : memref<32xi32, #tpu.memory_space<vmem>>, vector<16xi32>,
    %swap3A_708 = vector.shape_cast %swap3A_707 : vector<16xi32> to vector<16xi32>
    %swap3A_709 = vector.shape_cast %get3A_705 : vector<16xi32> to vector<16xi32>
    tpu.vector_store %arg11[%swap3A_706], %swap3A_709 {strides = array<i32>} : memref<32xi32, #tpu.memory_space<vmem>>, vector<16xi32>,
    %get3A_710 = arith.constant 79 : i32
    %get3A_711 = arith.index_cast %get3A_710 : i32 to index
    %get3A_712 = arith.constant 112 : index
    %get3A_713 = tpu.vector_load %arg7[%get3A_711, %get3A_712] {strides = array<i32>} : memref<80x128xi32, #tpu.memory_space<vmem>>, vector<1x16xi32>,
    %get3A_714 = vector.shape_cast %get3A_713 : vector<1x16xi32> to vector<16xi32>
    %swap3A_715 = arith.constant 16 : index
    %swap3A_716 = tpu.vector_load %arg11[%swap3A_715] {strides = array<i32>} : memref<32xi32, #tpu.memory_space<vmem>>, vector<16xi32>,
    %swap3A_717 = vector.shape_cast %swap3A_716 : vector<16xi32> to vector<16xi32>
    %swap3A_718 = vector.shape_cast %get3A_714 : vector<16xi32> to vector<16xi32>
    tpu.vector_store %arg11[%swap3A_715], %swap3A_718 {strides = array<i32>} : memref<32xi32, #tpu.memory_space<vmem>>, vector<16xi32>,
    %dma_start3A_719 = arith.constant 79 : i32
    %dma_start3A_720 = arith.constant 0 : i32
    %dma_start3A_721 = arith.constant 0 : i32
    %dma_start3A_722 = arith.constant 0 : i32
    %dma_start3A_723 = tpu.memref_slice %arg8[%dma_start3A_720, %dma_start3A_721, %dma_start3A_722] : memref<6x32x128xf32, #tpu.memory_space<vmem>> -> memref<1x32x128xf32, #tpu.memory_space<vmem>>
    %dma_start3A_724 = tpu.memref_squeeze %dma_start3A_723 : memref<1x32x128xf32, #tpu.memory_space<vmem>> -> memref<32x128xf32, #tpu.memory_space<vmem>>
    %dma_start3A_725 = arith.constant 96 : i32
    %dma_start3A_726 = tpu.memref_slice %arg6[%dma_start3A_719, %dma_start3A_725] : memref<80x128xi32, #tpu.memory_space<vmem>> -> memref<1x32xi32, #tpu.memory_space<vmem>>
    %dma_start3A_727 = tpu.memref_squeeze %dma_start3A_726 : memref<1x32xi32, #tpu.memory_space<vmem>> -> memref<32xi32, #tpu.memory_space<vmem>>
    %dma_start3A_728 = arith.constant 0 : i32
    %dma_start3A_729 = arith.constant 0 : i32
    %dma_start3A_730 = tpu.memref_slice %arg2[%dma_start3A_728, %dma_start3A_729] : memref<10000x128xf32, #tpu.memory_space<hbm>> -> memref<10000x128xf32, #tpu.memory_space<hbm>>
    tpu.enqueue_indirect_dma source(%dma_start3A_730 : memref<10000x128xf32, #tpu.memory_space<hbm>>) target(%dma_start3A_724 : memref<32x128xf32, #tpu.memory_space<vmem>>) offsets(%dma_start3A_727 : memref<32xi32, #tpu.memory_space<vmem>>) semaphore(%arg17 : memref<!tpu.dma_semaphore, #tpu.memory_space<semaphore_mem>>)
    %dma_wait3A_731 = arith.constant 79 : i32
    %dma_wait3A_732 = arith.constant 0 : i32
    %dma_wait3A_733 = arith.constant 0 : i32
    %dma_wait3A_734 = arith.constant 0 : i32
    %dma_wait3A_735 = tpu.memref_slice %arg8[%dma_wait3A_732, %dma_wait3A_733, %dma_wait3A_734] : memref<6x32x128xf32, #tpu.memory_space<vmem>> -> memref<1x32x128xf32, #tpu.memory_space<vmem>>
    %dma_wait3A_736 = tpu.memref_squeeze %dma_wait3A_735 : memref<1x32x128xf32, #tpu.memory_space<vmem>> -> memref<32x128xf32, #tpu.memory_space<vmem>>
    %dma_wait3A_737 = arith.constant 96 : i32
    %dma_wait3A_738 = tpu.memref_slice %arg6[%dma_wait3A_731, %dma_wait3A_737] : memref<80x128xi32, #tpu.memory_space<vmem>> -> memref<1x32xi32, #tpu.memory_space<vmem>>
    %dma_wait3A_739 = tpu.memref_squeeze %dma_wait3A_738 : memref<1x32xi32, #tpu.memory_space<vmem>> -> memref<32xi32, #tpu.memory_space<vmem>>
    %dma_wait3A_740 = arith.constant 0 : i32
    %dma_wait3A_741 = arith.constant 0 : i32
    %dma_wait3A_742 = tpu.memref_slice %arg2[%dma_wait3A_740, %dma_wait3A_741] : memref<10000x128xf32, #tpu.memory_space<hbm>> -> memref<10000x128xf32, #tpu.memory_space<hbm>>
    tpu.wait_indirect_dma semaphore(%arg17 : memref<!tpu.dma_semaphore, #tpu.memory_space<semaphore_mem>>) src(%dma_wait3A_742 : memref<10000x128xf32, #tpu.memory_space<hbm>>) dst(%dma_wait3A_736 : memref<32x128xf32, #tpu.memory_space<vmem>>)
    %dma_start3A_743 = arith.constant 0 : i32
    %dma_start3A_744 = arith.constant 0 : i32
    %dma_start3A_745 = arith.constant 0 : i32
    %dma_start3A_746 = tpu.memref_slice %arg8[%dma_start3A_743, %dma_start3A_744, %dma_start3A_745] : memref<6x32x128xf32, #tpu.memory_space<vmem>> -> memref<1x32x128xf32, #tpu.memory_space<vmem>>
    %dma_start3A_747 = tpu.memref_squeeze %dma_start3A_746 : memref<1x32x128xf32, #tpu.memory_space<vmem>> -> memref<32x128xf32, #tpu.memory_space<vmem>>
    %dma_start3A_748 = arith.constant 0 : i32
    %dma_start3A_749 = arith.constant 0 : i32
    %dma_start3A_750 = tpu.memref_slice %arg10[%dma_start3A_748, %dma_start3A_749] : memref<10112x128xf32, #tpu.memory_space<vmem_shared>> -> memref<10112x128xf32, #tpu.memory_space<vmem_shared>>
    tpu.enqueue_indirect_dma source(%dma_start3A_747 : memref<32x128xf32, #tpu.memory_space<vmem>>) target(%dma_start3A_750 : memref<10112x128xf32, #tpu.memory_space<vmem_shared>>) offsets(%arg11 : memref<32xi32, #tpu.memory_space<vmem>>) semaphore(%arg23 : memref<!tpu.dma_semaphore, #tpu.memory_space<semaphore_mem>>) {add = true}
    %dma_wait3A_751 = arith.constant 0 : i32
    %dma_wait3A_752 = arith.constant 0 : i32
    %dma_wait3A_753 = arith.constant 0 : i32
    %dma_wait3A_754 = tpu.memref_slice %arg8[%dma_wait3A_751, %dma_wait3A_752, %dma_wait3A_753] : memref<6x32x128xf32, #tpu.memory_space<vmem>> -> memref<1x32x128xf32, #tpu.memory_space<vmem>>
    %dma_wait3A_755 = tpu.memref_squeeze %dma_wait3A_754 : memref<1x32x128xf32, #tpu.memory_space<vmem>> -> memref<32x128xf32, #tpu.memory_space<vmem>>
    %dma_wait3A_756 = arith.constant 0 : i32
    %dma_wait3A_757 = arith.constant 0 : i32
    %dma_wait3A_758 = tpu.memref_slice %arg10[%dma_wait3A_756, %dma_wait3A_757] : memref<10112x128xf32, #tpu.memory_space<vmem_shared>> -> memref<10112x128xf32, #tpu.memory_space<vmem_shared>>
    tpu.wait_indirect_dma semaphore(%arg23 : memref<!tpu.dma_semaphore, #tpu.memory_space<semaphore_mem>>) src(%dma_wait3A_755 : memref<32x128xf32, #tpu.memory_space<vmem>>) dst(%dma_wait3A_758 : memref<10112x128xf32, #tpu.memory_space<vmem_shared>>)
    %barrier3A_759 = arith.constant 0 : index
    tpu.barrier barrier_id(%barrier3A_759)
    %mul3A_760 = arith.constant 624 : i32
    %mul3A_761 = arith.muli %arg1, %mul3A_760 : i32
    %mul3A_762 = arith.constant 624 : i32
    %mul3A_763 = arith.muli %arg1, %mul3A_762 : i32
    "tpu.region"() ({
      %run_scoped3A = tpu.sem_alloc : memref<!tpu.dma_semaphore, #tpu.memory_space<semaphore_mem>>
      %dma_start3A_766 = arith.constant 0 : i32
      %dma_start3A_767 = tpu.memref_slice %arg5[%arg0, %mul3A_763, %dma_start3A_766] : memref<2x10000x128xf32, #tpu.memory_space<hbm>> -> memref<1x624x128xf32, #tpu.memory_space<hbm>>
      %dma_start3A_768 = tpu.memref_squeeze %dma_start3A_767 : memref<1x624x128xf32, #tpu.memory_space<hbm>> -> memref<624x128xf32, #tpu.memory_space<hbm>>
      %dma_start3A_769 = arith.constant 0 : i32
      %dma_start3A_770 = tpu.memref_slice %arg10[%mul3A_761, %dma_start3A_769] : memref<10112x128xf32, #tpu.memory_space<vmem_shared>> -> memref<624x128xf32, #tpu.memory_space<vmem_shared>>
      tpu.enqueue_dma source(%dma_start3A_770 : memref<624x128xf32, #tpu.memory_space<vmem_shared>>) target(%dma_start3A_768 : memref<624x128xf32, #tpu.memory_space<hbm>>) target_semaphore(%run_scoped3A : memref<!tpu.dma_semaphore, #tpu.memory_space<semaphore_mem>>)
      %dma_wait3A_771 = arith.constant 0 : i32
      %dma_wait3A_772 = tpu.memref_slice %arg5[%arg0, %mul3A_763, %dma_wait3A_771] : memref<2x10000x128xf32, #tpu.memory_space<hbm>> -> memref<1x624x128xf32, #tpu.memory_space<hbm>>
      %dma_wait3A_773 = tpu.memref_squeeze %dma_wait3A_772 : memref<1x624x128xf32, #tpu.memory_space<hbm>> -> memref<624x128xf32, #tpu.memory_space<hbm>>
      %dma_wait3A_774 = arith.constant 0 : i32
      %dma_wait3A_775 = tpu.memref_slice %arg10[%mul3A_761, %dma_wait3A_774] : memref<10112x128xf32, #tpu.memory_space<vmem_shared>> -> memref<624x128xf32, #tpu.memory_space<vmem_shared>>
      tpu.wait_dma2 semaphore(%run_scoped3A : memref<!tpu.dma_semaphore, #tpu.memory_space<semaphore_mem>>) src(%dma_wait3A_775 : memref<624x128xf32, #tpu.memory_space<vmem_shared>>) dst(%dma_wait3A_773 : memref<624x128xf32, #tpu.memory_space<hbm>>)
      tpu.yield
    }) : () -> ()
    %eq3A = arith.constant 15 : i32
    %eq3A_764 = arith.cmpi eq, %arg1, %eq3A : i32
    %convert_element_type3A = arith.extui %eq3A_764 : i1 to i32
    %cond3A = arith.constant 0 : i32
    %cond3A_765 = arith.cmpi ne, %convert_element_type3A, %cond3A : i32
    scf.if %cond3A_765 {
      "tpu.region"() ({
        %run_scoped3A = tpu.sem_alloc : memref<!tpu.dma_semaphore, #tpu.memory_space<semaphore_mem>>
        %dma_start3A_766 = arith.constant 9984 : i32
        %dma_start3A_767 = arith.constant 0 : i32
        %dma_start3A_768 = tpu.memref_slice %arg5[%arg0, %dma_start3A_766, %dma_start3A_767] : memref<2x10000x128xf32, #tpu.memory_space<hbm>> -> memref<1x16x128xf32, #tpu.memory_space<hbm>>
        %dma_start3A_769 = tpu.memref_squeeze %dma_start3A_768 : memref<1x16x128xf32, #tpu.memory_space<hbm>> -> memref<16x128xf32, #tpu.memory_space<hbm>>
        %dma_start3A_770 = arith.constant 9984 : i32
        %dma_start3A_771 = arith.constant 0 : i32
        %dma_start3A_772 = tpu.memref_slice %arg10[%dma_start3A_770, %dma_start3A_771] : memref<10112x128xf32, #tpu.memory_space<vmem_shared>> -> memref<16x128xf32, #tpu.memory_space<vmem_shared>>
        tpu.enqueue_dma source(%dma_start3A_772 : memref<16x128xf32, #tpu.memory_space<vmem_shared>>) target(%dma_start3A_769 : memref<16x128xf32, #tpu.memory_space<hbm>>) target_semaphore(%run_scoped3A : memref<!tpu.dma_semaphore, #tpu.memory_space<semaphore_mem>>)
        %dma_wait3A_773 = arith.constant 9984 : i32
        %dma_wait3A_774 = arith.constant 0 : i32
        %dma_wait3A_775 = tpu.memref_slice %arg5[%arg0, %dma_wait3A_773, %dma_wait3A_774] : memref<2x10000x128xf32, #tpu.memory_space<hbm>> -> memref<1x16x128xf32, #tpu.memory_space<hbm>>
        %dma_wait3A_776 = tpu.memref_squeeze %dma_wait3A_775 : memref<1x16x128xf32, #tpu.memory_space<hbm>> -> memref<16x128xf32, #tpu.memory_space<hbm>>
        %dma_wait3A_777 = arith.constant 9984 : i32
        %dma_wait3A_778 = arith.constant 0 : i32
        %dma_wait3A_779 = tpu.memref_slice %arg10[%dma_wait3A_777, %dma_wait3A_778] : memref<10112x128xf32, #tpu.memory_space<vmem_shared>> -> memref<16x128xf32, #tpu.memory_space<vmem_shared>>
        tpu.wait_dma2 semaphore(%run_scoped3A : memref<!tpu.dma_semaphore, #tpu.memory_space<semaphore_mem>>) src(%dma_wait3A_779 : memref<16x128xf32, #tpu.memory_space<vmem_shared>>) dst(%dma_wait3A_776 : memref<16x128xf32, #tpu.memory_space<hbm>>)
        tpu.yield
      }) : () -> ()
    } else {
    }
    return
  }
}

</mosaic_0001>

<sc_bundles>
// kernel: _sc_segment_sum.3.cloned.1.call-start
scs
__scs_entry_jumppad:
0x0: {  	(pc) =	sbr.rel $0x88, $3  }
0x1: {  	(tag) =	ssettag $0x0;
	lr =	simm.s32 $0x1  }
0x2: {  	[smem:$0x3F9E] =	sst lr;
	_ =	strace $0xD0000000  }
0x3: {  	_ = 	snop  }
0x4: {  	_ = 	snop  }
0x5: {  	_ = 	snop  }
0x6: {  	_ = 	snop  }
0x7: {  	_ = 	snop  }
__scs_overlays_trampoline_lowered:
0x8: {  	[smem:$0x3FAD] =	sst s0  }
0x9: {  	[smem:$0x3FAE] =	sst s1  }
0xa: {  	[smem:$0x3FAF] =	sst s2  }
0xb: {  	[smem:$0x3FB0] =	sst s3  }
0xc: {  	[smem:$0x3FB1] =	sst s4  }
0xd: {  	[smem:$0x3FB2] =	sst s5  }
0xe: {  	[smem:$0x3FB3] =	sst s6  }
0xf: {  	[smem:$0x3FB4] =	sst s7  }
0x10: {  	[smem:$0x3FB5] =	sst s8  }
0x11: {  	[smem:$0x3FB6] =	sst s9;
	s0 =	simm.s32 @!p0 $0x0  }
0x12: {  	s1 =	sld [smem:$0x3F9C];
	s0 =	simm.s32 @p0 $0x1  }
0x13: {  	[smem:$0x3FB7] =	sst s0;
	s0 =	simm.s32 @!p1 $0x0  }
0x14: {  	s2 =	sld [smem:$0x3F9B];
	s0 =	simm.s32 @p1 $0x1  }
0x15: {  	[smem:$0x3FB8] =	sst s0;
	s0 =	simm.s32 @!p2 $0x0  }
0x16: {  	s3 =	sld [smem:$0x3FDB];
	s0 =	simm.s32 @p2 $0x1  }
0x17: {  	s4 =	simm.s32 $0x1BF5;
	[smem:$0x3FBA] =	sst s0  }
0x18: {  	s0 =	sld [smem:$0x3F9D];
	_ =	swait.ge [sflag:s4], $0x0  }
0x19: {  	s7 =	sld [smem:$0x3F9E]  }
0x1a: {  	s8 =	sadd.s32 $0xFFFFE003, lr  }
0x1b: {  	s9 =	sadd.s32 $0xFFFFFEF7, lr;
	s5 =	simm.s32 $0xFFFFFFFF;
	p2 =	slt.u32 s8, $0xFFFFF086  }
0x1c: {  	p1 =	slt.u32 s9, $0xF7A;
	s5 =	simm.s32 @!p2 $0x0  }
0x1d: {  	s5 =	simm.s32 @p1 $0x1;
	p0 =	seq.s32 s7, s2  }
0x1e: {  	s7 =	smul.u32 @!p0 $0xF7A, s2;
	p2 =	seq.s32 @!p0 s5, $0x0  }
0x1f: {  	s9 =	smul.u32 $0xF7A, s1;
	s8 =	simm.s32 @!p0 $0x1BF5;
	p2 =	por !p2, p0  }
0x20: {  	[sflag:s8] =	ssyncset.s32 @!p0 $0xFFFFF086;
	s6 =	sadd.s32 @!p0 s3, s7;
	s7 =	simm.s32 @!p0 $0x108  }
0x21: {  	s3 =	sadd.s32 s3, s9;
	s6 =	sadd.s32 @!p0 $0x88, s6;
	s7 =	simm.s32 @p2 $0x1082  }
0x22: {  	[simem:s7], [sflag:s8] =	dma.local @!p0 [hbm:s6], $0xF7A  }
0x23: {  	s9 =	sor.u32 $0xD0000000, s2;
	s6 =	simm.s32 $0x108;
	_ =	swait.ge @!p0 [sflag:s8], $0x0  }
0x24: {  	s3 =	sadd.s32 $0x88, s3;
	s6 =	simm.s32 @!p1 $0x1082;
	[sflag:s4] =	ssyncset.s32 $0xFFFFF086  }
0x25: {  	[simem:s6], [sflag:s4] =	dma.local [hbm:s3], $0xF7A  }
0x26: {  	[smem:$0x3F9E] =	sst s1;
	(tag) =	ssettag s2;
	_ =	strace s9  }
0x27: {  	s1 =	sld [smem:$0x3FAE]  }
0x28: {  	s2 =	sld [smem:$0x3FAF]  }
0x29: {  	s4 =	sld [smem:$0x3FB1]  }
0x2a: {  	p0 =	seq.s32 s5, $0x0;
	s5 =	sld [smem:$0x3FB2]  }
0x2b: {  	s6 =	sld [smem:$0x3FB3]  }
0x2c: {  	s7 =	sld [smem:$0x3FB4]  }
0x2d: {  	s3 =	simm.s32 $0x108;
	s8 =	sld [smem:$0x3FB5]  }
0x2e: {  	s3 =	simm.s32 @!p0 $0x1082;
	s9 =	sld [smem:$0x3FB6]  }
0x2f: {  	lr =	sadd.s32 s0, s3;
	s0 =	sld [smem:$0x3FAD]  }
0x30: {  	s3 =	sld [smem:$0x3FB0]  }
0x31: {  	[smem:$0x3FB9] =	sst s10  }
0x32: {  	s10 =	sld [smem:$0x3FB7];
	_ =	sdelay $0x3  }
0x33: {  	p0 =	seq.s32 s10, $0x1;
	s10 =	sld [smem:$0x3FB9];
	_ =	sdelay $0x3  }
0x34: {  	[smem:$0x3FB9] =	sst s10  }
0x35: {  	s10 =	sld [smem:$0x3FB8];
	_ =	sdelay $0x3  }
0x36: {  	p1 =	seq.s32 s10, $0x1;
	s10 =	sld [smem:$0x3FB9];
	_ =	sdelay $0x3  }
0x37: {  	[smem:$0x3FB9] =	sst s10  }
0x38: {  	s10 =	sld [smem:$0x3FBA]  }
0x39: {  	_ = 	snop;
	(pc) =	sbr.ind lr, $3  }
0x3a: {  	_ = 	snop  }
0x3b: {  	_ = 	snop  }
0x3c: {  	p2 =	seq.s32 s10, $0x1;
	s10 =	sld [smem:$0x3FB9]  }
0x3d: {  	_ =	shalt  }
0x3e: {  	_ =	shalt  }
0x3f: {  	_ =	shalt  }
0x40: {  	_ =	shalt  }
0x41: {  	_ =	shalt  }
0x42: {  	_ =	shalt  }
0x43: {  	_ =	shalt  }
0x44: {  	_ =	shalt  }
0x45: {  	_ =	shalt  }
0x46: {  	_ =	shalt  }
0x47: {  	_ =	shalt  }
0x48: {  	_ =	shalt  }
0x49: {  	_ =	shalt  }
0x4a: {  	_ =	shalt  }
0x4b: {  	_ =	shalt  }
0x4c: {  	_ =	shalt  }
0x4d: {  	_ =	shalt  }
0x4e: {  	_ =	shalt  }
0x4f: {  	_ =	shalt  }
0x50: {  	_ =	shalt  }
0x51: {  	_ =	shalt  }
0x52: {  	_ =	shalt  }
0x53: {  	_ =	shalt  }
0x54: {  	_ =	shalt  }
0x55: {  	_ =	shalt  }
0x56: {  	_ =	shalt  }
0x57: {  	_ =	shalt  }
0x58: {  	_ =	shalt  }
0x59: {  	_ =	shalt  }
0x5a: {  	_ =	shalt  }
0x5b: {  	_ =	shalt  }
0x5c: {  	_ =	shalt  }
0x5d: {  	_ =	shalt  }
0x5e: {  	_ =	shalt  }
0x5f: {  	_ =	shalt  }
0x60: {  	_ =	shalt  }
0x61: {  	_ =	shalt  }
0x62: {  	_ =	shalt  }
0x63: {  	_ =	shalt  }
0x64: {  	_ =	shalt  }
0x65: {  	_ =	shalt  }
0x66: {  	_ =	shalt  }
0x67: {  	_ =	shalt  }
0x68: {  	_ =	shalt  }
0x69: {  	_ =	shalt  }
0x6a: {  	_ =	shalt  }
0x6b: {  	_ =	shalt  }
0x6c: {  	_ =	shalt  }
0x6d: {  	_ =	shalt  }
0x6e: {  	_ =	shalt  }
0x6f: {  	_ =	shalt  }
0x70: {  	_ =	shalt  }
0x71: {  	_ =	shalt  }
0x72: {  	_ =	shalt  }
0x73: {  	_ =	shalt  }
0x74: {  	_ =	shalt  }
0x75: {  	_ =	shalt  }
0x76: {  	_ =	shalt  }
0x77: {  	_ =	shalt  }
0x78: {  	_ =	shalt  }
0x79: {  	_ =	shalt  }
0x7a: {  	_ =	shalt  }
0x7b: {  	_ =	shalt  }
0x7c: {  	_ =	shalt  }
0x7d: {  	_ =	shalt  }
0x7e: {  	_ =	shalt  }
0x7f: {  	_ =	shalt  }
0x80: {  	_ =	shalt  }
0x81: {  	_ =	shalt  }
0x82: {  	_ =	shalt  }
0x83: {  	_ =	shalt  }
0x84: {  	_ =	shalt  }
0x85: {  	_ =	shalt  }
0x86: {  	_ =	shalt  }
0x87: {  	_ =	shalt  }
.Lfunc_end0:
.L_simem_size_0:
called_computation_lowered:
.L_overlay_start_0:
0x88: {  	s2 =	sld [smem:$0x3FD9]  }
0x89: {  	s3 =	sld [smem:$0x3FFE];
	_ =	sdelay $0x1  }
0x8a: {  	s1 =	srdreg.scid  }
0x8b: {  	s0 =	sand.u32 $0x1, s1  }
0x8c: {  	s18 =	sshll.u32 s0, $0xA;
	s2 =	sadd.s32 s3, s2  }
0x8d: {  	s2 =	sadd.s32 s2, s18  }
0x8e: {  	[smem:$0x3FC5] =	sst s2  }
0x8f: {  	_ = 	snop  }
0x90: {  	s2 =	sld [smem:$0x3FC9]  }
0x91: {  	s19 =	sld [smem:$0x3FC8]  }
0x92: {  	s4 =	sld [smem:$0x3FC7]  }
0x93: {  	s5 =	sld [smem:$0x3FD0];
	(tm) =	ssettm $0x1  }
0x94: {  	s6 =	sld [smem:$0x3FFB];
	_ =	sdelay $0x3  }
0x95: {  	_ =	strace s6  }
0x96: {  	s6 =	sld [smem:$0x3FFC];
	_ =	sdelay $0x3  }
0x97: {  	_ =	strace s6  }
0x98: {  	s6 =	sld [smem:$0x3FFD];
	_ =	sdelay $0x3  }
0x99: {  	_ =	strace s6  }
0x9a: {  	_ =	strace $0x8FFFFFFF  }
0x9b: {  	s20 =	sld [smem:$0x3FDB];
	_ =	sdelay $0x1  }
0x9c: {  	s7 =	simm.s32 $_scs_section_size  }
0x9d: {  	s8 =	simm.s32 $_size__tile_overlayer_lowered;
	s9 =	simm.s32 $_tile_overlayer_lowered  }
0x9e: {  	s23 =	simm.s32 $0x1BFF;
	s22 =	sshll.u32 s9, $0x1;
	s6 =	sadd.s32 s7, s20  }
0x9f: {  	s10 =	simm.s32 $0x0;
	s21 =	sshll.u32 s8, $0x1;
	s8 =	sadd.s32 s22, s6  }
0xa0: {  	[timem:s10], [sflag:s23] =	dma.local [hbm:s8], s21  }
0xa1: {  	_ =	swait.ge [sflag:s23], s21  }
0xa2: {  	s7 =	ssub.s32 $0x0, s21;
	[sflag:s23] =	ssyncset.done $0x0  }
0xa3: {  	[sflag:s23] =	ssyncadd.s32 s7;
	_ =	sdelay $0x1  }
0xa4: {  	s24 =	simm.s32 $0x1B8B  }
0xa5: {  	_ =	swait.ge [sflag:s24], $0x1  }
0xa6: {  	[sflag:s24] =	ssyncset.done $0x0  }
0xa7: {  	s25 =	simm.s32 $0x1B8E;
	[sflag:s24] =	ssyncadd.s32 $0xFFFFFFFF  }
0xa8: {  	s26 =	simm.s32 $execute0_lowered;
	[smem:$0x3FD2] =	sst s25  }
0xa9: {  	s7 =	sshll.u32 s26, $0x1;
	_ =	strace $0x80000046;
	[dreg:$0x1] =	wrdreg $0xFFFFFFFF  }
0xaa: {  	s28 =	simm.s32 $_size_execute0_lowered;
	s6 =	sadd.s32 s6, s7;
	[dreg:$0x0] =	wrdreg $0x0  }
0xab: {  	s7 =	sshll.u32 s28, $0x1;
	[dreg:$0x2] =	wrdreg s6  }
0xac: {  	[dreg:$0x3] =	wrdreg s7  }
0xad: {  	[dreg:$0x4] =	wrdreg $0xC0  }
0xae: {  	_ =	task [dreg:s10], $0x5FFFF  }
0xaf: {  	[dreg:$0x1] =	wrdreg $0xFFFFFFFF  }
0xb0: {  	[dreg:$0x0] =	wrdreg $0x60  }
0xb1: {  	[dreg:$0x2] =	wrdreg s2  }
0xb2: {  	[dreg:$0x3] =	wrdreg s19  }
0xb3: {  	[dreg:$0x4] =	wrdreg s4  }
0xb4: {  	[dreg:$0x5] =	wrdreg s5  }
0xb5: {  	[dreg:$0x6] =	wrdreg $0xB4000  }
0xb6: {  	[dreg:$0x7] =	wrdreg $0x9  }
0xb7: {  	_ =	task.clear_ibuf [dreg:s10], $0x8FFFF;
	_ =	strace $0x90000046  }
0xb8: {  	s29 =	simm.s32 $0x9;
	_ =	strace $0x80000048  }
0xb9: {  	_ =	swait.ge [sflag:s29], $0x1  }
0xba: {  	[sflag:s29] =	ssyncadd.s32 $0xFFFFFFFF  }
0xbb: {  	_ =	strace $0x90000048  }
0xbc: {  	_ =	sfence  }
0xbd: {  	s30 =	sld [smem:$0x0];
	_ =	sdelay $0x2  }
0xbe: {  	s31 =	sshll.u32 s1, $0xD;
	s1 =	sshrl.u32 s1, $0x2  }
0xbf: {  	s3 =	sand.u32 $0x4000, s31;
	s1 =	sadd.s32 s1, s30  }
0xc0: {  	s0 =	sor.u32 s3, s0;
	s1 =	sshll.u32 s1, $0x11  }
0xc1: {  	s0 =	sor.u32 s1, s0  }
0xc2: {  	s0 =	sadd.s32 $0x8F2B, s0  }
0xc3: {  	[sflag:s0] =	ssyncadd.remote.s32 $0x1  }
0xc4: {  	_ =	sfence.sel $0xFFFF  }
0xc5: {  	[dreg:$0x0] =	wrdreg $0xFFFFFFFF;
	(pc) =	sbr.abs _section_cstart, $3  }
0xc6: {  	[dreg:$0x1] =	wrdreg $0xFFFFFFFF  }
0xc7: {  	_ =	task.clear_ibuf [dreg:s10], $0x2FFFF;
	_ =	strace $0x9FFFFFFF  }
0xc8: {  	(tm) =	ssettm $0x7FFFFFFF  }
0xc9: {  	_ =	shalt  }
tec
execute0_lowered:
.L_overlay_start_1:
0x0: {  	(tag) =	ssettag $0x1  }
0x1: {  	s1 =	rddreg [dreg:$0x0]  }
0x2: {  	s0 =	rddreg [dreg:$0x1]  }
0x3: {  	s2 =	srdreg.scid;
	s4 =	rddreg [dreg:$0x2]  }
0x4: {  	s12 =	stileid.u32;
	s5 =	rddreg [dreg:$0x3]  }
0x5: {  	s8 =	simm.s32 $0x0;
	s11 =	simm.s32 $0xD;
	s13 =	simm.s32 $0x20  }
0x6: {  	s14 =	simm.s32 $0x5000;
	s15 =	simm.s32 $0x6000;
	s17 =	simm.s32 $0x7000  }
0x7: {  	s19 =	simm.s32 $0x8000;
	s28 =	simm.s32 $0x1;
	s29 =	simm.s32 $0x1F000  }
0x8: {  	s30 =	simm.s32 $0x2;
	s16 =	simm.s32 $0x4;
	s7 =	smul.u32 $0x4F000, s12  }
0x9: {  	s2 =	sand.u32 $0x1, s2;
	s3 =	sshll.u32 s12, $0x1;
	s10 =	smul.u32 $0x13800, s12  }
0xa: {  	[smem:$0x7FF] =	sst s8;
	s24 =	smul.u32 $0x4E000, s12;
	p0 =	sne.s32 s12, $0xF  }
0xb: {  	s12 =	simm.s32 $0x0;
	s6 =	sor.u32 s2, s3;
	s3 =	rddreg [dreg:$0x4]  }
0xc: {  	s20 =	ssub.s32 $0x2, s2;
	s2 =	smul.u32 $0x138800, s2;
	_ =	strace $0x80000047  }
0xd: {  	s6 =	smul.u32 $0x500, s6;
	s9 =	sshrl.u32 s20, $0x1;
	s22 =	sshrl.u32 s7, $0x2  }
0xe: {  	s26 =	sshrl.u32 s24, $0x2;
	s24 =	simm.s32 $0xB;
	s8 =	ssub.s32 s20, s9  }
0xf: {  	s23 =	sadd.s32 s10, s2;
	s7 =	sadd.s32 s22, s3;
	s2 =	sshrl.u32 s2, $0x3  }
0x10: {  	s20 =	simm.s32 $0x5;
	s9 =	simm.s32 $0x9;
	s10 =	simm.s32 $0xA  }
0x11: {  	s0 =	sadd.s32 s0, s6;
	s21 =	sadd.s32 s4, s6;
	s25 =	sshrl.u32 s23, $0x3  }
0x12: {  	s2 =	sadd.s32 s5, s2;
	s31 =	smax.u32 s8, $0x1;
	s23 =	simm.s32 $0xA000  }
0x13: {  	s6 =	simm.s32 $0x7;
	s8 =	simm.s32 $0x8;
	[dreg:$0x6] =	wrdreg s0  }
0x14: {  	[dreg:$0x7] =	wrdreg s21;
	s0 =	sadd.s32 s5, s25;
	s2 =	sadd.s32 $0x27000, s2  }
.Ltmp0:
0x15: {  	[dreg:$0xa] =	wrdreg s31;
	s21 =	simm.s32 $0x9000;
	(pc) =	sbr.rel .LBB2_1-.Ltmp0, $4  }
0x16: {  	s25 =	simm.s32 $0xC;
	[dreg:$0x8] =	wrdreg s0;
	s0 =	sadd.s32 s26, s3  }
0x17: {  	[dreg:$0x9] =	wrdreg s2;
	s2 =	sadd.s32 $0x138000, s3;
	s0 =	sshrl.u32 s0, $0x3  }
0x18: {  	s26 =	simm.s32 $0xB000;
	[dreg:$0xb] =	wrdreg s0;
	s0 =	sshrl.u32 @!p0 s2, $0x3  }
0x19: {  	v0 =	vimm.f32 $0.0e+00;
	s2 =	simm.s32 $0x3;
	[dreg:$0xc] =	wrdreg s0;
	s0 =	simm.s32 $0x6  }
.LBB2_6:
0x1a: {  	_ =	swait.ge [sflag:s6], $0x1000  }
0x1b: {  	[sflag:s6] =	ssyncset.done $0x0  }
0x1c: {  	[sflag:s6] =	ssyncadd.s32 $0xFFFFF000  }
0x1d: {  	_ =	swait.ge [sflag:s8], $0x1000  }
0x1e: {  	[sflag:s8] =	ssyncset.done $0x0  }
0x1f: {  	[sflag:s8] =	ssyncadd.s32 $0xFFFFF000  }
0x20: {  	_ =	swait.ge [sflag:s9], $0x1000  }
0x21: {  	[sflag:s9] =	ssyncset.done $0x0  }
0x22: {  	[sflag:s9] =	ssyncadd.s32 $0xFFFFF000  }
0x23: {  	_ =	swait.ge [sflag:s10], $0x1000  }
0x24: {  	[sflag:s10] =	ssyncset.done $0x0  }
0x25: {  	[sflag:s10] =	ssyncadd.s32 $0xFFFFF000  }
0x26: {  	_ =	swait.ge [sflag:s24], $0x1000  }
0x27: {  	[sflag:s24] =	ssyncset.done $0x0  }
0x28: {  	[sflag:s24] =	ssyncadd.s32 $0xFFFFF000  }
0x29: {  	_ =	swait.ge [sflag:s25], $0x1000  }
0x2a: {  	[sflag:s25] =	ssyncset.done $0x0  }
0x2b: {  	[sflag:s25] =	ssyncadd.s32 $0xFFFFF000  }
0x2c: {  	v1 =	vld [tilespmem:$0x4FC0]  }
0x2d: {  	v2 =	vld [tilespmem:$0x4FD0];
	_ =	sdelay $0x3  }
0x2e: {  	[tilespmem:$0x1F000] =	vst v1  }
0x2f: {  	s4 =	simm.s32 $0x27C0;
	[tilespmem:$0x1F010] =	vst v2  }
0x30: {  	[tilespmem:s14], [sflag:$0x1] =	stream.indirect.gather [hbm4b:s1+s13], $0x80, s4, s13, $0xb8;
	[tilespmem:$0x1F300] =	vst v63  }
0x31: {  	_ =	swait.ge [sflag:s28], $0x1000  }
0x32: {  	[sflag:s28] =	ssyncset.done $0x0  }
0x33: {  	[sflag:s28] =	ssyncadd.s32 $0xFFFFF000  }
0x34: {  	[spmem:s3] =	stream.indirect.scatter.add.f32 [tilespmem:s14], [sflag:$0x7], $0x80, s29, s13, $0xb8;
	[tilespmem:$0x1F300] =	vst v63  }
0x35: {  	_ =	swait.ge [sflag:s6], $0x1000  }
0x36: {  	[sflag:s6] =	ssyncset.done $0x0  }
0x37: {  	[sflag:s6] =	ssyncadd.s32 $0xFFFFF000  }
0x38: {  	v1 =	vld [tilespmem:$0x4FE0]  }
0x39: {  	v2 =	vld [tilespmem:$0x4FF0];
	_ =	sdelay $0x3  }
0x3a: {  	[tilespmem:$0x1F000] =	vst v1  }
0x3b: {  	s12 =	simm.s32 $0x27E0;
	[tilespmem:$0x1F010] =	vst v2  }
0x3c: {  	[tilespmem:s14], [sflag:$0x1] =	stream.indirect.gather [hbm4b:s1+s13], $0x80, s12, s13, $0xb8;
	[tilespmem:$0x1F300] =	vst v63  }
0x3d: {  	_ =	swait.ge [sflag:s28], $0x1000  }
0x3e: {  	[sflag:s28] =	ssyncset.done $0x0  }
0x3f: {  	[sflag:s28] =	ssyncadd.s32 $0xFFFFF000  }
0x40: {  	[spmem:s3] =	stream.indirect.scatter.add.f32 [tilespmem:s14], [sflag:$0x7], $0x80, s29, s13, $0xb8;
	[tilespmem:$0x1F300] =	vst v63  }
0x41: {  	_ =	swait.ge [sflag:s6], $0x1000  }
0x42: {  	[sflag:s6] =	ssyncset.done $0x0  }
0x43: {  	[sflag:s6] =	ssyncadd.s32 $0xFFFFF000  }
0x44: {  	s18 =	stileid.u32;
	[bflag:$0x0] =	sbarrier.arrive $0xFFFF  }
0x45: {  	s4 =	sshll.u32 s18, $0x6;
	s5 =	rddreg [dreg:$0x8]  }
0x46: {  	s4 =	sor.u32 $0x1C0D, s4;
	s12 =	rddreg [dreg:$0xb]  }
0x47: {  	[hbm:s5], [sflag:s4] =	dma.local [spmem:s12], $0x2700  }
0x48: {  	_ =	swait.ge [sflag:s11], $0x2700  }
0x49: {  	[sflag:s11] =	ssyncset.done $0x0;
	s5 =	rddreg [dreg:$0x9]  }
0x4a: {  	s12 =	rddreg [dreg:$0xc];
	[sflag:s11] =	ssyncadd.s32 $0xFFFFD900  }
0x4b: {  	[hbm:s5], [sflag:s4] =	dma.local @!p0 [spmem:s12], $0x100  }
0x4c: {  	s4 =	simm.s32 @!p0 $0xD  }
0x4d: {  	_ =	swait.ge @!p0 [sflag:s4], $0x100  }
0x4e: {  	s22 =	rddreg [dreg:$0xd]  }
0x4f: {  	s31 =	rddreg [dreg:$0xa];
	s12 =	sadd.s32 $0x1, s22  }
0x50: {  	p1 =	sne.s32 s12, s31  }
.Ltmp1:
0x51: {  	_ = 	snop;
	(pc) =	sbr.rel @!p1 .LBB2_7-.Ltmp1, $3  }
0x52: {  	_ =	sdelay $0x1  }
0x53: {  	[sflag:s4] =	ssyncset.done @!p0 $0x0  }
0x54: {  	[sflag:s4] =	ssyncadd.s32 @!p0 $0xFFFFFF00  }
.LBB2_1:
0x55: {  	[dreg:$0xd] =	wrdreg s12  }
0x56: {  	s4 =	simm.s32 $0x0;
	s5 =	rddreg [dreg:$0x6]  }
0x57: {  	[tilespmem:s4], [sflag:$0xD] =	stream.linear.gather [hbm4b:s5+s4], $0x2800, $0x38;
	[tilespmem:$0x1F300] =	vst v63  }
0x58: {  	_ =	swait.ge [sflag:s11], $0x2800  }
0x59: {  	[sflag:s11] =	ssyncset.done $0x0  }
0x5a: {  	s31 =	simm.s32 $0x2800;
	s22 =	rddreg [dreg:$0x7];
	[sflag:s11] =	ssyncadd.s32 $0xFFFFD800  }
0x5b: {  	[tilespmem:s31], [sflag:$0xD] =	stream.linear.gather [hbm4b:s22+s4], $0x2800, $0x38;
	[tilespmem:$0x1F300] =	vst v63  }
0x5c: {  	_ =	swait.ge [sflag:s11], $0x2800  }
0x5d: {  	[sflag:s11] =	ssyncset.done $0x0  }
0x5e: {  	[sflag:s11] =	ssyncadd.s32 $0xFFFFD800  }
0x5f: {  	[tilespmem:s14], [sflag:$0x1] =	stream.indirect.gather [hbm4b:s1+s13], $0x80, s4, s13, $0xb8;
	[tilespmem:$0x1F300] =	vst v63  }
0x60: {  	_ = 	snop  }
0x61: {  	[tilespmem:s15], [sflag:$0x2] =	stream.indirect.gather [hbm4b:s1+s13], $0x80, s13, s13, $0xb8;
	[tilespmem:$0x1F300] =	vst v63  }
0x62: {  	s5 =	simm.s32 $0x40  }
0x63: {  	[tilespmem:s17], [sflag:$0x3] =	stream.indirect.gather [hbm4b:s1+s13], $0x80, s5, s13, $0xb8;
	[tilespmem:$0x1F300] =	vst v63  }
0x64: {  	s12 =	simm.s32 $0x60  }
0x65: {  	[tilespmem:s19], [sflag:$0x4] =	stream.indirect.gather [hbm4b:s1+s13], $0x80, s12, s13, $0xb8;
	[tilespmem:$0x1F300] =	vst v63  }
0x66: {  	s18 =	simm.s32 $0x80  }
0x67: {  	[tilespmem:s21], [sflag:$0x5] =	stream.indirect.gather [hbm4b:s1+s13], $0x80, s18, s13, $0xb8;
	[tilespmem:$0x1F300] =	vst v63  }
0x68: {  	s22 =	simm.s32 $0xA0  }
0x69: {  	[tilespmem:s23], [sflag:$0x6] =	stream.indirect.gather [hbm4b:s1+s13], $0x80, s22, s13, $0xb8;
	[tilespmem:$0x1F300] =	vst v63  }
0x6a: {  	[tilespmem:$0xB000] =	vst v0  }
0x6b: {  	[tilespmem:$0xB010] =	vst v0  }
0x6c: {  	[tilespmem:$0xB020] =	vst v0  }
0x6d: {  	[tilespmem:$0xB030] =	vst v0  }
0x6e: {  	[tilespmem:$0xB040] =	vst v0  }
0x6f: {  	[tilespmem:$0xB050] =	vst v0  }
0x70: {  	[tilespmem:$0xB060] =	vst v0  }
0x71: {  	[tilespmem:$0xB070] =	vst v0  }
0x72: {  	[tilespmem:$0xB080] =	vst v0  }
0x73: {  	[tilespmem:$0xB090] =	vst v0  }
0x74: {  	[tilespmem:$0xB0A0] =	vst v0  }
0x75: {  	[tilespmem:$0xB0B0] =	vst v0  }
0x76: {  	[tilespmem:$0xB0C0] =	vst v0  }
0x77: {  	[tilespmem:$0xB0D0] =	vst v0  }
0x78: {  	[tilespmem:$0xB0E0] =	vst v0  }
0x79: {  	[tilespmem:$0xB0F0] =	vst v0  }
0x7a: {  	[tilespmem:$0xB100] =	vst v0  }
0x7b: {  	[tilespmem:$0xB110] =	vst v0  }
0x7c: {  	[tilespmem:$0xB120] =	vst v0  }
0x7d: {  	[tilespmem:$0xB130] =	vst v0  }
0x7e: {  	[tilespmem:$0xB140] =	vst v0  }
0x7f: {  	[tilespmem:$0xB150] =	vst v0  }
0x80: {  	[tilespmem:$0xB160] =	vst v0  }
0x81: {  	[tilespmem:$0xB170] =	vst v0  }
0x82: {  	[tilespmem:$0xB180] =	vst v0  }
0x83: {  	[tilespmem:$0xB190] =	vst v0  }
0x84: {  	[tilespmem:$0xB1A0] =	vst v0  }
0x85: {  	[tilespmem:$0xB1B0] =	vst v0  }
0x86: {  	[tilespmem:$0xB1C0] =	vst v0  }
0x87: {  	[tilespmem:$0xB1D0] =	vst v0  }
0x88: {  	[tilespmem:$0xB1E0] =	vst v0  }
0x89: {  	[tilespmem:$0xB1F0] =	vst v0  }
0x8a: {  	[tilespmem:$0xB200] =	vst v0  }
0x8b: {  	[tilespmem:$0xB210] =	vst v0  }
0x8c: {  	[tilespmem:$0xB220] =	vst v0  }
0x8d: {  	[tilespmem:$0xB230] =	vst v0  }
0x8e: {  	[tilespmem:$0xB240] =	vst v0  }
0x8f: {  	[tilespmem:$0xB250] =	vst v0  }
0x90: {  	[tilespmem:$0xB260] =	vst v0  }
0x91: {  	[tilespmem:$0xB270] =	vst v0  }
0x92: {  	[tilespmem:$0xB280] =	vst v0  }
0x93: {  	[tilespmem:$0xB290] =	vst v0  }
0x94: {  	[tilespmem:$0xB2A0] =	vst v0  }
0x95: {  	[tilespmem:$0xB2B0] =	vst v0  }
0x96: {  	[tilespmem:$0xB2C0] =	vst v0  }
0x97: {  	[tilespmem:$0xB2D0] =	vst v0  }
0x98: {  	[tilespmem:$0xB2E0] =	vst v0  }
0x99: {  	[tilespmem:$0xB2F0] =	vst v0  }
0x9a: {  	[tilespmem:$0xB300] =	vst v0  }
0x9b: {  	[tilespmem:$0xB310] =	vst v0  }
0x9c: {  	[tilespmem:$0xB320] =	vst v0  }
0x9d: {  	[tilespmem:$0xB330] =	vst v0  }
0x9e: {  	[tilespmem:$0xB340] =	vst v0  }
0x9f: {  	[tilespmem:$0xB350] =	vst v0  }
0xa0: {  	[tilespmem:$0xB360] =	vst v0  }
0xa1: {  	[tilespmem:$0xB370] =	vst v0  }
0xa2: {  	[tilespmem:$0xB380] =	vst v0  }
0xa3: {  	[tilespmem:$0xB390] =	vst v0  }
0xa4: {  	[tilespmem:$0xB3A0] =	vst v0  }
0xa5: {  	[tilespmem:$0xB3B0] =	vst v0  }
0xa6: {  	[tilespmem:$0xB3C0] =	vst v0  }
0xa7: {  	[tilespmem:$0xB3D0] =	vst v0  }
0xa8: {  	[tilespmem:$0xB3E0] =	vst v0  }
0xa9: {  	s31 =	sadd.s32 $0x0, s7;
	[tilespmem:$0xB3F0] =	vst v0  }
0xaa: {  	[spmem:s31] =	stream.linear.scatter [tilespmem:s26], [sflag:$0xD], $0x400, $0x38;
	[tilespmem:$0x1F300] =	vst v63  }
0xab: {  	s4 =	simm.s32 $0x1000;
	_ =	swait.ge [sflag:s11], $0x400  }
.LBB2_2:
0xac: {  	s12 =	sshra.s32 s4, $0x2;
	[sflag:s11] =	ssyncset.done $0x0;
	p1 =	sne.s32 s4, $0x4E000  }
.Ltmp2:
0xad: {  	s12 =	sadd.s32 s12, s7;
	[sflag:s11] =	ssyncadd.s32 $0xFFFFFC00;
	(pc) =	sbr.rel @p1 .LBB2_2-.Ltmp2, $3  }
0xae: {  	[spmem:s12] =	stream.linear.scatter [tilespmem:s26], [sflag:$0xD], $0x400, $0x38;
	[tilespmem:$0x1F300] =	vst v63  }
0xaf: {  	s4 =	sadd.s32 $0x1000, s4;
	_ =	sdelay $0x1  }
0xb0: {  	_ =	swait.ge [sflag:s11], $0x400  }
0xb1: {  	[sflag:s11] =	ssyncset.done $0x0  }
0xb2: {  	s4 =	simm.s32 $0x580;
	[sflag:s11] =	ssyncadd.s32 $0xFFFFFC00  }
0xb3: {  	s31 =	simm.s32 $0x160;
	s12 =	simm.s32 $0x0;
	[bflag:$0x0] =	sbarrier.arrive $0xFFFF  }
.LBB2_4:
0xb4: {  	s22 =	sadd.s32 $0xFFFFFEA0, s31  }
0xb5: {  	s18 =	sand.u32 $0x40, s12;
	s22 =	sand.u32 $0x3F80, s22  }
0xb6: {  	s22 =	sor.u32 s18, s22  }
0xb7: {  	v1 =	vld [tilespmem:s22+$0x2800];
	_ =	sdelay $0x4  }
0xb8: {  	[tilespmem:$0x1F000] =	vst v1  }
0xb9: {  	v1 =	vld [tilespmem:s22+$0x2810];
	_ =	sdelay $0x4  }
0xba: {  	[tilespmem:$0x1F010] =	vst v1  }
0xbb: {  	_ =	swait.ge [sflag:s28], $0x1000  }
0xbc: {  	[sflag:s28] =	ssyncset.done $0x0  }
0xbd: {  	[sflag:s28] =	ssyncadd.s32 $0xFFFFF000  }
0xbe: {  	[spmem:s3] =	stream.indirect.scatter.add.f32 [tilespmem:s14], [sflag:$0x7], $0x80, s29, s13, $0xb8;
	[tilespmem:$0x1F300] =	vst v63  }
0xbf: {  	v1 =	vld [tilespmem:s22+$0x2820];
	_ =	sdelay $0x4  }
0xc0: {  	[tilespmem:$0x1F080] =	vst v1  }
0xc1: {  	v1 =	vld [tilespmem:s22+$0x2830];
	_ =	sdelay $0x4  }
0xc2: {  	[tilespmem:$0x1F090] =	vst v1  }
0xc3: {  	_ =	swait.ge [sflag:s30], $0x1000  }
0xc4: {  	[sflag:s30] =	ssyncset.done $0x0  }
0xc5: {  	s5 =	simm.s32 $0x1F080;
	[sflag:s30] =	ssyncadd.s32 $0xFFFFF000  }
0xc6: {  	[spmem:s3] =	stream.indirect.scatter.add.f32 [tilespmem:s15], [sflag:$0x8], $0x80, s5, s13, $0xb8;
	[tilespmem:$0x1F300] =	vst v63  }
0xc7: {  	s5 =	sadd.s32 $0xFFFFFEE0, s31  }
0xc8: {  	s22 =	sand.u32 $0x7FC0, s5  }
0xc9: {  	v1 =	vld [tilespmem:s22+$0x2800];
	_ =	sdelay $0x4  }
0xca: {  	[tilespmem:$0x1F100] =	vst v1  }
0xcb: {  	v1 =	vld [tilespmem:s22+$0x2810];
	_ =	sdelay $0x4  }
0xcc: {  	[tilespmem:$0x1F110] =	vst v1  }
0xcd: {  	_ =	swait.ge [sflag:s2], $0x1000  }
0xce: {  	[sflag:s2] =	ssyncset.done $0x0  }
0xcf: {  	s5 =	sadd.s32 $0xFFFFFF00, s31;
	s22 =	simm.s32 $0x1F100;
	[sflag:s2] =	ssyncadd.s32 $0xFFFFF000  }
0xd0: {  	[spmem:s3] =	stream.indirect.scatter.add.f32 [tilespmem:s17], [sflag:$0x9], $0x80, s22, s13, $0xb8;
	[tilespmem:$0x1F300] =	vst v63  }
0xd1: {  	s22 =	sand.u32 $0x7FE0, s5  }
0xd2: {  	v1 =	vld [tilespmem:s22+$0x2800];
	_ =	sdelay $0x4  }
0xd3: {  	[tilespmem:$0x1F180] =	vst v1  }
0xd4: {  	v1 =	vld [tilespmem:s22+$0x2810];
	_ =	sdelay $0x4  }
0xd5: {  	[tilespmem:$0x1F190] =	vst v1  }
0xd6: {  	_ =	swait.ge [sflag:s16], $0x1000  }
0xd7: {  	[sflag:s16] =	ssyncset.done $0x0  }
0xd8: {  	s5 =	sadd.s32 $0xFFFFFF20, s31;
	s22 =	simm.s32 $0x1F180;
	[sflag:s16] =	ssyncadd.s32 $0xFFFFF000  }
0xd9: {  	[spmem:s3] =	stream.indirect.scatter.add.f32 [tilespmem:s19], [sflag:$0xA], $0x80, s22, s13, $0xb8;
	[tilespmem:$0x1F300] =	vst v63  }
0xda: {  	s22 =	sand.u32 $0x7F80, s5  }
0xdb: {  	s22 =	sor.u32 s18, s22  }
0xdc: {  	v1 =	vld [tilespmem:s22+$0x2800];
	_ =	sdelay $0x4  }
0xdd: {  	[tilespmem:$0x1F200] =	vst v1  }
0xde: {  	v1 =	vld [tilespmem:s22+$0x2810];
	_ =	sdelay $0x4  }
0xdf: {  	[tilespmem:$0x1F210] =	vst v1  }
0xe0: {  	_ =	swait.ge [sflag:s20], $0x1000  }
0xe1: {  	[sflag:s20] =	ssyncset.done $0x0  }
0xe2: {  	s5 =	sadd.s32 $0xFFFFFF40, s31;
	s22 =	simm.s32 $0x1F200;
	[sflag:s20] =	ssyncadd.s32 $0xFFFFF000  }
0xe3: {  	[spmem:s3] =	stream.indirect.scatter.add.f32 [tilespmem:s21], [sflag:$0xB], $0x80, s22, s13, $0xb8;
	[tilespmem:$0x1F300] =	vst v63  }
0xe4: {  	s22 =	sand.u32 $0x7FE0, s5  }
0xe5: {  	v1 =	vld [tilespmem:s22+$0x2800];
	_ =	sdelay $0x4  }
0xe6: {  	[tilespmem:$0x1F280] =	vst v1  }
0xe7: {  	v1 =	vld [tilespmem:s22+$0x2810];
	_ =	sdelay $0x3  }
0xe8: {  	p1 =	seq.s32 s31, $0x2860  }
.Ltmp3:
0xe9: {  	[tilespmem:$0x1F290] =	vst v1;
	(pc) =	sbr.rel @p1 .LBB2_6-.Ltmp3, $4  }
0xea: {  	_ =	swait.ge [sflag:s0], $0x1000  }
0xeb: {  	[sflag:s0] =	ssyncset.done $0x0  }
0xec: {  	s22 =	simm.s32 $0x1F280;
	[sflag:s0] =	ssyncadd.s32 $0xFFFFF000  }
0xed: {  	[spmem:s3] =	stream.indirect.scatter.add.f32 [tilespmem:s23], [sflag:$0xC], $0x80, s22, s13, $0xb8;
	[tilespmem:$0x1F300] =	vst v63  }
0xee: {  	s22 =	sadd.s32 $0xFFFFFD80, s4  }
0xef: {  	_ =	swait.ge [sflag:s6], $0x1000;
	s5 =	sadd.s32 $0xFFFFFF60, s31;
	s22 =	sand.u32 $0x1FE00, s22  }
0xf0: {  	[sflag:s6] =	ssyncset.done $0x0;
	s5 =	sand.u32 $0x40, s5;
	s22 =	sshrl.u32 s22, $0x2  }
0xf1: {  	[sflag:s6] =	ssyncadd.s32 $0xFFFFF000;
	s5 =	sor.u32 s5, s22  }
0xf2: {  	[tilespmem:s14], [sflag:$0x1] =	stream.indirect.gather [hbm4b:s1+s13], $0x80, s5, s13, $0xb8;
	[tilespmem:$0x1F300] =	vst v63  }
0xf3: {  	s5 =	sadd.s32 $0xFFFFFE00, s4  }
0xf4: {  	s22 =	sadd.s32 $0xFFFFFF80, s31;
	_ =	swait.ge [sflag:s8], $0x1000;
	s5 =	sand.u32 $0x1FE00, s5  }
0xf5: {  	s22 =	sand.u32 $0x60, s22;
	[sflag:s8] =	ssyncset.done $0x0;
	s5 =	sshrl.u32 s5, $0x2  }
0xf6: {  	[sflag:s8] =	ssyncadd.s32 $0xFFFFF000;
	s5 =	sor.u32 s22, s5;
	s22 =	sadd.s32 $0xFFFFFE80, s4  }
0xf7: {  	[tilespmem:s15], [sflag:$0x2] =	stream.indirect.gather [hbm4b:s1+s13], $0x80, s5, s13, $0xb8;
	[tilespmem:$0x1F300] =	vst v63  }
0xf8: {  	s5 =	sand.u32 $0x1FE00, s22;
	_ =	swait.ge [sflag:s9], $0x1000  }
0xf9: {  	s5 =	sshrl.u32 s5, $0x2;
	[sflag:s9] =	ssyncset.done $0x0  }
0xfa: {  	s5 =	sor.u32 s18, s5;
	s18 =	sadd.s32 $0xFFFFFF00, s4;
	[sflag:s9] =	ssyncadd.s32 $0xFFFFF000  }
0xfb: {  	[tilespmem:s17], [sflag:$0x3] =	stream.indirect.gather [hbm4b:s1+s13], $0x80, s5, s13, $0xb8;
	[tilespmem:$0x1F300] =	vst v63  }
0xfc: {  	s22 =	sadd.s32 $0xFFFFFFC0, s31;
	s5 =	sand.u32 $0x1FE00, s18;
	_ =	swait.ge [sflag:s10], $0x1000  }
0xfd: {  	s18 =	sand.u32 $0x60, s22;
	s5 =	sshrl.u32 s5, $0x2;
	[sflag:s10] =	ssyncset.done $0x0  }
0xfe: {  	s5 =	sor.u32 s18, s5;
	s18 =	sadd.s32 $0xFFFFFF80, s4;
	[sflag:s10] =	ssyncadd.s32 $0xFFFFF000  }
0xff: {  	[tilespmem:s19], [sflag:$0x4] =	stream.indirect.gather [hbm4b:s1+s13], $0x80, s5, s13, $0xb8;
	[tilespmem:$0x1F300] =	vst v63  }
0x100: {  	s22 =	sadd.s32 $0xFFFFFFE0, s31;
	s5 =	sand.u32 $0x1FE00, s18;
	_ =	swait.ge [sflag:s24], $0x1000  }
0x101: {  	s18 =	sand.u32 $0x40, s22;
	s5 =	sshrl.u32 s5, $0x2;
	[sflag:s24] =	ssyncset.done $0x0  }
0x102: {  	s5 =	sor.u32 s18, s5;
	[sflag:s24] =	ssyncadd.s32 $0xFFFFF000  }
0x103: {  	[tilespmem:s21], [sflag:$0x5] =	stream.indirect.gather [hbm4b:s1+s13], $0x80, s5, s13, $0xb8;
	[tilespmem:$0x1F300] =	vst v63  }
.Ltmp4:
0x104: {  	s12 =	sadd.s32 $0x40, s12;
	(pc) =	sbr.rel .LBB2_4-.Ltmp4, $4  }
0x105: {  	s22 =	sand.u32 $0x60, s31;
	s18 =	sand.u32 $0x1FE00, s4;
	_ =	swait.ge [sflag:s25], $0x1000  }
0x106: {  	s31 =	sadd.s32 $0xC0, s31;
	s5 =	sshrl.u32 s18, $0x2;
	[sflag:s25] =	ssyncset.done $0x0  }
0x107: {  	s4 =	sadd.s32 $0x300, s4;
	s5 =	sor.u32 s22, s5;
	[sflag:s25] =	ssyncadd.s32 $0xFFFFF000  }
0x108: {  	[tilespmem:s23], [sflag:$0x6] =	stream.indirect.gather [hbm4b:s1+s13], $0x80, s5, s13, $0xb8;
	[tilespmem:$0x1F300] =	vst v63  }
.LBB2_7:
0x109: {  	_ =	sfence.sel $0x180000  }
0x10a: {  	[bflag:$0x0] =	sbarrier.arrive $0xFFFF  }
0x10b: {  	_ =	strace $0x90000047  }
0x10c: {  	s0 =	stileid.u32;
	[bflag:$0x2] =	sbarrier.arrive $0xFFFF  }
0x10d: {  	p0 =	sne.s32 s0, $0x0;
	s0 =	rddreg [dreg:$0x5]  }
0x10e: {  	s0 =	sadd.s32 @!p0 $0x100000, s0  }
0x10f: {  	[sflag:s0] =	ssyncadd.tile.s32 @!p0 $0x1;
	_ =	shalt  }
.Lfunc_end2:
_tile_overlayer_lowered:
.L_overlay_start_2:
0x110: {  	(tag) =	ssettag $0x2  }
0x111: {  	s0 =	rddreg [dreg:$0x0];
	s2 =	stileid.u32  }
0x112: {  	s1 =	rddreg [dreg:$0x1];
	p0 =	sne.s32 s2, $0x0  }
0x113: {  	s3 =	rddreg [dreg:$0x2];
	[bflag:$0x3] =	sbarrier.arrive $0xFFFF;
	s2 =	simm.s32 @!p0 $0x1C0D  }
0x114: {  	[timem:s3], [sflag:s2] =	dma.local @!p0 [hbm:s0], s1  }
0x115: {  	s0 =	simm.s32 @!p0 $0xD  }
0x116: {  	_ =	swait.ge @!p0 [sflag:s0], s1  }
0x117: {  	s1 =	ssub.s32 @!p0 $0x0, s1;
	[sflag:s0] =	ssyncset.done @!p0 $0x0  }
0x118: {  	[sflag:s0] =	ssyncadd.s32 @!p0 s1  }
0x119: {  	[bflag:$0x3] =	sbarrier.arrive $0xFFFF  }
0x11a: {  	_ =	shalt  }

</sc_bundles>
